<compile_context>
chip_gen: v7x
topology: tpu7x:2x2x1
jax: 0.10.2.dev20260603
libtpu: 0.0.44.dev20260713+nightly
codegen_flags: <defaults>
</compile_context>

<pallas_src>
import functools

import jax
import jax.numpy as jnp
from jax import lax
from jax.experimental import pallas as pl
from jax.experimental.pallas import tpu as pltpu
from jax.experimental.pallas import tpu_sc as plsc

NC = 2
NS = 16
NW = NC * NS
LANES = 16


def _chunking(edges_per_tile, n):
    for k in (96, 80, 64, 48, 40, 32, 24, 16, 8):
        if edges_per_tile % k:
            continue
        nchunks = edges_per_tile // k
        words = NS * (edges_per_tile + nchunks * 128 + 2 * k * 128 + 2048)
        if words + 128 * n > 2_080_000:
            continue
        return k, nchunks
    raise ValueError(f"no chunking for {edges_per_tile}")


def _zero_fill(buf):
    rows, width = buf.shape
    z = jnp.zeros((LANES,), jnp.float32)

    @pl.loop(0, rows)
    def _(r):
        @pl.loop(0, width, step=LANES)
        def _(col):
            buf[r, pl.ds(col, LANES)] = z


def _stripes(n):
    base = (n // NS) // 8 * 8
    rem = n - NS * base
    assert rem % 8 == 0
    return base, rem


def _fill_stripe(scratch_buf, acc, stripe_base, nrows, ic):
    nfull, rem = nrows // ic, nrows % ic
    for i in range(nfull):
        pltpu.sync_copy(scratch_buf.at[pl.ds(0, ic)],
                        acc.at[pl.ds(stripe_base + i * ic, ic)])
    if rem:
        pltpu.sync_copy(scratch_buf.at[pl.ds(0, rem)],
                        acc.at[pl.ds(stripe_base + nfull * ic, rem)])


def _init_and_drain(k):
    ic = min(k, 96) // 8 * 8

    def init(scratch_buf, acc, s, base, rem):
        _fill_stripe(scratch_buf, acc, s * base, base, ic)
        if rem:
            @pl.when(s == NS - 1)
            def _():
                _fill_stripe(scratch_buf, acc, NS * base, rem, ic)

    def drain(acc, out_hbm, c, s, base, rem):
        pltpu.sync_copy(acc.at[pl.ds(s * base, base)],
                        out_hbm.at[c, pl.ds(s * base, base)])
        if rem:
            @pl.when(s == NS - 1)
            def _():
                pltpu.sync_copy(acc.at[pl.ds(NS * base, rem)],
                                out_hbm.at[c, pl.ds(NS * base, rem)])

    return init, drain


def _make_deg_kernel(n, nchunks, k):
    base, rem = _stripes(n)
    bufn = -(-max(base, k) // LANES) * LANES
    mesh = plsc.VectorSubcoreMesh(core_axis_name="c", subcore_axis_name="s")

    @functools.partial(
        pl.kernel,
        out_type=jax.ShapeDtypeStruct((NC, n), jnp.float32),
        mesh=mesh,
        scratch_types=[
            pltpu.VMEM((nchunks, k), jnp.int32),
            pltpu.VMEM((bufn,), jnp.float32),
            pltpu.VMEM_SHARED((n,), jnp.float32),
            pltpu.SemaphoreType.DMA,
        ],
    )
    def deg_kernel(dst_hbm, out_hbm, dstv, ones, acc, dsem):
        c = lax.axis_index("c")
        s = lax.axis_index("s")
        wid = s * NC + c
        z = jnp.zeros((LANES,), jnp.float32)

        @pl.loop(0, bufn, step=LANES)
        def _(col):
            ones[pl.ds(col, LANES)] = z

        pltpu.sync_copy(ones.at[pl.ds(0, base)], acc.at[pl.ds(s * base, base)])
        if rem:
            @pl.when(s == NS - 1)
            def _():
                pltpu.sync_copy(ones.at[pl.ds(0, rem)],
                                acc.at[pl.ds(NS * base, rem)])

        one = jnp.full((LANES,), 1.0, jnp.float32)

        @pl.loop(0, k, step=LANES)
        def _(col):
            ones[pl.ds(col, LANES)] = one

        ones_k = ones.at[pl.ds(0, k)]
        pltpu.sync_copy(dst_hbm.at[wid], dstv)
        plsc.subcore_barrier()

        nloop = nchunks // 2 * 2
        pltpu.async_copy(ones_k, acc.at[dstv.at[0]], dsem, add=True)

        @pl.loop(0, nloop, step=2)
        def _(j):
            pltpu.async_copy(ones_k, acc.at[dstv.at[j + 1]], dsem, add=True)
            pltpu.make_async_copy(ones_k, acc.at[dstv.at[j]], dsem).wait()

            @pl.when(j + 2 < nchunks)
            def _():
                pltpu.async_copy(ones_k, acc.at[dstv.at[j + 2]], dsem,
                                 add=True)

            pltpu.make_async_copy(ones_k, acc.at[dstv.at[j + 1]], dsem).wait()

        if nchunks % 2:
            pltpu.make_async_copy(ones_k, acc.at[dstv.at[nchunks - 1]],
                                  dsem).wait()

        plsc.subcore_barrier()

        @pl.when(s == 0)
        def _():
            pltpu.sync_copy(acc, out_hbm.at[c])

    return deg_kernel


def _make_agg_kernel(n, f, nchunks, k):
    base, rem = _stripes(n)
    init, drain = _init_and_drain(k)
    mesh = plsc.VectorSubcoreMesh(core_axis_name="c", subcore_axis_name="s")

    @functools.partial(
        pl.kernel,
        out_type=jax.ShapeDtypeStruct((NC, n, f), jnp.float32),
        mesh=mesh,
        scratch_types=[
            pltpu.VMEM((nchunks * k,), jnp.int32),
            pltpu.VMEM((nchunks, k), jnp.int32),
            pltpu.VMEM((2, k, f), jnp.float32),
            pltpu.VMEM_SHARED((n, f), jnp.float32),
            pltpu.SemaphoreType.DMA,
            pltpu.SemaphoreType.DMA,
        ],
    )
    def agg_kernel(tbl_hbm, src_hbm, dst_hbm, out_hbm, srcv, dstv, rows, acc,
                   sem0, sem1):
        c = lax.axis_index("c")
        s = lax.axis_index("s")
        wid = s * NC + c
        _zero_fill(rows.at[0])
        init(rows.at[0], acc, s, base, rem)
        pltpu.sync_copy(src_hbm.at[wid], srcv)
        pltpu.sync_copy(dst_hbm.at[wid], dstv)
        plsc.subcore_barrier()

        def gather(j, buf, sem):
            pltpu.async_copy(tbl_hbm.at[srcv.at[pl.ds(j * k, k)]],
                             rows.at[buf], sem)

        def gather_wait(buf, sem):
            pltpu.make_async_copy(tbl_hbm.at[srcv.at[pl.ds(0, k)]],
                                  rows.at[buf], sem).wait()

        def scatter(j, buf):
            pltpu.sync_copy(rows.at[buf], acc.at[dstv.at[j]], add=True)

        nloop = nchunks // 2 * 2
        gather(0, 0, sem0)

        @pl.loop(0, nloop, step=2)
        def _(j):
            gather(j + 1, 1, sem1)
            gather_wait(0, sem0)
            scatter(j, 0)

            @pl.when(j + 2 < nchunks)
            def _():
                gather(j + 2, 0, sem0)

            gather_wait(1, sem1)
            scatter(j + 1, 1)

        if nchunks % 2:
            gather_wait(0, sem0)
            scatter(nchunks - 1, 0)

        plsc.subcore_barrier()
        drain(acc, out_hbm, c, s, base, rem)

    return agg_kernel


def _prep_body(degp_ref, x_ref, dis_ref, xs_ref):
    d = degp_ref[0, :, 0:1] + degp_ref[1, :, 0:1] + 1.0
    dis = lax.rsqrt(d)
    dis_ref[...] = dis
    xs_ref[...] = x_ref[...] * dis


def _mid_body(p_ref, xs_ref, dis_ref, w1_ref, b1_ref, w2_ref, hs_ref):
    dis = dis_ref[...]
    agg = dis * (p_ref[0] + p_ref[1] + xs_ref[...])
    h1 = jnp.dot(agg, w1_ref[...], preferred_element_type=jnp.float32,
                 precision=lax.Precision.DEFAULT)
    h1 = jnp.maximum(h1 + b1_ref[...], 0.0)
    h2 = jnp.dot(h1, w2_ref[...], preferred_element_type=jnp.float32,
                 precision=lax.Precision.DEFAULT)
    hs_ref[...] = dis * h2


def _final_body(q_ref, hs_ref, dis_ref, b2_ref, out_ref, *, c_out):
    r = dis_ref[...] * (q_ref[0] + q_ref[1] + hs_ref[...]) + b2_ref[...]
    out_ref[...] = r[:, :c_out]


def kernel(x, edge_index, W1, b1, W2, b2):
    n, f_in = x.shape
    e = edge_index.shape[1]
    h = W1.shape[1]
    c_out = W2.shape[1]
    f2 = 128

    assert e % NW == 0 and n % 8 == 0
    ept = e // NW
    k, nchunks = _chunking(ept, n)

    src2 = edge_index[0].reshape(NW, nchunks * k)
    dst3 = edge_index[1].reshape(NW, nchunks, k)
    w2p = jnp.pad(W2, ((0, 0), (0, f2 - c_out)))
    b2p = jnp.pad(b2, (0, f2 - c_out)).reshape(1, f2)
    b1r = b1.reshape(1, h)

    degp = _make_deg_kernel(n, nchunks, k)(dst3)
    degp = degp.reshape(NC, n, 1)

    dis, xs = pl.pallas_call(
        _prep_body,
        out_shape=(jax.ShapeDtypeStruct((n, 1), jnp.float32),
                   jax.ShapeDtypeStruct((n, f_in), jnp.float32)),
    )(degp, x)

    p = _make_agg_kernel(n, f_in, nchunks, k)(xs, src2, dst3)

    nb = 2000
    grid = (n // nb,)
    hs = pl.pallas_call(
        _mid_body,
        grid=grid,
        in_specs=[
            pl.BlockSpec((NC, nb, f_in), lambda i: (0, i, 0)),
            pl.BlockSpec((nb, f_in), lambda i: (i, 0)),
            pl.BlockSpec((nb, 1), lambda i: (i, 0)),
            pl.BlockSpec((f_in, h), lambda i: (0, 0)),
            pl.BlockSpec((1, h), lambda i: (0, 0)),
            pl.BlockSpec((h, f2), lambda i: (0, 0)),
        ],
        out_specs=pl.BlockSpec((nb, f2), lambda i: (i, 0)),
        out_shape=jax.ShapeDtypeStruct((n, f2), jnp.float32),
    )(p, xs, dis, W1, b1r, w2p)

    q = _make_agg_kernel(n, f2, nchunks, k)(hs, src2, dst3)

    out = pl.pallas_call(
        functools.partial(_final_body, c_out=c_out),
        grid=grid,
        in_specs=[
            pl.BlockSpec((NC, nb, f2), lambda i: (0, i, 0)),
            pl.BlockSpec((nb, f2), lambda i: (i, 0)),
            pl.BlockSpec((nb, 1), lambda i: (i, 0)),
            pl.BlockSpec((1, f2), lambda i: (0, 0)),
        ],
        out_specs=pl.BlockSpec((nb, c_out), lambda i: (i, 0)),
        out_shape=jax.ShapeDtypeStruct((n, c_out), jnp.float32),
    )(q, hs, dis, b2p)

    return out

# --- scband reference (transcript-rebuilt; emitter-appended) ---
"""Pipeline reference for scband-gcn-27041114096322 (READ-ONLY COPY).

The authoritative reference and input builder live on the scoring server;
editing this copy changes nothing except your own understanding.
"""

import jax, jax.numpy as jnp
import numpy as np

N = 10000
E = 320000
F_IN = 128
H = 256
C = 40

def setup_inputs(seed: int = 0):
    key = jax.random.key(seed)
    k1, k2, k3, k4 = jax.random.split(key, 4)
    x = jax.random.normal(k1, (N, F_IN), dtype=jnp.float32)
    edge_index = jax.random.randint(k2, (2, E), 0, N, dtype=jnp.int32)
    W1 = jax.random.normal(k3, (F_IN, H), dtype=jnp.float32) * (1.0 / np.sqrt(F_IN))
    b1 = jnp.zeros((H,), dtype=jnp.float32)
    W2 = jax.random.normal(k4, (H, C), dtype=jnp.float32) * (1.0 / np.sqrt(H))
    b2 = jnp.zeros((C,), dtype=jnp.float32)
    return {"x": x, "edge_index": edge_index, "W1": W1, "b1": b1, "W2": W2, "b2": b2}

def gcn_conv(x, edge_index, W, b):
    # GCNConv: linear transform, add self-loops, symmetric normalization, scatter-add aggregate
    src = edge_index[0]
    dst = edge_index[1]
    loop = jnp.arange(N, dtype=edge_index.dtype)
    src = jnp.concatenate([src, loop])
    dst = jnp.concatenate([dst, loop])
    deg = jnp.zeros((N,), dtype=x.dtype).at[dst].add(1.0)
    deg_inv_sqrt = jnp.where(deg > 0, jax.lax.rsqrt(jnp.maximum(deg, 1e-12)), 0.0)
    norm = deg_inv_sqrt[src] * deg_inv_sqrt[dst]
    h = x @ W
    msg = h[src] * norm[:, None]
    out = jax.ops.segment_sum(msg, dst, num_segments=N)
    return out + b

def reference(x, edge_index, W1, b1, W2, b2):
    h = gcn_conv(x, edge_index, W1, b1)
    h = jax.nn.relu(h)
    # dropout is identity in eval mode (training=False)
    out = gcn_conv(h, edge_index, W2, b2)
    return out

if __name__ == "__main__":
    import jax
    _d = setup_inputs()
    print(jax.jit(kernel)(*tuple(_d.values())))

</pallas_src>

<mosaic_0001>
#map = affine_map<(d0, d1) -> (0, 0, 0)>
#map1 = affine_map<(d0, d1) -> (0, 0)>
module attributes {stable_mosaic.version = 14 : i64} {
  func.func @deg_kernel(%arg0: i32, %arg1: i32, %arg2: memref<32x125x80xi32, #tpu.memory_space<hbm>>, %arg3: memref<2x10000xf32, #tpu.memory_space<hbm>>, %arg4: memref<125x80xi32, #tpu.memory_space<vmem>>, %arg5: memref<624xf32, #tpu.memory_space<vmem>>, %arg6: memref<10000xf32, #tpu.memory_space<vmem_shared>>, %arg7: memref<!tpu.dma_semaphore, #tpu.memory_space<semaphore_mem>>) attributes {dimension_semantics = [#tpu.dimension_semantics<core_parallel>, #tpu.dimension_semantics<subcore_parallel>], iteration_bounds = array<i64: 2, 16>, scalar_prefetch = 0 : i64, scratch_operands = 4 : i64, tpu.core_type = #tpu.core_type<sc_vector_subcore>, window_params = [{transform_indices = #map}, {transform_indices = #map1}]} {
    %mul3A = arith.constant 2 : i32
    %mul3A_0 = arith.muli %arg1, %mul3A : i32
    %add3A = arith.addi %mul3A_0, %arg0 : i32
    %broadcast_in_dim3A = arith.constant 0.000000e+00 : f32
    %broadcast_in_dim3A_1 = vector.broadcast %broadcast_in_dim3A : f32 to vector<16xf32>
    %scan3A = arith.constant 0 : i32
    %scan3A_2 = arith.constant 39 : i32
    %scan3A_3 = arith.addi %scan3A, %scan3A_2 : i32
    %scan3A_4 = arith.constant 1 : i32
    scf.for %scan3A_42 = %scan3A to %scan3A_3 step %scan3A_4  : i32 {
      %mul3A_43 = arith.constant 16 : i32
      %mul3A_44 = arith.muli %scan3A_42, %mul3A_43 : i32
      %add3A_45 = arith.constant 0 : i32
      %add3A_46 = arith.addi %add3A_45, %mul3A_44 : i32
      %swap3A = arith.index_cast %add3A_46 : i32 to index
      %swap3A_47 = tpu.vector_load %arg5[%swap3A] {strides = array<i32>} : memref<624xf32, #tpu.memory_space<vmem>>, vector<16xf32>,
      %swap3A_48 = vector.shape_cast %swap3A_47 : vector<16xf32> to vector<16xf32>
      %swap3A_49 = vector.shape_cast %broadcast_in_dim3A_1 : vector<16xf32> to vector<16xf32>
      tpu.vector_store %arg5[%swap3A], %swap3A_49 {strides = array<i32>} : memref<624xf32, #tpu.memory_space<vmem>>, vector<16xf32>,
    }
    %scan3A_5 = arith.constant 39 : i32
    %mul3A_6 = arith.constant 624 : i32
    %mul3A_7 = arith.muli %arg1, %mul3A_6 : i32
    "tpu.region"() ({
      %run_scoped3A = tpu.sem_alloc : memref<!tpu.dma_semaphore, #tpu.memory_space<semaphore_mem>>
      %dma_start3A_42 = arith.constant 0 : i32
      %dma_start3A_43 = tpu.memref_slice %arg5[%dma_start3A_42] : memref<624xf32, #tpu.memory_space<vmem>> -> memref<624xf32, #tpu.memory_space<vmem>>
      %dma_start3A_44 = tpu.memref_slice %arg6[%mul3A_7] : memref<10000xf32, #tpu.memory_space<vmem_shared>> -> memref<624xf32, #tpu.memory_space<vmem_shared>>
      %dma_start3A_45 = tpu.memref_slice %arg6[%mul3A_7] : memref<10000xf32, #tpu.memory_space<vmem_shared>> -> memref<624xf32, #tpu.memory_space<vmem_shared>>
      %dma_start3A_46 = arith.constant 0 : i32
      %dma_start3A_47 = tpu.memref_slice %arg5[%dma_start3A_46] : memref<624xf32, #tpu.memory_space<vmem>> -> memref<624xf32, #tpu.memory_space<vmem>>
      tpu.enqueue_dma source(%dma_start3A_47 : memref<624xf32, #tpu.memory_space<vmem>>) target(%dma_start3A_45 : memref<624xf32, #tpu.memory_space<vmem_shared>>) target_semaphore(%run_scoped3A : memref<!tpu.dma_semaphore, #tpu.memory_space<semaphore_mem>>)
      %dma_wait3A_48 = arith.constant 0 : i32
      %dma_wait3A_49 = tpu.memref_slice %arg5[%dma_wait3A_48] : memref<624xf32, #tpu.memory_space<vmem>> -> memref<624xf32, #tpu.memory_space<vmem>>
      %dma_wait3A_50 = tpu.memref_slice %arg6[%mul3A_7] : memref<10000xf32, #tpu.memory_space<vmem_shared>> -> memref<624xf32, #tpu.memory_space<vmem_shared>>
      %dma_wait3A_51 = tpu.memref_slice %arg6[%mul3A_7] : memref<10000xf32, #tpu.memory_space<vmem_shared>> -> memref<624xf32, #tpu.memory_space<vmem_shared>>
      %dma_wait3A_52 = arith.constant 0 : i32
      %dma_wait3A_53 = tpu.memref_slice %arg5[%dma_wait3A_52] : memref<624xf32, #tpu.memory_space<vmem>> -> memref<624xf32, #tpu.memory_space<vmem>>
      tpu.wait_dma2 semaphore(%run_scoped3A : memref<!tpu.dma_semaphore, #tpu.memory_space<semaphore_mem>>) src(%dma_wait3A_53 : memref<624xf32, #tpu.memory_space<vmem>>) dst(%dma_wait3A_51 : memref<624xf32, #tpu.memory_space<vmem_shared>>)
      tpu.yield
    }) : () -> ()
    %eq3A = arith.constant 15 : i32
    %eq3A_8 = arith.cmpi eq, %arg1, %eq3A : i32
    %convert_element_type3A = arith.extui %eq3A_8 : i1 to i32
    %cond3A = arith.constant 0 : i32
    %cond3A_9 = arith.cmpi ne, %convert_element_type3A, %cond3A : i32
    scf.if %cond3A_9 {
      "tpu.region"() ({
        %run_scoped3A = tpu.sem_alloc : memref<!tpu.dma_semaphore, #tpu.memory_space<semaphore_mem>>
        %dma_start3A_42 = arith.constant 0 : i32
        %dma_start3A_43 = tpu.memref_slice %arg5[%dma_start3A_42] : memref<624xf32, #tpu.memory_space<vmem>> -> memref<16xf32, #tpu.memory_space<vmem>>
        %dma_start3A_44 = arith.constant 9984 : i32
        %dma_start3A_45 = tpu.memref_slice %arg6[%dma_start3A_44] : memref<10000xf32, #tpu.memory_space<vmem_shared>> -> memref<16xf32, #tpu.memory_space<vmem_shared>>
        %dma_start3A_46 = arith.constant 9984 : i32
        %dma_start3A_47 = tpu.memref_slice %arg6[%dma_start3A_46] : memref<10000xf32, #tpu.memory_space<vmem_shared>> -> memref<16xf32, #tpu.memory_space<vmem_shared>>
        %dma_start3A_48 = arith.constant 0 : i32
        %dma_start3A_49 = tpu.memref_slice %arg5[%dma_start3A_48] : memref<624xf32, #tpu.memory_space<vmem>> -> memref<16xf32, #tpu.memory_space<vmem>>
        tpu.enqueue_dma source(%dma_start3A_49 : memref<16xf32, #tpu.memory_space<vmem>>) target(%dma_start3A_47 : memref<16xf32, #tpu.memory_space<vmem_shared>>) target_semaphore(%run_scoped3A : memref<!tpu.dma_semaphore, #tpu.memory_space<semaphore_mem>>)
        %dma_wait3A_50 = arith.constant 0 : i32
        %dma_wait3A_51 = tpu.memref_slice %arg5[%dma_wait3A_50] : memref<624xf32, #tpu.memory_space<vmem>> -> memref<16xf32, #tpu.memory_space<vmem>>
        %dma_wait3A_52 = arith.constant 9984 : i32
        %dma_wait3A_53 = tpu.memref_slice %arg6[%dma_wait3A_52] : memref<10000xf32, #tpu.memory_space<vmem_shared>> -> memref<16xf32, #tpu.memory_space<vmem_shared>>
        %dma_wait3A_54 = arith.constant 9984 : i32
        %dma_wait3A_55 = tpu.memref_slice %arg6[%dma_wait3A_54] : memref<10000xf32, #tpu.memory_space<vmem_shared>> -> memref<16xf32, #tpu.memory_space<vmem_shared>>
        %dma_wait3A_56 = arith.constant 0 : i32
        %dma_wait3A_57 = tpu.memref_slice %arg5[%dma_wait3A_56] : memref<624xf32, #tpu.memory_space<vmem>> -> memref<16xf32, #tpu.memory_space<vmem>>
        tpu.wait_dma2 semaphore(%run_scoped3A : memref<!tpu.dma_semaphore, #tpu.memory_space<semaphore_mem>>) src(%dma_wait3A_57 : memref<16xf32, #tpu.memory_space<vmem>>) dst(%dma_wait3A_55 : memref<16xf32, #tpu.memory_space<vmem_shared>>)
        tpu.yield
      }) : () -> ()
    } else {
    }
    %broadcast_in_dim3A_10 = arith.constant 1.000000e+00 : f32
    %broadcast_in_dim3A_11 = vector.broadcast %broadcast_in_dim3A_10 : f32 to vector<16xf32>
    %scan3A_12 = arith.constant 0 : i32
    %scan3A_13 = arith.constant 5 : i32
    %scan3A_14 = arith.addi %scan3A_12, %scan3A_13 : i32
    %scan3A_15 = arith.constant 1 : i32
    scf.for %scan3A_42 = %scan3A_12 to %scan3A_14 step %scan3A_15  : i32 {
      %mul3A_43 = arith.constant 16 : i32
      %mul3A_44 = arith.muli %scan3A_42, %mul3A_43 : i32
      %add3A_45 = arith.constant 0 : i32
      %add3A_46 = arith.addi %add3A_45, %mul3A_44 : i32
      %swap3A = arith.index_cast %add3A_46 : i32 to index
      %swap3A_47 = tpu.vector_load %arg5[%swap3A] {strides = array<i32>} : memref<624xf32, #tpu.memory_space<vmem>>, vector<16xf32>,
      %swap3A_48 = vector.shape_cast %swap3A_47 : vector<16xf32> to vector<16xf32>
      %swap3A_49 = vector.shape_cast %broadcast_in_dim3A_11 : vector<16xf32> to vector<16xf32>
      tpu.vector_store %arg5[%swap3A], %swap3A_49 {strides = array<i32>} : memref<624xf32, #tpu.memory_space<vmem>>, vector<16xf32>,
    }
    %scan3A_16 = arith.constant 5 : i32
    "tpu.region"() ({
      %run_scoped3A = tpu.sem_alloc : memref<!tpu.dma_semaphore, #tpu.memory_space<semaphore_mem>>
      %dma_start3A_42 = arith.constant 0 : i32
      %dma_start3A_43 = arith.constant 0 : i32
      %dma_start3A_44 = tpu.memref_slice %arg2[%add3A, %dma_start3A_42, %dma_start3A_43] : memref<32x125x80xi32, #tpu.memory_space<hbm>> -> memref<1x125x80xi32, #tpu.memory_space<hbm>>
      %dma_start3A_45 = tpu.memref_squeeze %dma_start3A_44 : memref<1x125x80xi32, #tpu.memory_space<hbm>> -> memref<125x80xi32, #tpu.memory_space<hbm>>
      %dma_start3A_46 = arith.constant 0 : i32
      %dma_start3A_47 = arith.constant 0 : i32
      %dma_start3A_48 = tpu.memref_slice %arg2[%add3A, %dma_start3A_46, %dma_start3A_47] : memref<32x125x80xi32, #tpu.memory_space<hbm>> -> memref<1x125x80xi32, #tpu.memory_space<hbm>>
      %dma_start3A_49 = tpu.memref_squeeze %dma_start3A_48 : memref<1x125x80xi32, #tpu.memory_space<hbm>> -> memref<125x80xi32, #tpu.memory_space<hbm>>
      tpu.enqueue_dma source(%dma_start3A_49 : memref<125x80xi32, #tpu.memory_space<hbm>>) target(%arg4 : memref<125x80xi32, #tpu.memory_space<vmem>>) target_semaphore(%run_scoped3A : memref<!tpu.dma_semaphore, #tpu.memory_space<semaphore_mem>>)
      %dma_wait3A_50 = arith.constant 0 : i32
      %dma_wait3A_51 = arith.constant 0 : i32
      %dma_wait3A_52 = tpu.memref_slice %arg2[%add3A, %dma_wait3A_50, %dma_wait3A_51] : memref<32x125x80xi32, #tpu.memory_space<hbm>> -> memref<1x125x80xi32, #tpu.memory_space<hbm>>
      %dma_wait3A_53 = tpu.memref_squeeze %dma_wait3A_52 : memref<1x125x80xi32, #tpu.memory_space<hbm>> -> memref<125x80xi32, #tpu.memory_space<hbm>>
      %dma_wait3A_54 = arith.constant 0 : i32
      %dma_wait3A_55 = arith.constant 0 : i32
      %dma_wait3A_56 = tpu.memref_slice %arg2[%add3A, %dma_wait3A_54, %dma_wait3A_55] : memref<32x125x80xi32, #tpu.memory_space<hbm>> -> memref<1x125x80xi32, #tpu.memory_space<hbm>>
      %dma_wait3A_57 = tpu.memref_squeeze %dma_wait3A_56 : memref<1x125x80xi32, #tpu.memory_space<hbm>> -> memref<125x80xi32, #tpu.memory_space<hbm>>
      tpu.wait_dma2 semaphore(%run_scoped3A : memref<!tpu.dma_semaphore, #tpu.memory_space<semaphore_mem>>) src(%dma_wait3A_57 : memref<125x80xi32, #tpu.memory_space<hbm>>) dst(%arg4 : memref<125x80xi32, #tpu.memory_space<vmem>>)
      tpu.yield
    }) : () -> ()
    %barrier3A = arith.constant 0 : index
    tpu.barrier barrier_id(%barrier3A)
    %dma_start3A = arith.constant 0 : i32
    %dma_start3A_17 = arith.constant 0 : i32
    %dma_start3A_18 = tpu.memref_slice %arg5[%dma_start3A_17] : memref<624xf32, #tpu.memory_space<vmem>> -> memref<80xf32, #tpu.memory_space<vmem>>
    %dma_start3A_19 = arith.constant 0 : i32
    %dma_start3A_20 = tpu.memref_slice %arg4[%dma_start3A, %dma_start3A_19] : memref<125x80xi32, #tpu.memory_space<vmem>> -> memref<1x80xi32, #tpu.memory_space<vmem>>
    %dma_start3A_21 = tpu.memref_squeeze %dma_start3A_20 : memref<1x80xi32, #tpu.memory_space<vmem>> -> memref<80xi32, #tpu.memory_space<vmem>>
    %dma_start3A_22 = arith.constant 0 : i32
    %dma_start3A_23 = tpu.memref_slice %arg6[%dma_start3A_22] : memref<10000xf32, #tpu.memory_space<vmem_shared>> -> memref<10000xf32, #tpu.memory_space<vmem_shared>>
    tpu.enqueue_indirect_dma source(%dma_start3A_18 : memref<80xf32, #tpu.memory_space<vmem>>) target(%dma_start3A_23 : memref<10000xf32, #tpu.memory_space<vmem_shared>>) offsets(%dma_start3A_21 : memref<80xi32, #tpu.memory_space<vmem>>) semaphore(%arg7 : memref<!tpu.dma_semaphore, #tpu.memory_space<semaphore_mem>>) {add = true}
    %scan3A_24 = arith.constant 0 : i32
    %scan3A_25 = arith.constant 62 : i32
    %scan3A_26 = arith.addi %scan3A_24, %scan3A_25 : i32
    %scan3A_27 = arith.constant 1 : i32
    scf.for %scan3A_42 = %scan3A_24 to %scan3A_26 step %scan3A_27  : i32 {
      %mul3A_43 = arith.constant 2 : i32
      %mul3A_44 = arith.muli %scan3A_42, %mul3A_43 : i32
      %add3A_45 = arith.constant 0 : i32
      %add3A_46 = arith.addi %add3A_45, %mul3A_44 : i32
      %add3A_47 = arith.constant 1 : i32
      %add3A_48 = arith.addi %add3A_46, %add3A_47 : i32
      %dma_start3A_49 = arith.constant 0 : i32
      %dma_start3A_50 = tpu.memref_slice %arg5[%dma_start3A_49] : memref<624xf32, #tpu.memory_space<vmem>> -> memref<80xf32, #tpu.memory_space<vmem>>
      %dma_start3A_51 = arith.constant 0 : i32
      %dma_start3A_52 = tpu.memref_slice %arg4[%add3A_48, %dma_start3A_51] : memref<125x80xi32, #tpu.memory_space<vmem>> -> memref<1x80xi32, #tpu.memory_space<vmem>>
      %dma_start3A_53 = tpu.memref_squeeze %dma_start3A_52 : memref<1x80xi32, #tpu.memory_space<vmem>> -> memref<80xi32, #tpu.memory_space<vmem>>
      %dma_start3A_54 = arith.constant 0 : i32
      %dma_start3A_55 = tpu.memref_slice %arg6[%dma_start3A_54] : memref<10000xf32, #tpu.memory_space<vmem_shared>> -> memref<10000xf32, #tpu.memory_space<vmem_shared>>
      tpu.enqueue_indirect_dma source(%dma_start3A_50 : memref<80xf32, #tpu.memory_space<vmem>>) target(%dma_start3A_55 : memref<10000xf32, #tpu.memory_space<vmem_shared>>) offsets(%dma_start3A_53 : memref<80xi32, #tpu.memory_space<vmem>>) semaphore(%arg7 : memref<!tpu.dma_semaphore, #tpu.memory_space<semaphore_mem>>) {add = true}
      %dma_wait3A_56 = arith.constant 0 : i32
      %dma_wait3A_57 = tpu.memref_slice %arg5[%dma_wait3A_56] : memref<624xf32, #tpu.memory_space<vmem>> -> memref<80xf32, #tpu.memory_space<vmem>>
      %dma_wait3A_58 = arith.constant 0 : i32
      %dma_wait3A_59 = tpu.memref_slice %arg4[%add3A_46, %dma_wait3A_58] : memref<125x80xi32, #tpu.memory_space<vmem>> -> memref<1x80xi32, #tpu.memory_space<vmem>>
      %dma_wait3A_60 = tpu.memref_squeeze %dma_wait3A_59 : memref<1x80xi32, #tpu.memory_space<vmem>> -> memref<80xi32, #tpu.memory_space<vmem>>
      %dma_wait3A_61 = arith.constant 0 : i32
      %dma_wait3A_62 = tpu.memref_slice %arg6[%dma_wait3A_61] : memref<10000xf32, #tpu.memory_space<vmem_shared>> -> memref<10000xf32, #tpu.memory_space<vmem_shared>>
      tpu.wait_indirect_dma semaphore(%arg7 : memref<!tpu.dma_semaphore, #tpu.memory_space<semaphore_mem>>) src(%dma_wait3A_57 : memref<80xf32, #tpu.memory_space<vmem>>) dst(%dma_wait3A_62 : memref<10000xf32, #tpu.memory_space<vmem_shared>>)
      %add3A_63 = arith.constant 2 : i32
      %add3A_64 = arith.addi %add3A_46, %add3A_63 : i32
      %lt3A = arith.constant 125 : i32
      %lt3A_65 = arith.cmpi slt, %add3A_64, %lt3A : i32
      %convert_element_type3A_66 = arith.extui %lt3A_65 : i1 to i32
      %cond3A_67 = arith.constant 0 : i32
      %cond3A_68 = arith.cmpi ne, %convert_element_type3A_66, %cond3A_67 : i32
      scf.if %cond3A_68 {
        %add3A_78 = arith.constant 2 : i32
        %add3A_79 = arith.addi %add3A_46, %add3A_78 : i32
        %dma_start3A_80 = arith.constant 0 : i32
        %dma_start3A_81 = tpu.memref_slice %arg5[%dma_start3A_80] : memref<624xf32, #tpu.memory_space<vmem>> -> memref<80xf32, #tpu.memory_space<vmem>>
        %dma_start3A_82 = arith.constant 0 : i32
        %dma_start3A_83 = tpu.memref_slice %arg4[%add3A_79, %dma_start3A_82] : memref<125x80xi32, #tpu.memory_space<vmem>> -> memref<1x80xi32, #tpu.memory_space<vmem>>
        %dma_start3A_84 = tpu.memref_squeeze %dma_start3A_83 : memref<1x80xi32, #tpu.memory_space<vmem>> -> memref<80xi32, #tpu.memory_space<vmem>>
        %dma_start3A_85 = arith.constant 0 : i32
        %dma_start3A_86 = tpu.memref_slice %arg6[%dma_start3A_85] : memref<10000xf32, #tpu.memory_space<vmem_shared>> -> memref<10000xf32, #tpu.memory_space<vmem_shared>>
        tpu.enqueue_indirect_dma source(%dma_start3A_81 : memref<80xf32, #tpu.memory_space<vmem>>) target(%dma_start3A_86 : memref<10000xf32, #tpu.memory_space<vmem_shared>>) offsets(%dma_start3A_84 : memref<80xi32, #tpu.memory_space<vmem>>) semaphore(%arg7 : memref<!tpu.dma_semaphore, #tpu.memory_space<semaphore_mem>>) {add = true}
      } else {
      }
      %add3A_69 = arith.constant 1 : i32
      %add3A_70 = arith.addi %add3A_46, %add3A_69 : i32
      %dma_wait3A_71 = arith.constant 0 : i32
      %dma_wait3A_72 = tpu.memref_slice %arg5[%dma_wait3A_71] : memref<624xf32, #tpu.memory_space<vmem>> -> memref<80xf32, #tpu.memory_space<vmem>>
      %dma_wait3A_73 = arith.constant 0 : i32
      %dma_wait3A_74 = tpu.memref_slice %arg4[%add3A_70, %dma_wait3A_73] : memref<125x80xi32, #tpu.memory_space<vmem>> -> memref<1x80xi32, #tpu.memory_space<vmem>>
      %dma_wait3A_75 = tpu.memref_squeeze %dma_wait3A_74 : memref<1x80xi32, #tpu.memory_space<vmem>> -> memref<80xi32, #tpu.memory_space<vmem>>
      %dma_wait3A_76 = arith.constant 0 : i32
      %dma_wait3A_77 = tpu.memref_slice %arg6[%dma_wait3A_76] : memref<10000xf32, #tpu.memory_space<vmem_shared>> -> memref<10000xf32, #tpu.memory_space<vmem_shared>>
      tpu.wait_indirect_dma semaphore(%arg7 : memref<!tpu.dma_semaphore, #tpu.memory_space<semaphore_mem>>) src(%dma_wait3A_72 : memref<80xf32, #tpu.memory_space<vmem>>) dst(%dma_wait3A_77 : memref<10000xf32, #tpu.memory_space<vmem_shared>>)
    }
    %scan3A_28 = arith.constant 62 : i32
    %dma_wait3A = arith.constant 124 : i32
    %dma_wait3A_29 = arith.constant 0 : i32
    %dma_wait3A_30 = tpu.memref_slice %arg5[%dma_wait3A_29] : memref<624xf32, #tpu.memory_space<vmem>> -> memref<80xf32, #tpu.memory_space<vmem>>
    %dma_wait3A_31 = arith.constant 0 : i32
    %dma_wait3A_32 = tpu.memref_slice %arg4[%dma_wait3A, %dma_wait3A_31] : memref<125x80xi32, #tpu.memory_space<vmem>> -> memref<1x80xi32, #tpu.memory_space<vmem>>
    %dma_wait3A_33 = tpu.memref_squeeze %dma_wait3A_32 : memref<1x80xi32, #tpu.memory_space<vmem>> -> memref<80xi32, #tpu.memory_space<vmem>>
    %dma_wait3A_34 = arith.constant 0 : i32
    %dma_wait3A_35 = tpu.memref_slice %arg6[%dma_wait3A_34] : memref<10000xf32, #tpu.memory_space<vmem_shared>> -> memref<10000xf32, #tpu.memory_space<vmem_shared>>
    tpu.wait_indirect_dma semaphore(%arg7 : memref<!tpu.dma_semaphore, #tpu.memory_space<semaphore_mem>>) src(%dma_wait3A_30 : memref<80xf32, #tpu.memory_space<vmem>>) dst(%dma_wait3A_35 : memref<10000xf32, #tpu.memory_space<vmem_shared>>)
    %barrier3A_36 = arith.constant 0 : index
    tpu.barrier barrier_id(%barrier3A_36)
    %eq3A_37 = arith.constant 0 : i32
    %eq3A_38 = arith.cmpi eq, %arg1, %eq3A_37 : i32
    %convert_element_type3A_39 = arith.extui %eq3A_38 : i1 to i32
    %cond3A_40 = arith.constant 0 : i32
    %cond3A_41 = arith.cmpi ne, %convert_element_type3A_39, %cond3A_40 : i32
    scf.if %cond3A_41 {
      "tpu.region"() ({
        %run_scoped3A = tpu.sem_alloc : memref<!tpu.dma_semaphore, #tpu.memory_space<semaphore_mem>>
        %dma_start3A_42 = arith.constant 0 : i32
        %dma_start3A_43 = tpu.memref_slice %arg3[%arg0, %dma_start3A_42] : memref<2x10000xf32, #tpu.memory_space<hbm>> -> memref<1x10000xf32, #tpu.memory_space<hbm>>
        %dma_start3A_44 = tpu.memref_squeeze %dma_start3A_43 : memref<1x10000xf32, #tpu.memory_space<hbm>> -> memref<10000xf32, #tpu.memory_space<hbm>>
        tpu.enqueue_dma source(%arg6 : memref<10000xf32, #tpu.memory_space<vmem_shared>>) target(%dma_start3A_44 : memref<10000xf32, #tpu.memory_space<hbm>>) target_semaphore(%run_scoped3A : memref<!tpu.dma_semaphore, #tpu.memory_space<semaphore_mem>>)
        %dma_wait3A_45 = arith.constant 0 : i32
        %dma_wait3A_46 = tpu.memref_slice %arg3[%arg0, %dma_wait3A_45] : memref<2x10000xf32, #tpu.memory_space<hbm>> -> memref<1x10000xf32, #tpu.memory_space<hbm>>
        %dma_wait3A_47 = tpu.memref_squeeze %dma_wait3A_46 : memref<1x10000xf32, #tpu.memory_space<hbm>> -> memref<10000xf32, #tpu.memory_space<hbm>>
        tpu.wait_dma2 semaphore(%run_scoped3A : memref<!tpu.dma_semaphore, #tpu.memory_space<semaphore_mem>>) src(%arg6 : memref<10000xf32, #tpu.memory_space<vmem_shared>>) dst(%dma_wait3A_47 : memref<10000xf32, #tpu.memory_space<hbm>>)
        tpu.yield
      }) : () -> ()
    } else {
    }
    return
  }
}

#map = affine_map<(d0, d1) -> (0, 0)>
#map1 = affine_map<(d0, d1) -> (0, 0, 0)>
module attributes {stable_mosaic.version = 14 : i64} {
  func.func @agg_kernel(%arg0: i32, %arg1: i32, %arg2: memref<10000x128xf32, #tpu.memory_space<hbm>>, %arg3: memref<32x10000xi32, #tpu.memory_space<hbm>>, %arg4: memref<32x125x80xi32, #tpu.memory_space<hbm>>, %arg5: memref<2x10000x128xf32, #tpu.memory_space<hbm>>, %arg6: memref<10000xi32, #tpu.memory_space<vmem>>, %arg7: memref<125x80xi32, #tpu.memory_space<vmem>>, %arg8: memref<2x80x128xf32, #tpu.memory_space<vmem>>, %arg9: memref<10000x128xf32, #tpu.memory_space<vmem_shared>>, %arg10: memref<!tpu.dma_semaphore, #tpu.memory_space<semaphore_mem>>, %arg11: memref<!tpu.dma_semaphore, #tpu.memory_space<semaphore_mem>>) attributes {dimension_semantics = [#tpu.dimension_semantics<core_parallel>, #tpu.dimension_semantics<subcore_parallel>], iteration_bounds = array<i64: 2, 16>, scalar_prefetch = 0 : i64, scratch_operands = 6 : i64, tpu.core_type = #tpu.core_type<sc_vector_subcore>, window_params = [{transform_indices = #map}, {transform_indices = #map}, {transform_indices = #map1}, {transform_indices = #map1}]} {
    %mul3A = arith.constant 2 : i32
    %mul3A_0 = arith.muli %arg1, %mul3A : i32
    %add3A = arith.addi %mul3A_0, %arg0 : i32
    %broadcast_in_dim3A = arith.constant 0.000000e+00 : f32
    %broadcast_in_dim3A_1 = vector.broadcast %broadcast_in_dim3A : f32 to vector<16xf32>
    %scan3A = arith.constant 0 : i32
    %scan3A_2 = arith.constant 0 : i32
    %scan3A_3 = arith.constant 80 : i32
    %scan3A_4 = arith.addi %scan3A_2, %scan3A_3 : i32
    %scan3A_5 = arith.constant 1 : i32
    scf.for %scan3A_70 = %scan3A_2 to %scan3A_4 step %scan3A_5  : i32 {
      %mul3A_71 = arith.constant 1 : i32
      %mul3A_72 = arith.muli %scan3A_70, %mul3A_71 : i32
      %add3A_73 = arith.constant 0 : i32
      %add3A_74 = arith.addi %add3A_73, %mul3A_72 : i32
      %scan3A_75 = arith.constant 0 : i32
      %scan3A_76 = arith.constant 8 : i32
      %scan3A_77 = arith.addi %scan3A_75, %scan3A_76 : i32
      %scan3A_78 = arith.constant 1 : i32
      scf.for %scan3A_80 = %scan3A_75 to %scan3A_77 step %scan3A_78  : i32 {
        %mul3A_81 = arith.constant 16 : i32
        %mul3A_82 = arith.muli %scan3A_80, %mul3A_81 : i32
        %add3A_83 = arith.constant 0 : i32
        %add3A_84 = arith.addi %add3A_83, %mul3A_82 : i32
        %swap3A = arith.constant 0 : i32
        %swap3A_85 = arith.constant 0 : i32
        %swap3A_86 = tpu.memref_slice %arg8[%scan3A, %swap3A, %swap3A_85] : memref<2x80x128xf32, #tpu.memory_space<vmem>> -> memref<1x80x128xf32, #tpu.memory_space<vmem>>
        %swap3A_87 = tpu.memref_squeeze %swap3A_86 : memref<1x80x128xf32, #tpu.memory_space<vmem>> -> memref<80x128xf32, #tpu.memory_space<vmem>>
        %swap3A_88 = arith.index_cast %add3A_74 : i32 to index
        %swap3A_89 = arith.index_cast %add3A_84 : i32 to index
        %swap3A_90 = tpu.vector_load %swap3A_87[%swap3A_88, %swap3A_89] {strides = array<i32>} : memref<80x128xf32, #tpu.memory_space<vmem>>, vector<1x16xf32>,
        %swap3A_91 = vector.shape_cast %swap3A_90 : vector<1x16xf32> to vector<16xf32>
        %swap3A_92 = vector.shape_cast %broadcast_in_dim3A_1 : vector<16xf32> to vector<1x16xf32>
        tpu.vector_store %swap3A_87[%swap3A_88, %swap3A_89], %swap3A_92 {strides = array<i32>} : memref<80x128xf32, #tpu.memory_space<vmem>>, vector<1x16xf32>,
      }
      %scan3A_79 = arith.constant 8 : i32
    }
    %scan3A_6 = arith.constant 80 : i32
    %mul3A_7 = arith.constant 624 : i32
    %mul3A_8 = arith.muli %arg1, %mul3A_7 : i32
    %add3A_9 = arith.constant 0 : i32
    %add3A_10 = arith.addi %mul3A_8, %add3A_9 : i32
    %run_scoped3A = arith.constant 0 : i32
    "tpu.region"() ({
      %run_scoped3A_70 = tpu.sem_alloc : memref<!tpu.dma_semaphore, #tpu.memory_space<semaphore_mem>>
      %dma_start3A_71 = arith.constant 0 : i32
      %dma_start3A_72 = arith.constant 0 : i32
      %dma_start3A_73 = tpu.memref_slice %arg8[%run_scoped3A, %dma_start3A_71, %dma_start3A_72] : memref<2x80x128xf32, #tpu.memory_space<vmem>> -> memref<1x80x128xf32, #tpu.memory_space<vmem>>
      %dma_start3A_74 = tpu.memref_squeeze %dma_start3A_73 : memref<1x80x128xf32, #tpu.memory_space<vmem>> -> memref<80x128xf32, #tpu.memory_space<vmem>>
      %dma_start3A_75 = arith.constant 0 : i32
      %dma_start3A_76 = arith.constant 0 : i32
      %dma_start3A_77 = tpu.memref_slice %dma_start3A_74[%dma_start3A_75, %dma_start3A_76] : memref<80x128xf32, #tpu.memory_space<vmem>> -> memref<80x128xf32, #tpu.memory_space<vmem>>
      %dma_start3A_78 = arith.constant 0 : i32
      %dma_start3A_79 = tpu.memref_slice %arg9[%add3A_10, %dma_start3A_78] : memref<10000x128xf32, #tpu.memory_space<vmem_shared>> -> memref<80x128xf32, #tpu.memory_space<vmem_shared>>
      %dma_start3A_80 = arith.constant 0 : i32
      %dma_start3A_81 = tpu.memref_slice %arg9[%add3A_10, %dma_start3A_80] : memref<10000x128xf32, #tpu.memory_space<vmem_shared>> -> memref<80x128xf32, #tpu.memory_space<vmem_shared>>
      %dma_start3A_82 = arith.constant 0 : i32
      %dma_start3A_83 = arith.constant 0 : i32
      %dma_start3A_84 = tpu.memref_slice %arg8[%run_scoped3A, %dma_start3A_82, %dma_start3A_83] : memref<2x80x128xf32, #tpu.memory_space<vmem>> -> memref<1x80x128xf32, #tpu.memory_space<vmem>>
      %dma_start3A_85 = tpu.memref_squeeze %dma_start3A_84 : memref<1x80x128xf32, #tpu.memory_space<vmem>> -> memref<80x128xf32, #tpu.memory_space<vmem>>
      %dma_start3A_86 = arith.constant 0 : i32
      %dma_start3A_87 = arith.constant 0 : i32
      %dma_start3A_88 = tpu.memref_slice %dma_start3A_85[%dma_start3A_86, %dma_start3A_87] : memref<80x128xf32, #tpu.memory_space<vmem>> -> memref<80x128xf32, #tpu.memory_space<vmem>>
      tpu.enqueue_dma source(%dma_start3A_88 : memref<80x128xf32, #tpu.memory_space<vmem>>) target(%dma_start3A_81 : memref<80x128xf32, #tpu.memory_space<vmem_shared>>) target_semaphore(%run_scoped3A_70 : memref<!tpu.dma_semaphore, #tpu.memory_space<semaphore_mem>>)
      %dma_wait3A_89 = arith.constant 0 : i32
      %dma_wait3A_90 = arith.constant 0 : i32
      %dma_wait3A_91 = tpu.memref_slice %arg8[%run_scoped3A, %dma_wait3A_89, %dma_wait3A_90] : memref<2x80x128xf32, #tpu.memory_space<vmem>> -> memref<1x80x128xf32, #tpu.memory_space<vmem>>
      %dma_wait3A_92 = tpu.memref_squeeze %dma_wait3A_91 : memref<1x80x128xf32, #tpu.memory_space<vmem>> -> memref<80x128xf32, #tpu.memory_space<vmem>>
      %dma_wait3A_93 = arith.constant 0 : i32
      %dma_wait3A_94 = arith.constant 0 : i32
      %dma_wait3A_95 = tpu.memref_slice %dma_wait3A_92[%dma_wait3A_93, %dma_wait3A_94] : memref<80x128xf32, #tpu.memory_space<vmem>> -> memref<80x128xf32, #tpu.memory_space<vmem>>
      %dma_wait3A_96 = arith.constant 0 : i32
      %dma_wait3A_97 = tpu.memref_slice %arg9[%add3A_10, %dma_wait3A_96] : memref<10000x128xf32, #tpu.memory_space<vmem_shared>> -> memref<80x128xf32, #tpu.memory_space<vmem_shared>>
      %dma_wait3A_98 = arith.constant 0 : i32
      %dma_wait3A_99 = tpu.memref_slice %arg9[%add3A_10, %dma_wait3A_98] : memref<10000x128xf32, #tpu.memory_space<vmem_shared>> -> memref<80x128xf32, #tpu.memory_space<vmem_shared>>
      %dma_wait3A_100 = arith.constant 0 : i32
      %dma_wait3A_101 = arith.constant 0 : i32
      %dma_wait3A_102 = tpu.memref_slice %arg8[%run_scoped3A, %dma_wait3A_100, %dma_wait3A_101] : memref<2x80x128xf32, #tpu.memory_space<vmem>> -> memref<1x80x128xf32, #tpu.memory_space<vmem>>
      %dma_wait3A_103 = tpu.memref_squeeze %dma_wait3A_102 : memref<1x80x128xf32, #tpu.memory_space<vmem>> -> memref<80x128xf32, #tpu.memory_space<vmem>>
      %dma_wait3A_104 = arith.constant 0 : i32
      %dma_wait3A_105 = arith.constant 0 : i32
      %dma_wait3A_106 = tpu.memref_slice %dma_wait3A_103[%dma_wait3A_104, %dma_wait3A_105] : memref<80x128xf32, #tpu.memory_space<vmem>> -> memref<80x128xf32, #tpu.memory_space<vmem>>
      tpu.wait_dma2 semaphore(%run_scoped3A_70 : memref<!tpu.dma_semaphore, #tpu.memory_space<semaphore_mem>>) src(%dma_wait3A_106 : memref<80x128xf32, #tpu.memory_space<vmem>>) dst(%dma_wait3A_99 : memref<80x128xf32, #tpu.memory_space<vmem_shared>>)
      tpu.yield
    }) : () -> ()
    %add3A_11 = arith.constant 80 : i32
    %add3A_12 = arith.addi %mul3A_8, %add3A_11 : i32
    %run_scoped3A_13 = arith.constant 0 : i32
    "tpu.region"() ({
      %run_scoped3A_70 = tpu.sem_alloc : memref<!tpu.dma_semaphore, #tpu.memory_space<semaphore_mem>>
      %dma_start3A_71 = arith.constant 0 : i32
      %dma_start3A_72 = arith.constant 0 : i32
      %dma_start3A_73 = tpu.memref_slice %arg8[%run_scoped3A_13, %dma_start3A_71, %dma_start3A_72] : memref<2x80x128xf32, #tpu.memory_space<vmem>> -> memref<1x80x128xf32, #tpu.memory_space<vmem>>
      %dma_start3A_74 = tpu.memref_squeeze %dma_start3A_73 : memref<1x80x128xf32, #tpu.memory_space<vmem>> -> memref<80x128xf32, #tpu.memory_space<vmem>>
      %dma_start3A_75 = arith.constant 0 : i32
      %dma_start3A_76 = arith.constant 0 : i32
      %dma_start3A_77 = tpu.memref_slice %dma_start3A_74[%dma_start3A_75, %dma_start3A_76] : memref<80x128xf32, #tpu.memory_space<vmem>> -> memref<80x128xf32, #tpu.memory_space<vmem>>
      %dma_start3A_78 = arith.constant 0 : i32
      %dma_start3A_79 = tpu.memref_slice %arg9[%add3A_12, %dma_start3A_78] : memref<10000x128xf32, #tpu.memory_space<vmem_shared>> -> memref<80x128xf32, #tpu.memory_space<vmem_shared>>
      %dma_start3A_80 = arith.constant 0 : i32
      %dma_start3A_81 = tpu.memref_slice %arg9[%add3A_12, %dma_start3A_80] : memref<10000x128xf32, #tpu.memory_space<vmem_shared>> -> memref<80x128xf32, #tpu.memory_space<vmem_shared>>
      %dma_start3A_82 = arith.constant 0 : i32
      %dma_start3A_83 = arith.constant 0 : i32
      %dma_start3A_84 = tpu.memref_slice %arg8[%run_scoped3A_13, %dma_start3A_82, %dma_start3A_83] : memref<2x80x128xf32, #tpu.memory_space<vmem>> -> memref<1x80x128xf32, #tpu.memory_space<vmem>>
      %dma_start3A_85 = tpu.memref_squeeze %dma_start3A_84 : memref<1x80x128xf32, #tpu.memory_space<vmem>> -> memref<80x128xf32, #tpu.memory_space<vmem>>
      %dma_start3A_86 = arith.constant 0 : i32
      %dma_start3A_87 = arith.constant 0 : i32
      %dma_start3A_88 = tpu.memref_slice %dma_start3A_85[%dma_start3A_86, %dma_start3A_87] : memref<80x128xf32, #tpu.memory_space<vmem>> -> memref<80x128xf32, #tpu.memory_space<vmem>>
      tpu.enqueue_dma source(%dma_start3A_88 : memref<80x128xf32, #tpu.memory_space<vmem>>) target(%dma_start3A_81 : memref<80x128xf32, #tpu.memory_space<vmem_shared>>) target_semaphore(%run_scoped3A_70 : memref<!tpu.dma_semaphore, #tpu.memory_space<semaphore_mem>>)
      %dma_wait3A_89 = arith.constant 0 : i32
      %dma_wait3A_90 = arith.constant 0 : i32
      %dma_wait3A_91 = tpu.memref_slice %arg8[%run_scoped3A_13, %dma_wait3A_89, %dma_wait3A_90] : memref<2x80x128xf32, #tpu.memory_space<vmem>> -> memref<1x80x128xf32, #tpu.memory_space<vmem>>
      %dma_wait3A_92 = tpu.memref_squeeze %dma_wait3A_91 : memref<1x80x128xf32, #tpu.memory_space<vmem>> -> memref<80x128xf32, #tpu.memory_space<vmem>>
      %dma_wait3A_93 = arith.constant 0 : i32
      %dma_wait3A_94 = arith.constant 0 : i32
      %dma_wait3A_95 = tpu.memref_slice %dma_wait3A_92[%dma_wait3A_93, %dma_wait3A_94] : memref<80x128xf32, #tpu.memory_space<vmem>> -> memref<80x128xf32, #tpu.memory_space<vmem>>
      %dma_wait3A_96 = arith.constant 0 : i32
      %dma_wait3A_97 = tpu.memref_slice %arg9[%add3A_12, %dma_wait3A_96] : memref<10000x128xf32, #tpu.memory_space<vmem_shared>> -> memref<80x128xf32, #tpu.memory_space<vmem_shared>>
      %dma_wait3A_98 = arith.constant 0 : i32
      %dma_wait3A_99 = tpu.memref_slice %arg9[%add3A_12, %dma_wait3A_98] : memref<10000x128xf32, #tpu.memory_space<vmem_shared>> -> memref<80x128xf32, #tpu.memory_space<vmem_shared>>
      %dma_wait3A_100 = arith.constant 0 : i32
      %dma_wait3A_101 = arith.constant 0 : i32
      %dma_wait3A_102 = tpu.memref_slice %arg8[%run_scoped3A_13, %dma_wait3A_100, %dma_wait3A_101] : memref<2x80x128xf32, #tpu.memory_space<vmem>> -> memref<1x80x128xf32, #tpu.memory_space<vmem>>
      %dma_wait3A_103 = tpu.memref_squeeze %dma_wait3A_102 : memref<1x80x128xf32, #tpu.memory_space<vmem>> -> memref<80x128xf32, #tpu.memory_space<vmem>>
      %dma_wait3A_104 = arith.constant 0 : i32
      %dma_wait3A_105 = arith.constant 0 : i32
      %dma_wait3A_106 = tpu.memref_slice %dma_wait3A_103[%dma_wait3A_104, %dma_wait3A_105] : memref<80x128xf32, #tpu.memory_space<vmem>> -> memref<80x128xf32, #tpu.memory_space<vmem>>
      tpu.wait_dma2 semaphore(%run_scoped3A_70 : memref<!tpu.dma_semaphore, #tpu.memory_space<semaphore_mem>>) src(%dma_wait3A_106 : memref<80x128xf32, #tpu.memory_space<vmem>>) dst(%dma_wait3A_99 : memref<80x128xf32, #tpu.memory_space<vmem_shared>>)
      tpu.yield
    }) : () -> ()
    %add3A_14 = arith.constant 160 : i32
    %add3A_15 = arith.addi %mul3A_8, %add3A_14 : i32
    %run_scoped3A_16 = arith.constant 0 : i32
    "tpu.region"() ({
      %run_scoped3A_70 = tpu.sem_alloc : memref<!tpu.dma_semaphore, #tpu.memory_space<semaphore_mem>>
      %dma_start3A_71 = arith.constant 0 : i32
      %dma_start3A_72 = arith.constant 0 : i32
      %dma_start3A_73 = tpu.memref_slice %arg8[%run_scoped3A_16, %dma_start3A_71, %dma_start3A_72] : memref<2x80x128xf32, #tpu.memory_space<vmem>> -> memref<1x80x128xf32, #tpu.memory_space<vmem>>
      %dma_start3A_74 = tpu.memref_squeeze %dma_start3A_73 : memref<1x80x128xf32, #tpu.memory_space<vmem>> -> memref<80x128xf32, #tpu.memory_space<vmem>>
      %dma_start3A_75 = arith.constant 0 : i32
      %dma_start3A_76 = arith.constant 0 : i32
      %dma_start3A_77 = tpu.memref_slice %dma_start3A_74[%dma_start3A_75, %dma_start3A_76] : memref<80x128xf32, #tpu.memory_space<vmem>> -> memref<80x128xf32, #tpu.memory_space<vmem>>
      %dma_start3A_78 = arith.constant 0 : i32
      %dma_start3A_79 = tpu.memref_slice %arg9[%add3A_15, %dma_start3A_78] : memref<10000x128xf32, #tpu.memory_space<vmem_shared>> -> memref<80x128xf32, #tpu.memory_space<vmem_shared>>
      %dma_start3A_80 = arith.constant 0 : i32
      %dma_start3A_81 = tpu.memref_slice %arg9[%add3A_15, %dma_start3A_80] : memref<10000x128xf32, #tpu.memory_space<vmem_shared>> -> memref<80x128xf32, #tpu.memory_space<vmem_shared>>
      %dma_start3A_82 = arith.constant 0 : i32
      %dma_start3A_83 = arith.constant 0 : i32
      %dma_start3A_84 = tpu.memref_slice %arg8[%run_scoped3A_16, %dma_start3A_82, %dma_start3A_83] : memref<2x80x128xf32, #tpu.memory_space<vmem>> -> memref<1x80x128xf32, #tpu.memory_space<vmem>>
      %dma_start3A_85 = tpu.memref_squeeze %dma_start3A_84 : memref<1x80x128xf32, #tpu.memory_space<vmem>> -> memref<80x128xf32, #tpu.memory_space<vmem>>
      %dma_start3A_86 = arith.constant 0 : i32
      %dma_start3A_87 = arith.constant 0 : i32
      %dma_start3A_88 = tpu.memref_slice %dma_start3A_85[%dma_start3A_86, %dma_start3A_87] : memref<80x128xf32, #tpu.memory_space<vmem>> -> memref<80x128xf32, #tpu.memory_space<vmem>>
      tpu.enqueue_dma source(%dma_start3A_88 : memref<80x128xf32, #tpu.memory_space<vmem>>) target(%dma_start3A_81 : memref<80x128xf32, #tpu.memory_space<vmem_shared>>) target_semaphore(%run_scoped3A_70 : memref<!tpu.dma_semaphore, #tpu.memory_space<semaphore_mem>>)
      %dma_wait3A_89 = arith.constant 0 : i32
      %dma_wait3A_90 = arith.constant 0 : i32
      %dma_wait3A_91 = tpu.memref_slice %arg8[%run_scoped3A_16, %dma_wait3A_89, %dma_wait3A_90] : memref<2x80x128xf32, #tpu.memory_space<vmem>> -> memref<1x80x128xf32, #tpu.memory_space<vmem>>
      %dma_wait3A_92 = tpu.memref_squeeze %dma_wait3A_91 : memref<1x80x128xf32, #tpu.memory_space<vmem>> -> memref<80x128xf32, #tpu.memory_space<vmem>>
      %dma_wait3A_93 = arith.constant 0 : i32
      %dma_wait3A_94 = arith.constant 0 : i32
      %dma_wait3A_95 = tpu.memref_slice %dma_wait3A_92[%dma_wait3A_93, %dma_wait3A_94] : memref<80x128xf32, #tpu.memory_space<vmem>> -> memref<80x128xf32, #tpu.memory_space<vmem>>
      %dma_wait3A_96 = arith.constant 0 : i32
      %dma_wait3A_97 = tpu.memref_slice %arg9[%add3A_15, %dma_wait3A_96] : memref<10000x128xf32, #tpu.memory_space<vmem_shared>> -> memref<80x128xf32, #tpu.memory_space<vmem_shared>>
      %dma_wait3A_98 = arith.constant 0 : i32
      %dma_wait3A_99 = tpu.memref_slice %arg9[%add3A_15, %dma_wait3A_98] : memref<10000x128xf32, #tpu.memory_space<vmem_shared>> -> memref<80x128xf32, #tpu.memory_space<vmem_shared>>
      %dma_wait3A_100 = arith.constant 0 : i32
      %dma_wait3A_101 = arith.constant 0 : i32
      %dma_wait3A_102 = tpu.memref_slice %arg8[%run_scoped3A_16, %dma_wait3A_100, %dma_wait3A_101] : memref<2x80x128xf32, #tpu.memory_space<vmem>> -> memref<1x80x128xf32, #tpu.memory_space<vmem>>
      %dma_wait3A_103 = tpu.memref_squeeze %dma_wait3A_102 : memref<1x80x128xf32, #tpu.memory_space<vmem>> -> memref<80x128xf32, #tpu.memory_space<vmem>>
      %dma_wait3A_104 = arith.constant 0 : i32
      %dma_wait3A_105 = arith.constant 0 : i32
      %dma_wait3A_106 = tpu.memref_slice %dma_wait3A_103[%dma_wait3A_104, %dma_wait3A_105] : memref<80x128xf32, #tpu.memory_space<vmem>> -> memref<80x128xf32, #tpu.memory_space<vmem>>
      tpu.wait_dma2 semaphore(%run_scoped3A_70 : memref<!tpu.dma_semaphore, #tpu.memory_space<semaphore_mem>>) src(%dma_wait3A_106 : memref<80x128xf32, #tpu.memory_space<vmem>>) dst(%dma_wait3A_99 : memref<80x128xf32, #tpu.memory_space<vmem_shared>>)
      tpu.yield
    }) : () -> ()
    %add3A_17 = arith.constant 240 : i32
    %add3A_18 = arith.addi %mul3A_8, %add3A_17 : i32
    %run_scoped3A_19 = arith.constant 0 : i32
    "tpu.region"() ({
      %run_scoped3A_70 = tpu.sem_alloc : memref<!tpu.dma_semaphore, #tpu.memory_space<semaphore_mem>>
      %dma_start3A_71 = arith.constant 0 : i32
      %dma_start3A_72 = arith.constant 0 : i32
      %dma_start3A_73 = tpu.memref_slice %arg8[%run_scoped3A_19, %dma_start3A_71, %dma_start3A_72] : memref<2x80x128xf32, #tpu.memory_space<vmem>> -> memref<1x80x128xf32, #tpu.memory_space<vmem>>
      %dma_start3A_74 = tpu.memref_squeeze %dma_start3A_73 : memref<1x80x128xf32, #tpu.memory_space<vmem>> -> memref<80x128xf32, #tpu.memory_space<vmem>>
      %dma_start3A_75 = arith.constant 0 : i32
      %dma_start3A_76 = arith.constant 0 : i32
      %dma_start3A_77 = tpu.memref_slice %dma_start3A_74[%dma_start3A_75, %dma_start3A_76] : memref<80x128xf32, #tpu.memory_space<vmem>> -> memref<80x128xf32, #tpu.memory_space<vmem>>
      %dma_start3A_78 = arith.constant 0 : i32
      %dma_start3A_79 = tpu.memref_slice %arg9[%add3A_18, %dma_start3A_78] : memref<10000x128xf32, #tpu.memory_space<vmem_shared>> -> memref<80x128xf32, #tpu.memory_space<vmem_shared>>
      %dma_start3A_80 = arith.constant 0 : i32
      %dma_start3A_81 = tpu.memref_slice %arg9[%add3A_18, %dma_start3A_80] : memref<10000x128xf32, #tpu.memory_space<vmem_shared>> -> memref<80x128xf32, #tpu.memory_space<vmem_shared>>
      %dma_start3A_82 = arith.constant 0 : i32
      %dma_start3A_83 = arith.constant 0 : i32
      %dma_start3A_84 = tpu.memref_slice %arg8[%run_scoped3A_19, %dma_start3A_82, %dma_start3A_83] : memref<2x80x128xf32, #tpu.memory_space<vmem>> -> memref<1x80x128xf32, #tpu.memory_space<vmem>>
      %dma_start3A_85 = tpu.memref_squeeze %dma_start3A_84 : memref<1x80x128xf32, #tpu.memory_space<vmem>> -> memref<80x128xf32, #tpu.memory_space<vmem>>
      %dma_start3A_86 = arith.constant 0 : i32
      %dma_start3A_87 = arith.constant 0 : i32
      %dma_start3A_88 = tpu.memref_slice %dma_start3A_85[%dma_start3A_86, %dma_start3A_87] : memref<80x128xf32, #tpu.memory_space<vmem>> -> memref<80x128xf32, #tpu.memory_space<vmem>>
      tpu.enqueue_dma source(%dma_start3A_88 : memref<80x128xf32, #tpu.memory_space<vmem>>) target(%dma_start3A_81 : memref<80x128xf32, #tpu.memory_space<vmem_shared>>) target_semaphore(%run_scoped3A_70 : memref<!tpu.dma_semaphore, #tpu.memory_space<semaphore_mem>>)
      %dma_wait3A_89 = arith.constant 0 : i32
      %dma_wait3A_90 = arith.constant 0 : i32
      %dma_wait3A_91 = tpu.memref_slice %arg8[%run_scoped3A_19, %dma_wait3A_89, %dma_wait3A_90] : memref<2x80x128xf32, #tpu.memory_space<vmem>> -> memref<1x80x128xf32, #tpu.memory_space<vmem>>
      %dma_wait3A_92 = tpu.memref_squeeze %dma_wait3A_91 : memref<1x80x128xf32, #tpu.memory_space<vmem>> -> memref<80x128xf32, #tpu.memory_space<vmem>>
      %dma_wait3A_93 = arith.constant 0 : i32
      %dma_wait3A_94 = arith.constant 0 : i32
      %dma_wait3A_95 = tpu.memref_slice %dma_wait3A_92[%dma_wait3A_93, %dma_wait3A_94] : memref<80x128xf32, #tpu.memory_space<vmem>> -> memref<80x128xf32, #tpu.memory_space<vmem>>
      %dma_wait3A_96 = arith.constant 0 : i32
      %dma_wait3A_97 = tpu.memref_slice %arg9[%add3A_18, %dma_wait3A_96] : memref<10000x128xf32, #tpu.memory_space<vmem_shared>> -> memref<80x128xf32, #tpu.memory_space<vmem_shared>>
      %dma_wait3A_98 = arith.constant 0 : i32
      %dma_wait3A_99 = tpu.memref_slice %arg9[%add3A_18, %dma_wait3A_98] : memref<10000x128xf32, #tpu.memory_space<vmem_shared>> -> memref<80x128xf32, #tpu.memory_space<vmem_shared>>
      %dma_wait3A_100 = arith.constant 0 : i32
      %dma_wait3A_101 = arith.constant 0 : i32
      %dma_wait3A_102 = tpu.memref_slice %arg8[%run_scoped3A_19, %dma_wait3A_100, %dma_wait3A_101] : memref<2x80x128xf32, #tpu.memory_space<vmem>> -> memref<1x80x128xf32, #tpu.memory_space<vmem>>
      %dma_wait3A_103 = tpu.memref_squeeze %dma_wait3A_102 : memref<1x80x128xf32, #tpu.memory_space<vmem>> -> memref<80x128xf32, #tpu.memory_space<vmem>>
      %dma_wait3A_104 = arith.constant 0 : i32
      %dma_wait3A_105 = arith.constant 0 : i32
      %dma_wait3A_106 = tpu.memref_slice %dma_wait3A_103[%dma_wait3A_104, %dma_wait3A_105] : memref<80x128xf32, #tpu.memory_space<vmem>> -> memref<80x128xf32, #tpu.memory_space<vmem>>
      tpu.wait_dma2 semaphore(%run_scoped3A_70 : memref<!tpu.dma_semaphore, #tpu.memory_space<semaphore_mem>>) src(%dma_wait3A_106 : memref<80x128xf32, #tpu.memory_space<vmem>>) dst(%dma_wait3A_99 : memref<80x128xf32, #tpu.memory_space<vmem_shared>>)
      tpu.yield
    }) : () -> ()
    %add3A_20 = arith.constant 320 : i32
    %add3A_21 = arith.addi %mul3A_8, %add3A_20 : i32
    %run_scoped3A_22 = arith.constant 0 : i32
    "tpu.region"() ({
      %run_scoped3A_70 = tpu.sem_alloc : memref<!tpu.dma_semaphore, #tpu.memory_space<semaphore_mem>>
      %dma_start3A_71 = arith.constant 0 : i32
      %dma_start3A_72 = arith.constant 0 : i32
      %dma_start3A_73 = tpu.memref_slice %arg8[%run_scoped3A_22, %dma_start3A_71, %dma_start3A_72] : memref<2x80x128xf32, #tpu.memory_space<vmem>> -> memref<1x80x128xf32, #tpu.memory_space<vmem>>
      %dma_start3A_74 = tpu.memref_squeeze %dma_start3A_73 : memref<1x80x128xf32, #tpu.memory_space<vmem>> -> memref<80x128xf32, #tpu.memory_space<vmem>>
      %dma_start3A_75 = arith.constant 0 : i32
      %dma_start3A_76 = arith.constant 0 : i32
      %dma_start3A_77 = tpu.memref_slice %dma_start3A_74[%dma_start3A_75, %dma_start3A_76] : memref<80x128xf32, #tpu.memory_space<vmem>> -> memref<80x128xf32, #tpu.memory_space<vmem>>
      %dma_start3A_78 = arith.constant 0 : i32
      %dma_start3A_79 = tpu.memref_slice %arg9[%add3A_21, %dma_start3A_78] : memref<10000x128xf32, #tpu.memory_space<vmem_shared>> -> memref<80x128xf32, #tpu.memory_space<vmem_shared>>
      %dma_start3A_80 = arith.constant 0 : i32
      %dma_start3A_81 = tpu.memref_slice %arg9[%add3A_21, %dma_start3A_80] : memref<10000x128xf32, #tpu.memory_space<vmem_shared>> -> memref<80x128xf32, #tpu.memory_space<vmem_shared>>
      %dma_start3A_82 = arith.constant 0 : i32
      %dma_start3A_83 = arith.constant 0 : i32
      %dma_start3A_84 = tpu.memref_slice %arg8[%run_scoped3A_22, %dma_start3A_82, %dma_start3A_83] : memref<2x80x128xf32, #tpu.memory_space<vmem>> -> memref<1x80x128xf32, #tpu.memory_space<vmem>>
      %dma_start3A_85 = tpu.memref_squeeze %dma_start3A_84 : memref<1x80x128xf32, #tpu.memory_space<vmem>> -> memref<80x128xf32, #tpu.memory_space<vmem>>
      %dma_start3A_86 = arith.constant 0 : i32
      %dma_start3A_87 = arith.constant 0 : i32
      %dma_start3A_88 = tpu.memref_slice %dma_start3A_85[%dma_start3A_86, %dma_start3A_87] : memref<80x128xf32, #tpu.memory_space<vmem>> -> memref<80x128xf32, #tpu.memory_space<vmem>>
      tpu.enqueue_dma source(%dma_start3A_88 : memref<80x128xf32, #tpu.memory_space<vmem>>) target(%dma_start3A_81 : memref<80x128xf32, #tpu.memory_space<vmem_shared>>) target_semaphore(%run_scoped3A_70 : memref<!tpu.dma_semaphore, #tpu.memory_space<semaphore_mem>>)
      %dma_wait3A_89 = arith.constant 0 : i32
      %dma_wait3A_90 = arith.constant 0 : i32
      %dma_wait3A_91 = tpu.memref_slice %arg8[%run_scoped3A_22, %dma_wait3A_89, %dma_wait3A_90] : memref<2x80x128xf32, #tpu.memory_space<vmem>> -> memref<1x80x128xf32, #tpu.memory_space<vmem>>
      %dma_wait3A_92 = tpu.memref_squeeze %dma_wait3A_91 : memref<1x80x128xf32, #tpu.memory_space<vmem>> -> memref<80x128xf32, #tpu.memory_space<vmem>>
      %dma_wait3A_93 = arith.constant 0 : i32
      %dma_wait3A_94 = arith.constant 0 : i32
      %dma_wait3A_95 = tpu.memref_slice %dma_wait3A_92[%dma_wait3A_93, %dma_wait3A_94] : memref<80x128xf32, #tpu.memory_space<vmem>> -> memref<80x128xf32, #tpu.memory_space<vmem>>
      %dma_wait3A_96 = arith.constant 0 : i32
      %dma_wait3A_97 = tpu.memref_slice %arg9[%add3A_21, %dma_wait3A_96] : memref<10000x128xf32, #tpu.memory_space<vmem_shared>> -> memref<80x128xf32, #tpu.memory_space<vmem_shared>>
      %dma_wait3A_98 = arith.constant 0 : i32
      %dma_wait3A_99 = tpu.memref_slice %arg9[%add3A_21, %dma_wait3A_98] : memref<10000x128xf32, #tpu.memory_space<vmem_shared>> -> memref<80x128xf32, #tpu.memory_space<vmem_shared>>
      %dma_wait3A_100 = arith.constant 0 : i32
      %dma_wait3A_101 = arith.constant 0 : i32
      %dma_wait3A_102 = tpu.memref_slice %arg8[%run_scoped3A_22, %dma_wait3A_100, %dma_wait3A_101] : memref<2x80x128xf32, #tpu.memory_space<vmem>> -> memref<1x80x128xf32, #tpu.memory_space<vmem>>
      %dma_wait3A_103 = tpu.memref_squeeze %dma_wait3A_102 : memref<1x80x128xf32, #tpu.memory_space<vmem>> -> memref<80x128xf32, #tpu.memory_space<vmem>>
      %dma_wait3A_104 = arith.constant 0 : i32
      %dma_wait3A_105 = arith.constant 0 : i32
      %dma_wait3A_106 = tpu.memref_slice %dma_wait3A_103[%dma_wait3A_104, %dma_wait3A_105] : memref<80x128xf32, #tpu.memory_space<vmem>> -> memref<80x128xf32, #tpu.memory_space<vmem>>
      tpu.wait_dma2 semaphore(%run_scoped3A_70 : memref<!tpu.dma_semaphore, #tpu.memory_space<semaphore_mem>>) src(%dma_wait3A_106 : memref<80x128xf32, #tpu.memory_space<vmem>>) dst(%dma_wait3A_99 : memref<80x128xf32, #tpu.memory_space<vmem_shared>>)
      tpu.yield
    }) : () -> ()
    %add3A_23 = arith.constant 400 : i32
    %add3A_24 = arith.addi %mul3A_8, %add3A_23 : i32
    %run_scoped3A_25 = arith.constant 0 : i32
    "tpu.region"() ({
      %run_scoped3A_70 = tpu.sem_alloc : memref<!tpu.dma_semaphore, #tpu.memory_space<semaphore_mem>>
      %dma_start3A_71 = arith.constant 0 : i32
      %dma_start3A_72 = arith.constant 0 : i32
      %dma_start3A_73 = tpu.memref_slice %arg8[%run_scoped3A_25, %dma_start3A_71, %dma_start3A_72] : memref<2x80x128xf32, #tpu.memory_space<vmem>> -> memref<1x80x128xf32, #tpu.memory_space<vmem>>
      %dma_start3A_74 = tpu.memref_squeeze %dma_start3A_73 : memref<1x80x128xf32, #tpu.memory_space<vmem>> -> memref<80x128xf32, #tpu.memory_space<vmem>>
      %dma_start3A_75 = arith.constant 0 : i32
      %dma_start3A_76 = arith.constant 0 : i32
      %dma_start3A_77 = tpu.memref_slice %dma_start3A_74[%dma_start3A_75, %dma_start3A_76] : memref<80x128xf32, #tpu.memory_space<vmem>> -> memref<80x128xf32, #tpu.memory_space<vmem>>
      %dma_start3A_78 = arith.constant 0 : i32
      %dma_start3A_79 = tpu.memref_slice %arg9[%add3A_24, %dma_start3A_78] : memref<10000x128xf32, #tpu.memory_space<vmem_shared>> -> memref<80x128xf32, #tpu.memory_space<vmem_shared>>
      %dma_start3A_80 = arith.constant 0 : i32
      %dma_start3A_81 = tpu.memref_slice %arg9[%add3A_24, %dma_start3A_80] : memref<10000x128xf32, #tpu.memory_space<vmem_shared>> -> memref<80x128xf32, #tpu.memory_space<vmem_shared>>
      %dma_start3A_82 = arith.constant 0 : i32
      %dma_start3A_83 = arith.constant 0 : i32
      %dma_start3A_84 = tpu.memref_slice %arg8[%run_scoped3A_25, %dma_start3A_82, %dma_start3A_83] : memref<2x80x128xf32, #tpu.memory_space<vmem>> -> memref<1x80x128xf32, #tpu.memory_space<vmem>>
      %dma_start3A_85 = tpu.memref_squeeze %dma_start3A_84 : memref<1x80x128xf32, #tpu.memory_space<vmem>> -> memref<80x128xf32, #tpu.memory_space<vmem>>
      %dma_start3A_86 = arith.constant 0 : i32
      %dma_start3A_87 = arith.constant 0 : i32
      %dma_start3A_88 = tpu.memref_slice %dma_start3A_85[%dma_start3A_86, %dma_start3A_87] : memref<80x128xf32, #tpu.memory_space<vmem>> -> memref<80x128xf32, #tpu.memory_space<vmem>>
      tpu.enqueue_dma source(%dma_start3A_88 : memref<80x128xf32, #tpu.memory_space<vmem>>) target(%dma_start3A_81 : memref<80x128xf32, #tpu.memory_space<vmem_shared>>) target_semaphore(%run_scoped3A_70 : memref<!tpu.dma_semaphore, #tpu.memory_space<semaphore_mem>>)
      %dma_wait3A_89 = arith.constant 0 : i32
      %dma_wait3A_90 = arith.constant 0 : i32
      %dma_wait3A_91 = tpu.memref_slice %arg8[%run_scoped3A_25, %dma_wait3A_89, %dma_wait3A_90] : memref<2x80x128xf32, #tpu.memory_space<vmem>> -> memref<1x80x128xf32, #tpu.memory_space<vmem>>
      %dma_wait3A_92 = tpu.memref_squeeze %dma_wait3A_91 : memref<1x80x128xf32, #tpu.memory_space<vmem>> -> memref<80x128xf32, #tpu.memory_space<vmem>>
      %dma_wait3A_93 = arith.constant 0 : i32
      %dma_wait3A_94 = arith.constant 0 : i32
      %dma_wait3A_95 = tpu.memref_slice %dma_wait3A_92[%dma_wait3A_93, %dma_wait3A_94] : memref<80x128xf32, #tpu.memory_space<vmem>> -> memref<80x128xf32, #tpu.memory_space<vmem>>
      %dma_wait3A_96 = arith.constant 0 : i32
      %dma_wait3A_97 = tpu.memref_slice %arg9[%add3A_24, %dma_wait3A_96] : memref<10000x128xf32, #tpu.memory_space<vmem_shared>> -> memref<80x128xf32, #tpu.memory_space<vmem_shared>>
      %dma_wait3A_98 = arith.constant 0 : i32
      %dma_wait3A_99 = tpu.memref_slice %arg9[%add3A_24, %dma_wait3A_98] : memref<10000x128xf32, #tpu.memory_space<vmem_shared>> -> memref<80x128xf32, #tpu.memory_space<vmem_shared>>
      %dma_wait3A_100 = arith.constant 0 : i32
      %dma_wait3A_101 = arith.constant 0 : i32
      %dma_wait3A_102 = tpu.memref_slice %arg8[%run_scoped3A_25, %dma_wait3A_100, %dma_wait3A_101] : memref<2x80x128xf32, #tpu.memory_space<vmem>> -> memref<1x80x128xf32, #tpu.memory_space<vmem>>
      %dma_wait3A_103 = tpu.memref_squeeze %dma_wait3A_102 : memref<1x80x128xf32, #tpu.memory_space<vmem>> -> memref<80x128xf32, #tpu.memory_space<vmem>>
      %dma_wait3A_104 = arith.constant 0 : i32
      %dma_wait3A_105 = arith.constant 0 : i32
      %dma_wait3A_106 = tpu.memref_slice %dma_wait3A_103[%dma_wait3A_104, %dma_wait3A_105] : memref<80x128xf32, #tpu.memory_space<vmem>> -> memref<80x128xf32, #tpu.memory_space<vmem>>
      tpu.wait_dma2 semaphore(%run_scoped3A_70 : memref<!tpu.dma_semaphore, #tpu.memory_space<semaphore_mem>>) src(%dma_wait3A_106 : memref<80x128xf32, #tpu.memory_space<vmem>>) dst(%dma_wait3A_99 : memref<80x128xf32, #tpu.memory_space<vmem_shared>>)
      tpu.yield
    }) : () -> ()
    %add3A_26 = arith.constant 480 : i32
    %add3A_27 = arith.addi %mul3A_8, %add3A_26 : i32
    %run_scoped3A_28 = arith.constant 0 : i32
    "tpu.region"() ({
      %run_scoped3A_70 = tpu.sem_alloc : memref<!tpu.dma_semaphore, #tpu.memory_space<semaphore_mem>>
      %dma_start3A_71 = arith.constant 0 : i32
      %dma_start3A_72 = arith.constant 0 : i32
      %dma_start3A_73 = tpu.memref_slice %arg8[%run_scoped3A_28, %dma_start3A_71, %dma_start3A_72] : memref<2x80x128xf32, #tpu.memory_space<vmem>> -> memref<1x80x128xf32, #tpu.memory_space<vmem>>
      %dma_start3A_74 = tpu.memref_squeeze %dma_start3A_73 : memref<1x80x128xf32, #tpu.memory_space<vmem>> -> memref<80x128xf32, #tpu.memory_space<vmem>>
      %dma_start3A_75 = arith.constant 0 : i32
      %dma_start3A_76 = arith.constant 0 : i32
      %dma_start3A_77 = tpu.memref_slice %dma_start3A_74[%dma_start3A_75, %dma_start3A_76] : memref<80x128xf32, #tpu.memory_space<vmem>> -> memref<80x128xf32, #tpu.memory_space<vmem>>
      %dma_start3A_78 = arith.constant 0 : i32
      %dma_start3A_79 = tpu.memref_slice %arg9[%add3A_27, %dma_start3A_78] : memref<10000x128xf32, #tpu.memory_space<vmem_shared>> -> memref<80x128xf32, #tpu.memory_space<vmem_shared>>
      %dma_start3A_80 = arith.constant 0 : i32
      %dma_start3A_81 = tpu.memref_slice %arg9[%add3A_27, %dma_start3A_80] : memref<10000x128xf32, #tpu.memory_space<vmem_shared>> -> memref<80x128xf32, #tpu.memory_space<vmem_shared>>
      %dma_start3A_82 = arith.constant 0 : i32
      %dma_start3A_83 = arith.constant 0 : i32
      %dma_start3A_84 = tpu.memref_slice %arg8[%run_scoped3A_28, %dma_start3A_82, %dma_start3A_83] : memref<2x80x128xf32, #tpu.memory_space<vmem>> -> memref<1x80x128xf32, #tpu.memory_space<vmem>>
      %dma_start3A_85 = tpu.memref_squeeze %dma_start3A_84 : memref<1x80x128xf32, #tpu.memory_space<vmem>> -> memref<80x128xf32, #tpu.memory_space<vmem>>
      %dma_start3A_86 = arith.constant 0 : i32
      %dma_start3A_87 = arith.constant 0 : i32
      %dma_start3A_88 = tpu.memref_slice %dma_start3A_85[%dma_start3A_86, %dma_start3A_87] : memref<80x128xf32, #tpu.memory_space<vmem>> -> memref<80x128xf32, #tpu.memory_space<vmem>>
      tpu.enqueue_dma source(%dma_start3A_88 : memref<80x128xf32, #tpu.memory_space<vmem>>) target(%dma_start3A_81 : memref<80x128xf32, #tpu.memory_space<vmem_shared>>) target_semaphore(%run_scoped3A_70 : memref<!tpu.dma_semaphore, #tpu.memory_space<semaphore_mem>>)
      %dma_wait3A_89 = arith.constant 0 : i32
      %dma_wait3A_90 = arith.constant 0 : i32
      %dma_wait3A_91 = tpu.memref_slice %arg8[%run_scoped3A_28, %dma_wait3A_89, %dma_wait3A_90] : memref<2x80x128xf32, #tpu.memory_space<vmem>> -> memref<1x80x128xf32, #tpu.memory_space<vmem>>
      %dma_wait3A_92 = tpu.memref_squeeze %dma_wait3A_91 : memref<1x80x128xf32, #tpu.memory_space<vmem>> -> memref<80x128xf32, #tpu.memory_space<vmem>>
      %dma_wait3A_93 = arith.constant 0 : i32
      %dma_wait3A_94 = arith.constant 0 : i32
      %dma_wait3A_95 = tpu.memref_slice %dma_wait3A_92[%dma_wait3A_93, %dma_wait3A_94] : memref<80x128xf32, #tpu.memory_space<vmem>> -> memref<80x128xf32, #tpu.memory_space<vmem>>
      %dma_wait3A_96 = arith.constant 0 : i32
      %dma_wait3A_97 = tpu.memref_slice %arg9[%add3A_27, %dma_wait3A_96] : memref<10000x128xf32, #tpu.memory_space<vmem_shared>> -> memref<80x128xf32, #tpu.memory_space<vmem_shared>>
      %dma_wait3A_98 = arith.constant 0 : i32
      %dma_wait3A_99 = tpu.memref_slice %arg9[%add3A_27, %dma_wait3A_98] : memref<10000x128xf32, #tpu.memory_space<vmem_shared>> -> memref<80x128xf32, #tpu.memory_space<vmem_shared>>
      %dma_wait3A_100 = arith.constant 0 : i32
      %dma_wait3A_101 = arith.constant 0 : i32
      %dma_wait3A_102 = tpu.memref_slice %arg8[%run_scoped3A_28, %dma_wait3A_100, %dma_wait3A_101] : memref<2x80x128xf32, #tpu.memory_space<vmem>> -> memref<1x80x128xf32, #tpu.memory_space<vmem>>
      %dma_wait3A_103 = tpu.memref_squeeze %dma_wait3A_102 : memref<1x80x128xf32, #tpu.memory_space<vmem>> -> memref<80x128xf32, #tpu.memory_space<vmem>>
      %dma_wait3A_104 = arith.constant 0 : i32
      %dma_wait3A_105 = arith.constant 0 : i32
      %dma_wait3A_106 = tpu.memref_slice %dma_wait3A_103[%dma_wait3A_104, %dma_wait3A_105] : memref<80x128xf32, #tpu.memory_space<vmem>> -> memref<80x128xf32, #tpu.memory_space<vmem>>
      tpu.wait_dma2 semaphore(%run_scoped3A_70 : memref<!tpu.dma_semaphore, #tpu.memory_space<semaphore_mem>>) src(%dma_wait3A_106 : memref<80x128xf32, #tpu.memory_space<vmem>>) dst(%dma_wait3A_99 : memref<80x128xf32, #tpu.memory_space<vmem_shared>>)
      tpu.yield
    }) : () -> ()
    %add3A_29 = arith.constant 560 : i32
    %add3A_30 = arith.addi %mul3A_8, %add3A_29 : i32
    %run_scoped3A_31 = arith.constant 0 : i32
    "tpu.region"() ({
      %run_scoped3A_70 = tpu.sem_alloc : memref<!tpu.dma_semaphore, #tpu.memory_space<semaphore_mem>>
      %dma_start3A_71 = arith.constant 0 : i32
      %dma_start3A_72 = arith.constant 0 : i32
      %dma_start3A_73 = tpu.memref_slice %arg8[%run_scoped3A_31, %dma_start3A_71, %dma_start3A_72] : memref<2x80x128xf32, #tpu.memory_space<vmem>> -> memref<1x80x128xf32, #tpu.memory_space<vmem>>
      %dma_start3A_74 = tpu.memref_squeeze %dma_start3A_73 : memref<1x80x128xf32, #tpu.memory_space<vmem>> -> memref<80x128xf32, #tpu.memory_space<vmem>>
      %dma_start3A_75 = arith.constant 0 : i32
      %dma_start3A_76 = arith.constant 0 : i32
      %dma_start3A_77 = tpu.memref_slice %dma_start3A_74[%dma_start3A_75, %dma_start3A_76] : memref<80x128xf32, #tpu.memory_space<vmem>> -> memref<64x128xf32, #tpu.memory_space<vmem>>
      %dma_start3A_78 = arith.constant 0 : i32
      %dma_start3A_79 = tpu.memref_slice %arg9[%add3A_30, %dma_start3A_78] : memref<10000x128xf32, #tpu.memory_space<vmem_shared>> -> memref<64x128xf32, #tpu.memory_space<vmem_shared>>
      %dma_start3A_80 = arith.constant 0 : i32
      %dma_start3A_81 = tpu.memref_slice %arg9[%add3A_30, %dma_start3A_80] : memref<10000x128xf32, #tpu.memory_space<vmem_shared>> -> memref<64x128xf32, #tpu.memory_space<vmem_shared>>
      %dma_start3A_82 = arith.constant 0 : i32
      %dma_start3A_83 = arith.constant 0 : i32
      %dma_start3A_84 = tpu.memref_slice %arg8[%run_scoped3A_31, %dma_start3A_82, %dma_start3A_83] : memref<2x80x128xf32, #tpu.memory_space<vmem>> -> memref<1x80x128xf32, #tpu.memory_space<vmem>>
      %dma_start3A_85 = tpu.memref_squeeze %dma_start3A_84 : memref<1x80x128xf32, #tpu.memory_space<vmem>> -> memref<80x128xf32, #tpu.memory_space<vmem>>
      %dma_start3A_86 = arith.constant 0 : i32
      %dma_start3A_87 = arith.constant 0 : i32
      %dma_start3A_88 = tpu.memref_slice %dma_start3A_85[%dma_start3A_86, %dma_start3A_87] : memref<80x128xf32, #tpu.memory_space<vmem>> -> memref<64x128xf32, #tpu.memory_space<vmem>>
      tpu.enqueue_dma source(%dma_start3A_88 : memref<64x128xf32, #tpu.memory_space<vmem>>) target(%dma_start3A_81 : memref<64x128xf32, #tpu.memory_space<vmem_shared>>) target_semaphore(%run_scoped3A_70 : memref<!tpu.dma_semaphore, #tpu.memory_space<semaphore_mem>>)
      %dma_wait3A_89 = arith.constant 0 : i32
      %dma_wait3A_90 = arith.constant 0 : i32
      %dma_wait3A_91 = tpu.memref_slice %arg8[%run_scoped3A_31, %dma_wait3A_89, %dma_wait3A_90] : memref<2x80x128xf32, #tpu.memory_space<vmem>> -> memref<1x80x128xf32, #tpu.memory_space<vmem>>
      %dma_wait3A_92 = tpu.memref_squeeze %dma_wait3A_91 : memref<1x80x128xf32, #tpu.memory_space<vmem>> -> memref<80x128xf32, #tpu.memory_space<vmem>>
      %dma_wait3A_93 = arith.constant 0 : i32
      %dma_wait3A_94 = arith.constant 0 : i32
      %dma_wait3A_95 = tpu.memref_slice %dma_wait3A_92[%dma_wait3A_93, %dma_wait3A_94] : memref<80x128xf32, #tpu.memory_space<vmem>> -> memref<64x128xf32, #tpu.memory_space<vmem>>
      %dma_wait3A_96 = arith.constant 0 : i32
      %dma_wait3A_97 = tpu.memref_slice %arg9[%add3A_30, %dma_wait3A_96] : memref<10000x128xf32, #tpu.memory_space<vmem_shared>> -> memref<64x128xf32, #tpu.memory_space<vmem_shared>>
      %dma_wait3A_98 = arith.constant 0 : i32
      %dma_wait3A_99 = tpu.memref_slice %arg9[%add3A_30, %dma_wait3A_98] : memref<10000x128xf32, #tpu.memory_space<vmem_shared>> -> memref<64x128xf32, #tpu.memory_space<vmem_shared>>
      %dma_wait3A_100 = arith.constant 0 : i32
      %dma_wait3A_101 = arith.constant 0 : i32
      %dma_wait3A_102 = tpu.memref_slice %arg8[%run_scoped3A_31, %dma_wait3A_100, %dma_wait3A_101] : memref<2x80x128xf32, #tpu.memory_space<vmem>> -> memref<1x80x128xf32, #tpu.memory_space<vmem>>
      %dma_wait3A_103 = tpu.memref_squeeze %dma_wait3A_102 : memref<1x80x128xf32, #tpu.memory_space<vmem>> -> memref<80x128xf32, #tpu.memory_space<vmem>>
      %dma_wait3A_104 = arith.constant 0 : i32
      %dma_wait3A_105 = arith.constant 0 : i32
      %dma_wait3A_106 = tpu.memref_slice %dma_wait3A_103[%dma_wait3A_104, %dma_wait3A_105] : memref<80x128xf32, #tpu.memory_space<vmem>> -> memref<64x128xf32, #tpu.memory_space<vmem>>
      tpu.wait_dma2 semaphore(%run_scoped3A_70 : memref<!tpu.dma_semaphore, #tpu.memory_space<semaphore_mem>>) src(%dma_wait3A_106 : memref<64x128xf32, #tpu.memory_space<vmem>>) dst(%dma_wait3A_99 : memref<64x128xf32, #tpu.memory_space<vmem_shared>>)
      tpu.yield
    }) : () -> ()
    %eq3A = arith.constant 15 : i32
    %eq3A_32 = arith.cmpi eq, %arg1, %eq3A : i32
    %convert_element_type3A = arith.extui %eq3A_32 : i1 to i32
    %cond3A = arith.constant 0 : i32
    %cond3A_33 = arith.constant 0 : i32
    %cond3A_34 = arith.cmpi ne, %convert_element_type3A, %cond3A_33 : i32
    scf.if %cond3A_34 {
      "tpu.region"() ({
        %run_scoped3A_70 = tpu.sem_alloc : memref<!tpu.dma_semaphore, #tpu.memory_space<semaphore_mem>>
        %dma_start3A_71 = arith.constant 0 : i32
        %dma_start3A_72 = arith.constant 0 : i32
        %dma_start3A_73 = tpu.memref_slice %arg8[%cond3A, %dma_start3A_71, %dma_start3A_72] : memref<2x80x128xf32, #tpu.memory_space<vmem>> -> memref<1x80x128xf32, #tpu.memory_space<vmem>>
        %dma_start3A_74 = tpu.memref_squeeze %dma_start3A_73 : memref<1x80x128xf32, #tpu.memory_space<vmem>> -> memref<80x128xf32, #tpu.memory_space<vmem>>
        %dma_start3A_75 = arith.constant 0 : i32
        %dma_start3A_76 = arith.constant 0 : i32
        %dma_start3A_77 = tpu.memref_slice %dma_start3A_74[%dma_start3A_75, %dma_start3A_76] : memref<80x128xf32, #tpu.memory_space<vmem>> -> memref<16x128xf32, #tpu.memory_space<vmem>>
        %dma_start3A_78 = arith.constant 9984 : i32
        %dma_start3A_79 = arith.constant 0 : i32
        %dma_start3A_80 = tpu.memref_slice %arg9[%dma_start3A_78, %dma_start3A_79] : memref<10000x128xf32, #tpu.memory_space<vmem_shared>> -> memref<16x128xf32, #tpu.memory_space<vmem_shared>>
        %dma_start3A_81 = arith.constant 9984 : i32
        %dma_start3A_82 = arith.constant 0 : i32
        %dma_start3A_83 = tpu.memref_slice %arg9[%dma_start3A_81, %dma_start3A_82] : memref<10000x128xf32, #tpu.memory_space<vmem_shared>> -> memref<16x128xf32, #tpu.memory_space<vmem_shared>>
        %dma_start3A_84 = arith.constant 0 : i32
        %dma_start3A_85 = arith.constant 0 : i32
        %dma_start3A_86 = tpu.memref_slice %arg8[%cond3A, %dma_start3A_84, %dma_start3A_85] : memref<2x80x128xf32, #tpu.memory_space<vmem>> -> memref<1x80x128xf32, #tpu.memory_space<vmem>>
        %dma_start3A_87 = tpu.memref_squeeze %dma_start3A_86 : memref<1x80x128xf32, #tpu.memory_space<vmem>> -> memref<80x128xf32, #tpu.memory_space<vmem>>
        %dma_start3A_88 = arith.constant 0 : i32
        %dma_start3A_89 = arith.constant 0 : i32
        %dma_start3A_90 = tpu.memref_slice %dma_start3A_87[%dma_start3A_88, %dma_start3A_89] : memref<80x128xf32, #tpu.memory_space<vmem>> -> memref<16x128xf32, #tpu.memory_space<vmem>>
        tpu.enqueue_dma source(%dma_start3A_90 : memref<16x128xf32, #tpu.memory_space<vmem>>) target(%dma_start3A_83 : memref<16x128xf32, #tpu.memory_space<vmem_shared>>) target_semaphore(%run_scoped3A_70 : memref<!tpu.dma_semaphore, #tpu.memory_space<semaphore_mem>>)
        %dma_wait3A_91 = arith.constant 0 : i32
        %dma_wait3A_92 = arith.constant 0 : i32
        %dma_wait3A_93 = tpu.memref_slice %arg8[%cond3A, %dma_wait3A_91, %dma_wait3A_92] : memref<2x80x128xf32, #tpu.memory_space<vmem>> -> memref<1x80x128xf32, #tpu.memory_space<vmem>>
        %dma_wait3A_94 = tpu.memref_squeeze %dma_wait3A_93 : memref<1x80x128xf32, #tpu.memory_space<vmem>> -> memref<80x128xf32, #tpu.memory_space<vmem>>
        %dma_wait3A_95 = arith.constant 0 : i32
        %dma_wait3A_96 = arith.constant 0 : i32
        %dma_wait3A_97 = tpu.memref_slice %dma_wait3A_94[%dma_wait3A_95, %dma_wait3A_96] : memref<80x128xf32, #tpu.memory_space<vmem>> -> memref<16x128xf32, #tpu.memory_space<vmem>>
        %dma_wait3A_98 = arith.constant 9984 : i32
        %dma_wait3A_99 = arith.constant 0 : i32
        %dma_wait3A_100 = tpu.memref_slice %arg9[%dma_wait3A_98, %dma_wait3A_99] : memref<10000x128xf32, #tpu.memory_space<vmem_shared>> -> memref<16x128xf32, #tpu.memory_space<vmem_shared>>
        %dma_wait3A_101 = arith.constant 9984 : i32
        %dma_wait3A_102 = arith.constant 0 : i32
        %dma_wait3A_103 = tpu.memref_slice %arg9[%dma_wait3A_101, %dma_wait3A_102] : memref<10000x128xf32, #tpu.memory_space<vmem_shared>> -> memref<16x128xf32, #tpu.memory_space<vmem_shared>>
        %dma_wait3A_104 = arith.constant 0 : i32
        %dma_wait3A_105 = arith.constant 0 : i32
        %dma_wait3A_106 = tpu.memref_slice %arg8[%cond3A, %dma_wait3A_104, %dma_wait3A_105] : memref<2x80x128xf32, #tpu.memory_space<vmem>> -> memref<1x80x128xf32, #tpu.memory_space<vmem>>
        %dma_wait3A_107 = tpu.memref_squeeze %dma_wait3A_106 : memref<1x80x128xf32, #tpu.memory_space<vmem>> -> memref<80x128xf32, #tpu.memory_space<vmem>>
        %dma_wait3A_108 = arith.constant 0 : i32
        %dma_wait3A_109 = arith.constant 0 : i32
        %dma_wait3A_110 = tpu.memref_slice %dma_wait3A_107[%dma_wait3A_108, %dma_wait3A_109] : memref<80x128xf32, #tpu.memory_space<vmem>> -> memref<16x128xf32, #tpu.memory_space<vmem>>
        tpu.wait_dma2 semaphore(%run_scoped3A_70 : memref<!tpu.dma_semaphore, #tpu.memory_space<semaphore_mem>>) src(%dma_wait3A_110 : memref<16x128xf32, #tpu.memory_space<vmem>>) dst(%dma_wait3A_103 : memref<16x128xf32, #tpu.memory_space<vmem_shared>>)
        tpu.yield
      }) : () -> ()
    } else {
    }
    "tpu.region"() ({
      %run_scoped3A_70 = tpu.sem_alloc : memref<!tpu.dma_semaphore, #tpu.memory_space<semaphore_mem>>
      %dma_start3A_71 = arith.constant 0 : i32
      %dma_start3A_72 = tpu.memref_slice %arg3[%add3A, %dma_start3A_71] : memref<32x10000xi32, #tpu.memory_space<hbm>> -> memref<1x10000xi32, #tpu.memory_space<hbm>>
      %dma_start3A_73 = tpu.memref_squeeze %dma_start3A_72 : memref<1x10000xi32, #tpu.memory_space<hbm>> -> memref<10000xi32, #tpu.memory_space<hbm>>
      %dma_start3A_74 = arith.constant 0 : i32
      %dma_start3A_75 = tpu.memref_slice %arg3[%add3A, %dma_start3A_74] : memref<32x10000xi32, #tpu.memory_space<hbm>> -> memref<1x10000xi32, #tpu.memory_space<hbm>>
      %dma_start3A_76 = tpu.memref_squeeze %dma_start3A_75 : memref<1x10000xi32, #tpu.memory_space<hbm>> -> memref<10000xi32, #tpu.memory_space<hbm>>
      tpu.enqueue_dma source(%dma_start3A_76 : memref<10000xi32, #tpu.memory_space<hbm>>) target(%arg6 : memref<10000xi32, #tpu.memory_space<vmem>>) target_semaphore(%run_scoped3A_70 : memref<!tpu.dma_semaphore, #tpu.memory_space<semaphore_mem>>)
      %dma_wait3A_77 = arith.constant 0 : i32
      %dma_wait3A_78 = tpu.memref_slice %arg3[%add3A, %dma_wait3A_77] : memref<32x10000xi32, #tpu.memory_space<hbm>> -> memref<1x10000xi32, #tpu.memory_space<hbm>>
      %dma_wait3A_79 = tpu.memref_squeeze %dma_wait3A_78 : memref<1x10000xi32, #tpu.memory_space<hbm>> -> memref<10000xi32, #tpu.memory_space<hbm>>
      %dma_wait3A_80 = arith.constant 0 : i32
      %dma_wait3A_81 = tpu.memref_slice %arg3[%add3A, %dma_wait3A_80] : memref<32x10000xi32, #tpu.memory_space<hbm>> -> memref<1x10000xi32, #tpu.memory_space<hbm>>
      %dma_wait3A_82 = tpu.memref_squeeze %dma_wait3A_81 : memref<1x10000xi32, #tpu.memory_space<hbm>> -> memref<10000xi32, #tpu.memory_space<hbm>>
      tpu.wait_dma2 semaphore(%run_scoped3A_70 : memref<!tpu.dma_semaphore, #tpu.memory_space<semaphore_mem>>) src(%dma_wait3A_82 : memref<10000xi32, #tpu.memory_space<hbm>>) dst(%arg6 : memref<10000xi32, #tpu.memory_space<vmem>>)
      tpu.yield
    }) : () -> ()
    "tpu.region"() ({
      %run_scoped3A_70 = tpu.sem_alloc : memref<!tpu.dma_semaphore, #tpu.memory_space<semaphore_mem>>
      %dma_start3A_71 = arith.constant 0 : i32
      %dma_start3A_72 = arith.constant 0 : i32
      %dma_start3A_73 = tpu.memref_slice %arg4[%add3A, %dma_start3A_71, %dma_start3A_72] : memref<32x125x80xi32, #tpu.memory_space<hbm>> -> memref<1x125x80xi32, #tpu.memory_space<hbm>>
      %dma_start3A_74 = tpu.memref_squeeze %dma_start3A_73 : memref<1x125x80xi32, #tpu.memory_space<hbm>> -> memref<125x80xi32, #tpu.memory_space<hbm>>
      %dma_start3A_75 = arith.constant 0 : i32
      %dma_start3A_76 = arith.constant 0 : i32
      %dma_start3A_77 = tpu.memref_slice %arg4[%add3A, %dma_start3A_75, %dma_start3A_76] : memref<32x125x80xi32, #tpu.memory_space<hbm>> -> memref<1x125x80xi32, #tpu.memory_space<hbm>>
      %dma_start3A_78 = tpu.memref_squeeze %dma_start3A_77 : memref<1x125x80xi32, #tpu.memory_space<hbm>> -> memref<125x80xi32, #tpu.memory_space<hbm>>
      tpu.enqueue_dma source(%dma_start3A_78 : memref<125x80xi32, #tpu.memory_space<hbm>>) target(%arg7 : memref<125x80xi32, #tpu.memory_space<vmem>>) target_semaphore(%run_scoped3A_70 : memref<!tpu.dma_semaphore, #tpu.memory_space<semaphore_mem>>)
      %dma_wait3A_79 = arith.constant 0 : i32
      %dma_wait3A_80 = arith.constant 0 : i32
      %dma_wait3A_81 = tpu.memref_slice %arg4[%add3A, %dma_wait3A_79, %dma_wait3A_80] : memref<32x125x80xi32, #tpu.memory_space<hbm>> -> memref<1x125x80xi32, #tpu.memory_space<hbm>>
      %dma_wait3A_82 = tpu.memref_squeeze %dma_wait3A_81 : memref<1x125x80xi32, #tpu.memory_space<hbm>> -> memref<125x80xi32, #tpu.memory_space<hbm>>
      %dma_wait3A_83 = arith.constant 0 : i32
      %dma_wait3A_84 = arith.constant 0 : i32
      %dma_wait3A_85 = tpu.memref_slice %arg4[%add3A, %dma_wait3A_83, %dma_wait3A_84] : memref<32x125x80xi32, #tpu.memory_space<hbm>> -> memref<1x125x80xi32, #tpu.memory_space<hbm>>
      %dma_wait3A_86 = tpu.memref_squeeze %dma_wait3A_85 : memref<1x125x80xi32, #tpu.memory_space<hbm>> -> memref<125x80xi32, #tpu.memory_space<hbm>>
      tpu.wait_dma2 semaphore(%run_scoped3A_70 : memref<!tpu.dma_semaphore, #tpu.memory_space<semaphore_mem>>) src(%dma_wait3A_86 : memref<125x80xi32, #tpu.memory_space<hbm>>) dst(%arg7 : memref<125x80xi32, #tpu.memory_space<vmem>>)
      tpu.yield
    }) : () -> ()
    %barrier3A = arith.constant 0 : index
    tpu.barrier barrier_id(%barrier3A)
    %dma_start3A = arith.constant 0 : i32
    %dma_start3A_35 = arith.constant 0 : i32
    %dma_start3A_36 = arith.constant 0 : i32
    %dma_start3A_37 = tpu.memref_slice %arg8[%dma_start3A, %dma_start3A_35, %dma_start3A_36] : memref<2x80x128xf32, #tpu.memory_space<vmem>> -> memref<1x80x128xf32, #tpu.memory_space<vmem>>
    %dma_start3A_38 = tpu.memref_squeeze %dma_start3A_37 : memref<1x80x128xf32, #tpu.memory_space<vmem>> -> memref<80x128xf32, #tpu.memory_space<vmem>>
    %dma_start3A_39 = arith.constant 0 : i32
    %dma_start3A_40 = tpu.memref_slice %arg6[%dma_start3A_39] : memref<10000xi32, #tpu.memory_space<vmem>> -> memref<80xi32, #tpu.memory_space<vmem>>
    %dma_start3A_41 = arith.constant 0 : i32
    %dma_start3A_42 = arith.constant 0 : i32
    %dma_start3A_43 = tpu.memref_slice %arg2[%dma_start3A_41, %dma_start3A_42] : memref<10000x128xf32, #tpu.memory_space<hbm>> -> memref<10000x128xf32, #tpu.memory_space<hbm>>
    tpu.enqueue_indirect_dma source(%dma_start3A_43 : memref<10000x128xf32, #tpu.memory_space<hbm>>) target(%dma_start3A_38 : memref<80x128xf32, #tpu.memory_space<vmem>>) offsets(%dma_start3A_40 : memref<80xi32, #tpu.memory_space<vmem>>) semaphore(%arg10 : memref<!tpu.dma_semaphore, #tpu.memory_space<semaphore_mem>>)
    %scan3A_44 = arith.constant 0 : i32
    %scan3A_45 = arith.constant 62 : i32
    %scan3A_46 = arith.addi %scan3A_44, %scan3A_45 : i32
    %scan3A_47 = arith.constant 1 : i32
    scf.for %scan3A_70 = %scan3A_44 to %scan3A_46 step %scan3A_47  : i32 {
      %mul3A_71 = arith.constant 2 : i32
      %mul3A_72 = arith.muli %scan3A_70, %mul3A_71 : i32
      %add3A_73 = arith.constant 0 : i32
      %add3A_74 = arith.addi %add3A_73, %mul3A_72 : i32
      %add3A_75 = arith.constant 1 : i32
      %add3A_76 = arith.addi %add3A_74, %add3A_75 : i32
      %mul3A_77 = arith.constant 80 : i32
      %mul3A_78 = arith.muli %add3A_76, %mul3A_77 : i32
      %dma_start3A_79 = arith.constant 1 : i32
      %dma_start3A_80 = arith.constant 0 : i32
      %dma_start3A_81 = arith.constant 0 : i32
      %dma_start3A_82 = tpu.memref_slice %arg8[%dma_start3A_79, %dma_start3A_80, %dma_start3A_81] : memref<2x80x128xf32, #tpu.memory_space<vmem>> -> memref<1x80x128xf32, #tpu.memory_space<vmem>>
      %dma_start3A_83 = tpu.memref_squeeze %dma_start3A_82 : memref<1x80x128xf32, #tpu.memory_space<vmem>> -> memref<80x128xf32, #tpu.memory_space<vmem>>
      %dma_start3A_84 = tpu.memref_slice %arg6[%mul3A_78] : memref<10000xi32, #tpu.memory_space<vmem>> -> memref<80xi32, #tpu.memory_space<vmem>>
      %dma_start3A_85 = arith.constant 0 : i32
      %dma_start3A_86 = arith.constant 0 : i32
      %dma_start3A_87 = tpu.memref_slice %arg2[%dma_start3A_85, %dma_start3A_86] : memref<10000x128xf32, #tpu.memory_space<hbm>> -> memref<10000x128xf32, #tpu.memory_space<hbm>>
      tpu.enqueue_indirect_dma source(%dma_start3A_87 : memref<10000x128xf32, #tpu.memory_space<hbm>>) target(%dma_start3A_83 : memref<80x128xf32, #tpu.memory_space<vmem>>) offsets(%dma_start3A_84 : memref<80xi32, #tpu.memory_space<vmem>>) semaphore(%arg11 : memref<!tpu.dma_semaphore, #tpu.memory_space<semaphore_mem>>)
      %dma_wait3A_88 = arith.constant 0 : i32
      %dma_wait3A_89 = arith.constant 0 : i32
      %dma_wait3A_90 = arith.constant 0 : i32
      %dma_wait3A_91 = tpu.memref_slice %arg8[%dma_wait3A_88, %dma_wait3A_89, %dma_wait3A_90] : memref<2x80x128xf32, #tpu.memory_space<vmem>> -> memref<1x80x128xf32, #tpu.memory_space<vmem>>
      %dma_wait3A_92 = tpu.memref_squeeze %dma_wait3A_91 : memref<1x80x128xf32, #tpu.memory_space<vmem>> -> memref<80x128xf32, #tpu.memory_space<vmem>>
      %dma_wait3A_93 = arith.constant 0 : i32
      %dma_wait3A_94 = tpu.memref_slice %arg6[%dma_wait3A_93] : memref<10000xi32, #tpu.memory_space<vmem>> -> memref<80xi32, #tpu.memory_space<vmem>>
      %dma_wait3A_95 = arith.constant 0 : i32
      %dma_wait3A_96 = arith.constant 0 : i32
      %dma_wait3A_97 = tpu.memref_slice %arg2[%dma_wait3A_95, %dma_wait3A_96] : memref<10000x128xf32, #tpu.memory_space<hbm>> -> memref<10000x128xf32, #tpu.memory_space<hbm>>
      tpu.wait_indirect_dma semaphore(%arg10 : memref<!tpu.dma_semaphore, #tpu.memory_space<semaphore_mem>>) src(%dma_wait3A_97 : memref<10000x128xf32, #tpu.memory_space<hbm>>) dst(%dma_wait3A_92 : memref<80x128xf32, #tpu.memory_space<vmem>>)
      %run_scoped3A_98 = arith.constant 0 : i32
      "tpu.region"() ({
        %run_scoped3A_118 = tpu.sem_alloc : memref<!tpu.dma_semaphore, #tpu.memory_space<semaphore_mem>>
        %dma_start3A_119 = arith.constant 0 : i32
        %dma_start3A_120 = arith.constant 0 : i32
        %dma_start3A_121 = tpu.memref_slice %arg8[%run_scoped3A_98, %dma_start3A_119, %dma_start3A_120] : memref<2x80x128xf32, #tpu.memory_space<vmem>> -> memref<1x80x128xf32, #tpu.memory_space<vmem>>
        %dma_start3A_122 = tpu.memref_squeeze %dma_start3A_121 : memref<1x80x128xf32, #tpu.memory_space<vmem>> -> memref<80x128xf32, #tpu.memory_space<vmem>>
        %dma_start3A_123 = arith.constant 0 : i32
        %dma_start3A_124 = tpu.memref_slice %arg7[%add3A_74, %dma_start3A_123] : memref<125x80xi32, #tpu.memory_space<vmem>> -> memref<1x80xi32, #tpu.memory_space<vmem>>
        %dma_start3A_125 = tpu.memref_squeeze %dma_start3A_124 : memref<1x80xi32, #tpu.memory_space<vmem>> -> memref<80xi32, #tpu.memory_space<vmem>>
        %dma_start3A_126 = arith.constant 0 : i32
        %dma_start3A_127 = arith.constant 0 : i32
        %dma_start3A_128 = tpu.memref_slice %arg9[%dma_start3A_126, %dma_start3A_127] : memref<10000x128xf32, #tpu.memory_space<vmem_shared>> -> memref<10000x128xf32, #tpu.memory_space<vmem_shared>>
        tpu.enqueue_indirect_dma source(%dma_start3A_122 : memref<80x128xf32, #tpu.memory_space<vmem>>) target(%dma_start3A_128 : memref<10000x128xf32, #tpu.memory_space<vmem_shared>>) offsets(%dma_start3A_125 : memref<80xi32, #tpu.memory_space<vmem>>) semaphore(%run_scoped3A_118 : memref<!tpu.dma_semaphore, #tpu.memory_space<semaphore_mem>>) {add = true}
        %dma_wait3A_129 = arith.constant 0 : i32
        %dma_wait3A_130 = arith.constant 0 : i32
        %dma_wait3A_131 = tpu.memref_slice %arg8[%run_scoped3A_98, %dma_wait3A_129, %dma_wait3A_130] : memref<2x80x128xf32, #tpu.memory_space<vmem>> -> memref<1x80x128xf32, #tpu.memory_space<vmem>>
        %dma_wait3A_132 = tpu.memref_squeeze %dma_wait3A_131 : memref<1x80x128xf32, #tpu.memory_space<vmem>> -> memref<80x128xf32, #tpu.memory_space<vmem>>
        %dma_wait3A_133 = arith.constant 0 : i32
        %dma_wait3A_134 = tpu.memref_slice %arg7[%add3A_74, %dma_wait3A_133] : memref<125x80xi32, #tpu.memory_space<vmem>> -> memref<1x80xi32, #tpu.memory_space<vmem>>
        %dma_wait3A_135 = tpu.memref_squeeze %dma_wait3A_134 : memref<1x80xi32, #tpu.memory_space<vmem>> -> memref<80xi32, #tpu.memory_space<vmem>>
        %dma_wait3A_136 = arith.constant 0 : i32
        %dma_wait3A_137 = arith.constant 0 : i32
        %dma_wait3A_138 = tpu.memref_slice %arg9[%dma_wait3A_136, %dma_wait3A_137] : memref<10000x128xf32, #tpu.memory_space<vmem_shared>> -> memref<10000x128xf32, #tpu.memory_space<vmem_shared>>
        tpu.wait_indirect_dma semaphore(%run_scoped3A_118 : memref<!tpu.dma_semaphore, #tpu.memory_space<semaphore_mem>>) src(%dma_wait3A_132 : memref<80x128xf32, #tpu.memory_space<vmem>>) dst(%dma_wait3A_138 : memref<10000x128xf32, #tpu.memory_space<vmem_shared>>)
        tpu.yield
      }) : () -> ()
      %add3A_99 = arith.constant 2 : i32
      %add3A_100 = arith.addi %add3A_74, %add3A_99 : i32
      %lt3A = arith.constant 125 : i32
      %lt3A_101 = arith.cmpi slt, %add3A_100, %lt3A : i32
      %convert_element_type3A_102 = arith.extui %lt3A_101 : i1 to i32
      %cond3A_103 = arith.constant 0 : i32
      %cond3A_104 = arith.cmpi ne, %convert_element_type3A_102, %cond3A_103 : i32
      scf.if %cond3A_104 {
        %add3A_118 = arith.constant 2 : i32
        %add3A_119 = arith.addi %add3A_74, %add3A_118 : i32
        %mul3A_120 = arith.constant 80 : i32
        %mul3A_121 = arith.muli %add3A_119, %mul3A_120 : i32
        %dma_start3A_122 = arith.constant 0 : i32
        %dma_start3A_123 = arith.constant 0 : i32
        %dma_start3A_124 = arith.constant 0 : i32
        %dma_start3A_125 = tpu.memref_slice %arg8[%dma_start3A_122, %dma_start3A_123, %dma_start3A_124] : memref<2x80x128xf32, #tpu.memory_space<vmem>> -> memref<1x80x128xf32, #tpu.memory_space<vmem>>
        %dma_start3A_126 = tpu.memref_squeeze %dma_start3A_125 : memref<1x80x128xf32, #tpu.memory_space<vmem>> -> memref<80x128xf32, #tpu.memory_space<vmem>>
        %dma_start3A_127 = tpu.memref_slice %arg6[%mul3A_121] : memref<10000xi32, #tpu.memory_space<vmem>> -> memref<80xi32, #tpu.memory_space<vmem>>
        %dma_start3A_128 = arith.constant 0 : i32
        %dma_start3A_129 = arith.constant 0 : i32
        %dma_start3A_130 = tpu.memref_slice %arg2[%dma_start3A_128, %dma_start3A_129] : memref<10000x128xf32, #tpu.memory_space<hbm>> -> memref<10000x128xf32, #tpu.memory_space<hbm>>
        tpu.enqueue_indirect_dma source(%dma_start3A_130 : memref<10000x128xf32, #tpu.memory_space<hbm>>) target(%dma_start3A_126 : memref<80x128xf32, #tpu.memory_space<vmem>>) offsets(%dma_start3A_127 : memref<80xi32, #tpu.memory_space<vmem>>) semaphore(%arg10 : memref<!tpu.dma_semaphore, #tpu.memory_space<semaphore_mem>>)
      } else {
      }
      %dma_wait3A_105 = arith.constant 1 : i32
      %dma_wait3A_106 = arith.constant 0 : i32
      %dma_wait3A_107 = arith.constant 0 : i32
      %dma_wait3A_108 = tpu.memref_slice %arg8[%dma_wait3A_105, %dma_wait3A_106, %dma_wait3A_107] : memref<2x80x128xf32, #tpu.memory_space<vmem>> -> memref<1x80x128xf32, #tpu.memory_space<vmem>>
      %dma_wait3A_109 = tpu.memref_squeeze %dma_wait3A_108 : memref<1x80x128xf32, #tpu.memory_space<vmem>> -> memref<80x128xf32, #tpu.memory_space<vmem>>
      %dma_wait3A_110 = arith.constant 0 : i32
      %dma_wait3A_111 = tpu.memref_slice %arg6[%dma_wait3A_110] : memref<10000xi32, #tpu.memory_space<vmem>> -> memref<80xi32, #tpu.memory_space<vmem>>
      %dma_wait3A_112 = arith.constant 0 : i32
      %dma_wait3A_113 = arith.constant 0 : i32
      %dma_wait3A_114 = tpu.memref_slice %arg2[%dma_wait3A_112, %dma_wait3A_113] : memref<10000x128xf32, #tpu.memory_space<hbm>> -> memref<10000x128xf32, #tpu.memory_space<hbm>>
      tpu.wait_indirect_dma semaphore(%arg11 : memref<!tpu.dma_semaphore, #tpu.memory_space<semaphore_mem>>) src(%dma_wait3A_114 : memref<10000x128xf32, #tpu.memory_space<hbm>>) dst(%dma_wait3A_109 : memref<80x128xf32, #tpu.memory_space<vmem>>)
      %add3A_115 = arith.constant 1 : i32
      %add3A_116 = arith.addi %add3A_74, %add3A_115 : i32
      %run_scoped3A_117 = arith.constant 1 : i32
      "tpu.region"() ({
        %run_scoped3A_118 = tpu.sem_alloc : memref<!tpu.dma_semaphore, #tpu.memory_space<semaphore_mem>>
        %dma_start3A_119 = arith.constant 0 : i32
        %dma_start3A_120 = arith.constant 0 : i32
        %dma_start3A_121 = tpu.memref_slice %arg8[%run_scoped3A_117, %dma_start3A_119, %dma_start3A_120] : memref<2x80x128xf32, #tpu.memory_space<vmem>> -> memref<1x80x128xf32, #tpu.memory_space<vmem>>
        %dma_start3A_122 = tpu.memref_squeeze %dma_start3A_121 : memref<1x80x128xf32, #tpu.memory_space<vmem>> -> memref<80x128xf32, #tpu.memory_space<vmem>>
        %dma_start3A_123 = arith.constant 0 : i32
        %dma_start3A_124 = tpu.memref_slice %arg7[%add3A_116, %dma_start3A_123] : memref<125x80xi32, #tpu.memory_space<vmem>> -> memref<1x80xi32, #tpu.memory_space<vmem>>
        %dma_start3A_125 = tpu.memref_squeeze %dma_start3A_124 : memref<1x80xi32, #tpu.memory_space<vmem>> -> memref<80xi32, #tpu.memory_space<vmem>>
        %dma_start3A_126 = arith.constant 0 : i32
        %dma_start3A_127 = arith.constant 0 : i32
        %dma_start3A_128 = tpu.memref_slice %arg9[%dma_start3A_126, %dma_start3A_127] : memref<10000x128xf32, #tpu.memory_space<vmem_shared>> -> memref<10000x128xf32, #tpu.memory_space<vmem_shared>>
        tpu.enqueue_indirect_dma source(%dma_start3A_122 : memref<80x128xf32, #tpu.memory_space<vmem>>) target(%dma_start3A_128 : memref<10000x128xf32, #tpu.memory_space<vmem_shared>>) offsets(%dma_start3A_125 : memref<80xi32, #tpu.memory_space<vmem>>) semaphore(%run_scoped3A_118 : memref<!tpu.dma_semaphore, #tpu.memory_space<semaphore_mem>>) {add = true}
        %dma_wait3A_129 = arith.constant 0 : i32
        %dma_wait3A_130 = arith.constant 0 : i32
        %dma_wait3A_131 = tpu.memref_slice %arg8[%run_scoped3A_117, %dma_wait3A_129, %dma_wait3A_130] : memref<2x80x128xf32, #tpu.memory_space<vmem>> -> memref<1x80x128xf32, #tpu.memory_space<vmem>>
        %dma_wait3A_132 = tpu.memref_squeeze %dma_wait3A_131 : memref<1x80x128xf32, #tpu.memory_space<vmem>> -> memref<80x128xf32, #tpu.memory_space<vmem>>
        %dma_wait3A_133 = arith.constant 0 : i32
        %dma_wait3A_134 = tpu.memref_slice %arg7[%add3A_116, %dma_wait3A_133] : memref<125x80xi32, #tpu.memory_space<vmem>> -> memref<1x80xi32, #tpu.memory_space<vmem>>
        %dma_wait3A_135 = tpu.memref_squeeze %dma_wait3A_134 : memref<1x80xi32, #tpu.memory_space<vmem>> -> memref<80xi32, #tpu.memory_space<vmem>>
        %dma_wait3A_136 = arith.constant 0 : i32
        %dma_wait3A_137 = arith.constant 0 : i32
        %dma_wait3A_138 = tpu.memref_slice %arg9[%dma_wait3A_136, %dma_wait3A_137] : memref<10000x128xf32, #tpu.memory_space<vmem_shared>> -> memref<10000x128xf32, #tpu.memory_space<vmem_shared>>
        tpu.wait_indirect_dma semaphore(%run_scoped3A_118 : memref<!tpu.dma_semaphore, #tpu.memory_space<semaphore_mem>>) src(%dma_wait3A_132 : memref<80x128xf32, #tpu.memory_space<vmem>>) dst(%dma_wait3A_138 : memref<10000x128xf32, #tpu.memory_space<vmem_shared>>)
        tpu.yield
      }) : () -> ()
    }
    %scan3A_48 = arith.constant 62 : i32
    %dma_wait3A = arith.constant 0 : i32
    %dma_wait3A_49 = arith.constant 0 : i32
    %dma_wait3A_50 = arith.constant 0 : i32
    %dma_wait3A_51 = tpu.memref_slice %arg8[%dma_wait3A, %dma_wait3A_49, %dma_wait3A_50] : memref<2x80x128xf32, #tpu.memory_space<vmem>> -> memref<1x80x128xf32, #tpu.memory_space<vmem>>
    %dma_wait3A_52 = tpu.memref_squeeze %dma_wait3A_51 : memref<1x80x128xf32, #tpu.memory_space<vmem>> -> memref<80x128xf32, #tpu.memory_space<vmem>>
    %dma_wait3A_53 = arith.constant 0 : i32
    %dma_wait3A_54 = tpu.memref_slice %arg6[%dma_wait3A_53] : memref<10000xi32, #tpu.memory_space<vmem>> -> memref<80xi32, #tpu.memory_space<vmem>>
    %dma_wait3A_55 = arith.constant 0 : i32
    %dma_wait3A_56 = arith.constant 0 : i32
    %dma_wait3A_57 = tpu.memref_slice %arg2[%dma_wait3A_55, %dma_wait3A_56] : memref<10000x128xf32, #tpu.memory_space<hbm>> -> memref<10000x128xf32, #tpu.memory_space<hbm>>
    tpu.wait_indirect_dma semaphore(%arg10 : memref<!tpu.dma_semaphore, #tpu.memory_space<semaphore_mem>>) src(%dma_wait3A_57 : memref<10000x128xf32, #tpu.memory_space<hbm>>) dst(%dma_wait3A_52 : memref<80x128xf32, #tpu.memory_space<vmem>>)
    %run_scoped3A_58 = arith.constant 0 : i32
    %run_scoped3A_59 = arith.constant 124 : i32
    "tpu.region"() ({
      %run_scoped3A_70 = tpu.sem_alloc : memref<!tpu.dma_semaphore, #tpu.memory_space<semaphore_mem>>
      %dma_start3A_71 = arith.constant 0 : i32
      %dma_start3A_72 = arith.constant 0 : i32
      %dma_start3A_73 = tpu.memref_slice %arg8[%run_scoped3A_58, %dma_start3A_71, %dma_start3A_72] : memref<2x80x128xf32, #tpu.memory_space<vmem>> -> memref<1x80x128xf32, #tpu.memory_space<vmem>>
      %dma_start3A_74 = tpu.memref_squeeze %dma_start3A_73 : memref<1x80x128xf32, #tpu.memory_space<vmem>> -> memref<80x128xf32, #tpu.memory_space<vmem>>
      %dma_start3A_75 = arith.constant 0 : i32
      %dma_start3A_76 = tpu.memref_slice %arg7[%run_scoped3A_59, %dma_start3A_75] : memref<125x80xi32, #tpu.memory_space<vmem>> -> memref<1x80xi32, #tpu.memory_space<vmem>>
      %dma_start3A_77 = tpu.memref_squeeze %dma_start3A_76 : memref<1x80xi32, #tpu.memory_space<vmem>> -> memref<80xi32, #tpu.memory_space<vmem>>
      %dma_start3A_78 = arith.constant 0 : i32
      %dma_start3A_79 = arith.constant 0 : i32
      %dma_start3A_80 = tpu.memref_slice %arg9[%dma_start3A_78, %dma_start3A_79] : memref<10000x128xf32, #tpu.memory_space<vmem_shared>> -> memref<10000x128xf32, #tpu.memory_space<vmem_shared>>
      tpu.enqueue_indirect_dma source(%dma_start3A_74 : memref<80x128xf32, #tpu.memory_space<vmem>>) target(%dma_start3A_80 : memref<10000x128xf32, #tpu.memory_space<vmem_shared>>) offsets(%dma_start3A_77 : memref<80xi32, #tpu.memory_space<vmem>>) semaphore(%run_scoped3A_70 : memref<!tpu.dma_semaphore, #tpu.memory_space<semaphore_mem>>) {add = true}
      %dma_wait3A_81 = arith.constant 0 : i32
      %dma_wait3A_82 = arith.constant 0 : i32
      %dma_wait3A_83 = tpu.memref_slice %arg8[%run_scoped3A_58, %dma_wait3A_81, %dma_wait3A_82] : memref<2x80x128xf32, #tpu.memory_space<vmem>> -> memref<1x80x128xf32, #tpu.memory_space<vmem>>
      %dma_wait3A_84 = tpu.memref_squeeze %dma_wait3A_83 : memref<1x80x128xf32, #tpu.memory_space<vmem>> -> memref<80x128xf32, #tpu.memory_space<vmem>>
      %dma_wait3A_85 = arith.constant 0 : i32
      %dma_wait3A_86 = tpu.memref_slice %arg7[%run_scoped3A_59, %dma_wait3A_85] : memref<125x80xi32, #tpu.memory_space<vmem>> -> memref<1x80xi32, #tpu.memory_space<vmem>>
      %dma_wait3A_87 = tpu.memref_squeeze %dma_wait3A_86 : memref<1x80xi32, #tpu.memory_space<vmem>> -> memref<80xi32, #tpu.memory_space<vmem>>
      %dma_wait3A_88 = arith.constant 0 : i32
      %dma_wait3A_89 = arith.constant 0 : i32
      %dma_wait3A_90 = tpu.memref_slice %arg9[%dma_wait3A_88, %dma_wait3A_89] : memref<10000x128xf32, #tpu.memory_space<vmem_shared>> -> memref<10000x128xf32, #tpu.memory_space<vmem_shared>>
      tpu.wait_indirect_dma semaphore(%run_scoped3A_70 : memref<!tpu.dma_semaphore, #tpu.memory_space<semaphore_mem>>) src(%dma_wait3A_84 : memref<80x128xf32, #tpu.memory_space<vmem>>) dst(%dma_wait3A_90 : memref<10000x128xf32, #tpu.memory_space<vmem_shared>>)
      tpu.yield
    }) : () -> ()
    %barrier3A_60 = arith.constant 0 : index
    tpu.barrier barrier_id(%barrier3A_60)
    %mul3A_61 = arith.constant 624 : i32
    %mul3A_62 = arith.muli %arg1, %mul3A_61 : i32
    %mul3A_63 = arith.constant 624 : i32
    %mul3A_64 = arith.muli %arg1, %mul3A_63 : i32
    "tpu.region"() ({
      %run_scoped3A_70 = tpu.sem_alloc : memref<!tpu.dma_semaphore, #tpu.memory_space<semaphore_mem>>
      %dma_start3A_71 = arith.constant 0 : i32
      %dma_start3A_72 = tpu.memref_slice %arg5[%arg0, %mul3A_64, %dma_start3A_71] : memref<2x10000x128xf32, #tpu.memory_space<hbm>> -> memref<1x624x128xf32, #tpu.memory_space<hbm>>
      %dma_start3A_73 = tpu.memref_squeeze %dma_start3A_72 : memref<1x624x128xf32, #tpu.memory_space<hbm>> -> memref<624x128xf32, #tpu.memory_space<hbm>>
      %dma_start3A_74 = arith.constant 0 : i32
      %dma_start3A_75 = tpu.memref_slice %arg9[%mul3A_62, %dma_start3A_74] : memref<10000x128xf32, #tpu.memory_space<vmem_shared>> -> memref<624x128xf32, #tpu.memory_space<vmem_shared>>
      tpu.enqueue_dma source(%dma_start3A_75 : memref<624x128xf32, #tpu.memory_space<vmem_shared>>) target(%dma_start3A_73 : memref<624x128xf32, #tpu.memory_space<hbm>>) target_semaphore(%run_scoped3A_70 : memref<!tpu.dma_semaphore, #tpu.memory_space<semaphore_mem>>)
      %dma_wait3A_76 = arith.constant 0 : i32
      %dma_wait3A_77 = tpu.memref_slice %arg5[%arg0, %mul3A_64, %dma_wait3A_76] : memref<2x10000x128xf32, #tpu.memory_space<hbm>> -> memref<1x624x128xf32, #tpu.memory_space<hbm>>
      %dma_wait3A_78 = tpu.memref_squeeze %dma_wait3A_77 : memref<1x624x128xf32, #tpu.memory_space<hbm>> -> memref<624x128xf32, #tpu.memory_space<hbm>>
      %dma_wait3A_79 = arith.constant 0 : i32
      %dma_wait3A_80 = tpu.memref_slice %arg9[%mul3A_62, %dma_wait3A_79] : memref<10000x128xf32, #tpu.memory_space<vmem_shared>> -> memref<624x128xf32, #tpu.memory_space<vmem_shared>>
      tpu.wait_dma2 semaphore(%run_scoped3A_70 : memref<!tpu.dma_semaphore, #tpu.memory_space<semaphore_mem>>) src(%dma_wait3A_80 : memref<624x128xf32, #tpu.memory_space<vmem_shared>>) dst(%dma_wait3A_78 : memref<624x128xf32, #tpu.memory_space<hbm>>)
      tpu.yield
    }) : () -> ()
    %eq3A_65 = arith.constant 15 : i32
    %eq3A_66 = arith.cmpi eq, %arg1, %eq3A_65 : i32
    %convert_element_type3A_67 = arith.extui %eq3A_66 : i1 to i32
    %cond3A_68 = arith.constant 0 : i32
    %cond3A_69 = arith.cmpi ne, %convert_element_type3A_67, %cond3A_68 : i32
    scf.if %cond3A_69 {
      "tpu.region"() ({
        %run_scoped3A_70 = tpu.sem_alloc : memref<!tpu.dma_semaphore, #tpu.memory_space<semaphore_mem>>
        %dma_start3A_71 = arith.constant 9984 : i32
        %dma_start3A_72 = arith.constant 0 : i32
        %dma_start3A_73 = tpu.memref_slice %arg5[%arg0, %dma_start3A_71, %dma_start3A_72] : memref<2x10000x128xf32, #tpu.memory_space<hbm>> -> memref<1x16x128xf32, #tpu.memory_space<hbm>>
        %dma_start3A_74 = tpu.memref_squeeze %dma_start3A_73 : memref<1x16x128xf32, #tpu.memory_space<hbm>> -> memref<16x128xf32, #tpu.memory_space<hbm>>
        %dma_start3A_75 = arith.constant 9984 : i32
        %dma_start3A_76 = arith.constant 0 : i32
        %dma_start3A_77 = tpu.memref_slice %arg9[%dma_start3A_75, %dma_start3A_76] : memref<10000x128xf32, #tpu.memory_space<vmem_shared>> -> memref<16x128xf32, #tpu.memory_space<vmem_shared>>
        tpu.enqueue_dma source(%dma_start3A_77 : memref<16x128xf32, #tpu.memory_space<vmem_shared>>) target(%dma_start3A_74 : memref<16x128xf32, #tpu.memory_space<hbm>>) target_semaphore(%run_scoped3A_70 : memref<!tpu.dma_semaphore, #tpu.memory_space<semaphore_mem>>)
        %dma_wait3A_78 = arith.constant 9984 : i32
        %dma_wait3A_79 = arith.constant 0 : i32
        %dma_wait3A_80 = tpu.memref_slice %arg5[%arg0, %dma_wait3A_78, %dma_wait3A_79] : memref<2x10000x128xf32, #tpu.memory_space<hbm>> -> memref<1x16x128xf32, #tpu.memory_space<hbm>>
        %dma_wait3A_81 = tpu.memref_squeeze %dma_wait3A_80 : memref<1x16x128xf32, #tpu.memory_space<hbm>> -> memref<16x128xf32, #tpu.memory_space<hbm>>
        %dma_wait3A_82 = arith.constant 9984 : i32
        %dma_wait3A_83 = arith.constant 0 : i32
        %dma_wait3A_84 = tpu.memref_slice %arg9[%dma_wait3A_82, %dma_wait3A_83] : memref<10000x128xf32, #tpu.memory_space<vmem_shared>> -> memref<16x128xf32, #tpu.memory_space<vmem_shared>>
        tpu.wait_dma2 semaphore(%run_scoped3A_70 : memref<!tpu.dma_semaphore, #tpu.memory_space<semaphore_mem>>) src(%dma_wait3A_84 : memref<16x128xf32, #tpu.memory_space<vmem_shared>>) dst(%dma_wait3A_81 : memref<16x128xf32, #tpu.memory_space<hbm>>)
        tpu.yield
      }) : () -> ()
    } else {
    }
    return
  }
}

#map = affine_map<(d0, d1) -> (0, 0)>
#map1 = affine_map<(d0, d1) -> (0, 0, 0)>
module attributes {stable_mosaic.version = 14 : i64} {
  func.func @agg_kernel(%arg0: i32, %arg1: i32, %arg2: memref<10000x128xf32, #tpu.memory_space<hbm>>, %arg3: memref<32x10000xi32, #tpu.memory_space<hbm>>, %arg4: memref<32x125x80xi32, #tpu.memory_space<hbm>>, %arg5: memref<2x10000x128xf32, #tpu.memory_space<hbm>>, %arg6: memref<10000xi32, #tpu.memory_space<vmem>>, %arg7: memref<125x80xi32, #tpu.memory_space<vmem>>, %arg8: memref<2x80x128xf32, #tpu.memory_space<vmem>>, %arg9: memref<10000x128xf32, #tpu.memory_space<vmem_shared>>, %arg10: memref<!tpu.dma_semaphore, #tpu.memory_space<semaphore_mem>>, %arg11: memref<!tpu.dma_semaphore, #tpu.memory_space<semaphore_mem>>) attributes {dimension_semantics = [#tpu.dimension_semantics<core_parallel>, #tpu.dimension_semantics<subcore_parallel>], iteration_bounds = array<i64: 2, 16>, scalar_prefetch = 0 : i64, scratch_operands = 6 : i64, tpu.core_type = #tpu.core_type<sc_vector_subcore>, window_params = [{transform_indices = #map}, {transform_indices = #map}, {transform_indices = #map1}, {transform_indices = #map1}]} {
    %mul3A = arith.constant 2 : i32
    %mul3A_0 = arith.muli %arg1, %mul3A : i32
    %add3A = arith.addi %mul3A_0, %arg0 : i32
    %broadcast_in_dim3A = arith.constant 0.000000e+00 : f32
    %broadcast_in_dim3A_1 = vector.broadcast %broadcast_in_dim3A : f32 to vector<16xf32>
    %scan3A = arith.constant 0 : i32
    %scan3A_2 = arith.constant 0 : i32
    %scan3A_3 = arith.constant 80 : i32
    %scan3A_4 = arith.addi %scan3A_2, %scan3A_3 : i32
    %scan3A_5 = arith.constant 1 : i32
    scf.for %scan3A_70 = %scan3A_2 to %scan3A_4 step %scan3A_5  : i32 {
      %mul3A_71 = arith.constant 1 : i32
      %mul3A_72 = arith.muli %scan3A_70, %mul3A_71 : i32
      %add3A_73 = arith.constant 0 : i32
      %add3A_74 = arith.addi %add3A_73, %mul3A_72 : i32
      %scan3A_75 = arith.constant 0 : i32
      %scan3A_76 = arith.constant 8 : i32
      %scan3A_77 = arith.addi %scan3A_75, %scan3A_76 : i32
      %scan3A_78 = arith.constant 1 : i32
      scf.for %scan3A_80 = %scan3A_75 to %scan3A_77 step %scan3A_78  : i32 {
        %mul3A_81 = arith.constant 16 : i32
        %mul3A_82 = arith.muli %scan3A_80, %mul3A_81 : i32
        %add3A_83 = arith.constant 0 : i32
        %add3A_84 = arith.addi %add3A_83, %mul3A_82 : i32
        %swap3A = arith.constant 0 : i32
        %swap3A_85 = arith.constant 0 : i32
        %swap3A_86 = tpu.memref_slice %arg8[%scan3A, %swap3A, %swap3A_85] : memref<2x80x128xf32, #tpu.memory_space<vmem>> -> memref<1x80x128xf32, #tpu.memory_space<vmem>>
        %swap3A_87 = tpu.memref_squeeze %swap3A_86 : memref<1x80x128xf32, #tpu.memory_space<vmem>> -> memref<80x128xf32, #tpu.memory_space<vmem>>
        %swap3A_88 = arith.index_cast %add3A_74 : i32 to index
        %swap3A_89 = arith.index_cast %add3A_84 : i32 to index
        %swap3A_90 = tpu.vector_load %swap3A_87[%swap3A_88, %swap3A_89] {strides = array<i32>} : memref<80x128xf32, #tpu.memory_space<vmem>>, vector<1x16xf32>,
        %swap3A_91 = vector.shape_cast %swap3A_90 : vector<1x16xf32> to vector<16xf32>
        %swap3A_92 = vector.shape_cast %broadcast_in_dim3A_1 : vector<16xf32> to vector<1x16xf32>
        tpu.vector_store %swap3A_87[%swap3A_88, %swap3A_89], %swap3A_92 {strides = array<i32>} : memref<80x128xf32, #tpu.memory_space<vmem>>, vector<1x16xf32>,
      }
      %scan3A_79 = arith.constant 8 : i32
    }
    %scan3A_6 = arith.constant 80 : i32
    %mul3A_7 = arith.constant 624 : i32
    %mul3A_8 = arith.muli %arg1, %mul3A_7 : i32
    %add3A_9 = arith.constant 0 : i32
    %add3A_10 = arith.addi %mul3A_8, %add3A_9 : i32
    %run_scoped3A = arith.constant 0 : i32
    "tpu.region"() ({
      %run_scoped3A_70 = tpu.sem_alloc : memref<!tpu.dma_semaphore, #tpu.memory_space<semaphore_mem>>
      %dma_start3A_71 = arith.constant 0 : i32
      %dma_start3A_72 = arith.constant 0 : i32
      %dma_start3A_73 = tpu.memref_slice %arg8[%run_scoped3A, %dma_start3A_71, %dma_start3A_72] : memref<2x80x128xf32, #tpu.memory_space<vmem>> -> memref<1x80x128xf32, #tpu.memory_space<vmem>>
      %dma_start3A_74 = tpu.memref_squeeze %dma_start3A_73 : memref<1x80x128xf32, #tpu.memory_space<vmem>> -> memref<80x128xf32, #tpu.memory_space<vmem>>
      %dma_start3A_75 = arith.constant 0 : i32
      %dma_start3A_76 = arith.constant 0 : i32
      %dma_start3A_77 = tpu.memref_slice %dma_start3A_74[%dma_start3A_75, %dma_start3A_76] : memref<80x128xf32, #tpu.memory_space<vmem>> -> memref<80x128xf32, #tpu.memory_space<vmem>>
      %dma_start3A_78 = arith.constant 0 : i32
      %dma_start3A_79 = tpu.memref_slice %arg9[%add3A_10, %dma_start3A_78] : memref<10000x128xf32, #tpu.memory_space<vmem_shared>> -> memref<80x128xf32, #tpu.memory_space<vmem_shared>>
      %dma_start3A_80 = arith.constant 0 : i32
      %dma_start3A_81 = tpu.memref_slice %arg9[%add3A_10, %dma_start3A_80] : memref<10000x128xf32, #tpu.memory_space<vmem_shared>> -> memref<80x128xf32, #tpu.memory_space<vmem_shared>>
      %dma_start3A_82 = arith.constant 0 : i32
      %dma_start3A_83 = arith.constant 0 : i32
      %dma_start3A_84 = tpu.memref_slice %arg8[%run_scoped3A, %dma_start3A_82, %dma_start3A_83] : memref<2x80x128xf32, #tpu.memory_space<vmem>> -> memref<1x80x128xf32, #tpu.memory_space<vmem>>
      %dma_start3A_85 = tpu.memref_squeeze %dma_start3A_84 : memref<1x80x128xf32, #tpu.memory_space<vmem>> -> memref<80x128xf32, #tpu.memory_space<vmem>>
      %dma_start3A_86 = arith.constant 0 : i32
      %dma_start3A_87 = arith.constant 0 : i32
      %dma_start3A_88 = tpu.memref_slice %dma_start3A_85[%dma_start3A_86, %dma_start3A_87] : memref<80x128xf32, #tpu.memory_space<vmem>> -> memref<80x128xf32, #tpu.memory_space<vmem>>
      tpu.enqueue_dma source(%dma_start3A_88 : memref<80x128xf32, #tpu.memory_space<vmem>>) target(%dma_start3A_81 : memref<80x128xf32, #tpu.memory_space<vmem_shared>>) target_semaphore(%run_scoped3A_70 : memref<!tpu.dma_semaphore, #tpu.memory_space<semaphore_mem>>)
      %dma_wait3A_89 = arith.constant 0 : i32
      %dma_wait3A_90 = arith.constant 0 : i32
      %dma_wait3A_91 = tpu.memref_slice %arg8[%run_scoped3A, %dma_wait3A_89, %dma_wait3A_90] : memref<2x80x128xf32, #tpu.memory_space<vmem>> -> memref<1x80x128xf32, #tpu.memory_space<vmem>>
      %dma_wait3A_92 = tpu.memref_squeeze %dma_wait3A_91 : memref<1x80x128xf32, #tpu.memory_space<vmem>> -> memref<80x128xf32, #tpu.memory_space<vmem>>
      %dma_wait3A_93 = arith.constant 0 : i32
      %dma_wait3A_94 = arith.constant 0 : i32
      %dma_wait3A_95 = tpu.memref_slice %dma_wait3A_92[%dma_wait3A_93, %dma_wait3A_94] : memref<80x128xf32, #tpu.memory_space<vmem>> -> memref<80x128xf32, #tpu.memory_space<vmem>>
      %dma_wait3A_96 = arith.constant 0 : i32
      %dma_wait3A_97 = tpu.memref_slice %arg9[%add3A_10, %dma_wait3A_96] : memref<10000x128xf32, #tpu.memory_space<vmem_shared>> -> memref<80x128xf32, #tpu.memory_space<vmem_shared>>
      %dma_wait3A_98 = arith.constant 0 : i32
      %dma_wait3A_99 = tpu.memref_slice %arg9[%add3A_10, %dma_wait3A_98] : memref<10000x128xf32, #tpu.memory_space<vmem_shared>> -> memref<80x128xf32, #tpu.memory_space<vmem_shared>>
      %dma_wait3A_100 = arith.constant 0 : i32
      %dma_wait3A_101 = arith.constant 0 : i32
      %dma_wait3A_102 = tpu.memref_slice %arg8[%run_scoped3A, %dma_wait3A_100, %dma_wait3A_101] : memref<2x80x128xf32, #tpu.memory_space<vmem>> -> memref<1x80x128xf32, #tpu.memory_space<vmem>>
      %dma_wait3A_103 = tpu.memref_squeeze %dma_wait3A_102 : memref<1x80x128xf32, #tpu.memory_space<vmem>> -> memref<80x128xf32, #tpu.memory_space<vmem>>
      %dma_wait3A_104 = arith.constant 0 : i32
      %dma_wait3A_105 = arith.constant 0 : i32
      %dma_wait3A_106 = tpu.memref_slice %dma_wait3A_103[%dma_wait3A_104, %dma_wait3A_105] : memref<80x128xf32, #tpu.memory_space<vmem>> -> memref<80x128xf32, #tpu.memory_space<vmem>>
      tpu.wait_dma2 semaphore(%run_scoped3A_70 : memref<!tpu.dma_semaphore, #tpu.memory_space<semaphore_mem>>) src(%dma_wait3A_106 : memref<80x128xf32, #tpu.memory_space<vmem>>) dst(%dma_wait3A_99 : memref<80x128xf32, #tpu.memory_space<vmem_shared>>)
      tpu.yield
    }) : () -> ()
    %add3A_11 = arith.constant 80 : i32
    %add3A_12 = arith.addi %mul3A_8, %add3A_11 : i32
    %run_scoped3A_13 = arith.constant 0 : i32
    "tpu.region"() ({
      %run_scoped3A_70 = tpu.sem_alloc : memref<!tpu.dma_semaphore, #tpu.memory_space<semaphore_mem>>
      %dma_start3A_71 = arith.constant 0 : i32
      %dma_start3A_72 = arith.constant 0 : i32
      %dma_start3A_73 = tpu.memref_slice %arg8[%run_scoped3A_13, %dma_start3A_71, %dma_start3A_72] : memref<2x80x128xf32, #tpu.memory_space<vmem>> -> memref<1x80x128xf32, #tpu.memory_space<vmem>>
      %dma_start3A_74 = tpu.memref_squeeze %dma_start3A_73 : memref<1x80x128xf32, #tpu.memory_space<vmem>> -> memref<80x128xf32, #tpu.memory_space<vmem>>
      %dma_start3A_75 = arith.constant 0 : i32
      %dma_start3A_76 = arith.constant 0 : i32
      %dma_start3A_77 = tpu.memref_slice %dma_start3A_74[%dma_start3A_75, %dma_start3A_76] : memref<80x128xf32, #tpu.memory_space<vmem>> -> memref<80x128xf32, #tpu.memory_space<vmem>>
      %dma_start3A_78 = arith.constant 0 : i32
      %dma_start3A_79 = tpu.memref_slice %arg9[%add3A_12, %dma_start3A_78] : memref<10000x128xf32, #tpu.memory_space<vmem_shared>> -> memref<80x128xf32, #tpu.memory_space<vmem_shared>>
      %dma_start3A_80 = arith.constant 0 : i32
      %dma_start3A_81 = tpu.memref_slice %arg9[%add3A_12, %dma_start3A_80] : memref<10000x128xf32, #tpu.memory_space<vmem_shared>> -> memref<80x128xf32, #tpu.memory_space<vmem_shared>>
      %dma_start3A_82 = arith.constant 0 : i32
      %dma_start3A_83 = arith.constant 0 : i32
      %dma_start3A_84 = tpu.memref_slice %arg8[%run_scoped3A_13, %dma_start3A_82, %dma_start3A_83] : memref<2x80x128xf32, #tpu.memory_space<vmem>> -> memref<1x80x128xf32, #tpu.memory_space<vmem>>
      %dma_start3A_85 = tpu.memref_squeeze %dma_start3A_84 : memref<1x80x128xf32, #tpu.memory_space<vmem>> -> memref<80x128xf32, #tpu.memory_space<vmem>>
      %dma_start3A_86 = arith.constant 0 : i32
      %dma_start3A_87 = arith.constant 0 : i32
      %dma_start3A_88 = tpu.memref_slice %dma_start3A_85[%dma_start3A_86, %dma_start3A_87] : memref<80x128xf32, #tpu.memory_space<vmem>> -> memref<80x128xf32, #tpu.memory_space<vmem>>
      tpu.enqueue_dma source(%dma_start3A_88 : memref<80x128xf32, #tpu.memory_space<vmem>>) target(%dma_start3A_81 : memref<80x128xf32, #tpu.memory_space<vmem_shared>>) target_semaphore(%run_scoped3A_70 : memref<!tpu.dma_semaphore, #tpu.memory_space<semaphore_mem>>)
      %dma_wait3A_89 = arith.constant 0 : i32
      %dma_wait3A_90 = arith.constant 0 : i32
      %dma_wait3A_91 = tpu.memref_slice %arg8[%run_scoped3A_13, %dma_wait3A_89, %dma_wait3A_90] : memref<2x80x128xf32, #tpu.memory_space<vmem>> -> memref<1x80x128xf32, #tpu.memory_space<vmem>>
      %dma_wait3A_92 = tpu.memref_squeeze %dma_wait3A_91 : memref<1x80x128xf32, #tpu.memory_space<vmem>> -> memref<80x128xf32, #tpu.memory_space<vmem>>
      %dma_wait3A_93 = arith.constant 0 : i32
      %dma_wait3A_94 = arith.constant 0 : i32
      %dma_wait3A_95 = tpu.memref_slice %dma_wait3A_92[%dma_wait3A_93, %dma_wait3A_94] : memref<80x128xf32, #tpu.memory_space<vmem>> -> memref<80x128xf32, #tpu.memory_space<vmem>>
      %dma_wait3A_96 = arith.constant 0 : i32
      %dma_wait3A_97 = tpu.memref_slice %arg9[%add3A_12, %dma_wait3A_96] : memref<10000x128xf32, #tpu.memory_space<vmem_shared>> -> memref<80x128xf32, #tpu.memory_space<vmem_shared>>
      %dma_wait3A_98 = arith.constant 0 : i32
      %dma_wait3A_99 = tpu.memref_slice %arg9[%add3A_12, %dma_wait3A_98] : memref<10000x128xf32, #tpu.memory_space<vmem_shared>> -> memref<80x128xf32, #tpu.memory_space<vmem_shared>>
      %dma_wait3A_100 = arith.constant 0 : i32
      %dma_wait3A_101 = arith.constant 0 : i32
      %dma_wait3A_102 = tpu.memref_slice %arg8[%run_scoped3A_13, %dma_wait3A_100, %dma_wait3A_101] : memref<2x80x128xf32, #tpu.memory_space<vmem>> -> memref<1x80x128xf32, #tpu.memory_space<vmem>>
      %dma_wait3A_103 = tpu.memref_squeeze %dma_wait3A_102 : memref<1x80x128xf32, #tpu.memory_space<vmem>> -> memref<80x128xf32, #tpu.memory_space<vmem>>
      %dma_wait3A_104 = arith.constant 0 : i32
      %dma_wait3A_105 = arith.constant 0 : i32
      %dma_wait3A_106 = tpu.memref_slice %dma_wait3A_103[%dma_wait3A_104, %dma_wait3A_105] : memref<80x128xf32, #tpu.memory_space<vmem>> -> memref<80x128xf32, #tpu.memory_space<vmem>>
      tpu.wait_dma2 semaphore(%run_scoped3A_70 : memref<!tpu.dma_semaphore, #tpu.memory_space<semaphore_mem>>) src(%dma_wait3A_106 : memref<80x128xf32, #tpu.memory_space<vmem>>) dst(%dma_wait3A_99 : memref<80x128xf32, #tpu.memory_space<vmem_shared>>)
      tpu.yield
    }) : () -> ()
    %add3A_14 = arith.constant 160 : i32
    %add3A_15 = arith.addi %mul3A_8, %add3A_14 : i32
    %run_scoped3A_16 = arith.constant 0 : i32
    "tpu.region"() ({
      %run_scoped3A_70 = tpu.sem_alloc : memref<!tpu.dma_semaphore, #tpu.memory_space<semaphore_mem>>
      %dma_start3A_71 = arith.constant 0 : i32
      %dma_start3A_72 = arith.constant 0 : i32
      %dma_start3A_73 = tpu.memref_slice %arg8[%run_scoped3A_16, %dma_start3A_71, %dma_start3A_72] : memref<2x80x128xf32, #tpu.memory_space<vmem>> -> memref<1x80x128xf32, #tpu.memory_space<vmem>>
      %dma_start3A_74 = tpu.memref_squeeze %dma_start3A_73 : memref<1x80x128xf32, #tpu.memory_space<vmem>> -> memref<80x128xf32, #tpu.memory_space<vmem>>
      %dma_start3A_75 = arith.constant 0 : i32
      %dma_start3A_76 = arith.constant 0 : i32
      %dma_start3A_77 = tpu.memref_slice %dma_start3A_74[%dma_start3A_75, %dma_start3A_76] : memref<80x128xf32, #tpu.memory_space<vmem>> -> memref<80x128xf32, #tpu.memory_space<vmem>>
      %dma_start3A_78 = arith.constant 0 : i32
      %dma_start3A_79 = tpu.memref_slice %arg9[%add3A_15, %dma_start3A_78] : memref<10000x128xf32, #tpu.memory_space<vmem_shared>> -> memref<80x128xf32, #tpu.memory_space<vmem_shared>>
      %dma_start3A_80 = arith.constant 0 : i32
      %dma_start3A_81 = tpu.memref_slice %arg9[%add3A_15, %dma_start3A_80] : memref<10000x128xf32, #tpu.memory_space<vmem_shared>> -> memref<80x128xf32, #tpu.memory_space<vmem_shared>>
      %dma_start3A_82 = arith.constant 0 : i32
      %dma_start3A_83 = arith.constant 0 : i32
      %dma_start3A_84 = tpu.memref_slice %arg8[%run_scoped3A_16, %dma_start3A_82, %dma_start3A_83] : memref<2x80x128xf32, #tpu.memory_space<vmem>> -> memref<1x80x128xf32, #tpu.memory_space<vmem>>
      %dma_start3A_85 = tpu.memref_squeeze %dma_start3A_84 : memref<1x80x128xf32, #tpu.memory_space<vmem>> -> memref<80x128xf32, #tpu.memory_space<vmem>>
      %dma_start3A_86 = arith.constant 0 : i32
      %dma_start3A_87 = arith.constant 0 : i32
      %dma_start3A_88 = tpu.memref_slice %dma_start3A_85[%dma_start3A_86, %dma_start3A_87] : memref<80x128xf32, #tpu.memory_space<vmem>> -> memref<80x128xf32, #tpu.memory_space<vmem>>
      tpu.enqueue_dma source(%dma_start3A_88 : memref<80x128xf32, #tpu.memory_space<vmem>>) target(%dma_start3A_81 : memref<80x128xf32, #tpu.memory_space<vmem_shared>>) target_semaphore(%run_scoped3A_70 : memref<!tpu.dma_semaphore, #tpu.memory_space<semaphore_mem>>)
      %dma_wait3A_89 = arith.constant 0 : i32
      %dma_wait3A_90 = arith.constant 0 : i32
      %dma_wait3A_91 = tpu.memref_slice %arg8[%run_scoped3A_16, %dma_wait3A_89, %dma_wait3A_90] : memref<2x80x128xf32, #tpu.memory_space<vmem>> -> memref<1x80x128xf32, #tpu.memory_space<vmem>>
      %dma_wait3A_92 = tpu.memref_squeeze %dma_wait3A_91 : memref<1x80x128xf32, #tpu.memory_space<vmem>> -> memref<80x128xf32, #tpu.memory_space<vmem>>
      %dma_wait3A_93 = arith.constant 0 : i32
      %dma_wait3A_94 = arith.constant 0 : i32
      %dma_wait3A_95 = tpu.memref_slice %dma_wait3A_92[%dma_wait3A_93, %dma_wait3A_94] : memref<80x128xf32, #tpu.memory_space<vmem>> -> memref<80x128xf32, #tpu.memory_space<vmem>>
      %dma_wait3A_96 = arith.constant 0 : i32
      %dma_wait3A_97 = tpu.memref_slice %arg9[%add3A_15, %dma_wait3A_96] : memref<10000x128xf32, #tpu.memory_space<vmem_shared>> -> memref<80x128xf32, #tpu.memory_space<vmem_shared>>
      %dma_wait3A_98 = arith.constant 0 : i32
      %dma_wait3A_99 = tpu.memref_slice %arg9[%add3A_15, %dma_wait3A_98] : memref<10000x128xf32, #tpu.memory_space<vmem_shared>> -> memref<80x128xf32, #tpu.memory_space<vmem_shared>>
      %dma_wait3A_100 = arith.constant 0 : i32
      %dma_wait3A_101 = arith.constant 0 : i32
      %dma_wait3A_102 = tpu.memref_slice %arg8[%run_scoped3A_16, %dma_wait3A_100, %dma_wait3A_101] : memref<2x80x128xf32, #tpu.memory_space<vmem>> -> memref<1x80x128xf32, #tpu.memory_space<vmem>>
      %dma_wait3A_103 = tpu.memref_squeeze %dma_wait3A_102 : memref<1x80x128xf32, #tpu.memory_space<vmem>> -> memref<80x128xf32, #tpu.memory_space<vmem>>
      %dma_wait3A_104 = arith.constant 0 : i32
      %dma_wait3A_105 = arith.constant 0 : i32
      %dma_wait3A_106 = tpu.memref_slice %dma_wait3A_103[%dma_wait3A_104, %dma_wait3A_105] : memref<80x128xf32, #tpu.memory_space<vmem>> -> memref<80x128xf32, #tpu.memory_space<vmem>>
      tpu.wait_dma2 semaphore(%run_scoped3A_70 : memref<!tpu.dma_semaphore, #tpu.memory_space<semaphore_mem>>) src(%dma_wait3A_106 : memref<80x128xf32, #tpu.memory_space<vmem>>) dst(%dma_wait3A_99 : memref<80x128xf32, #tpu.memory_space<vmem_shared>>)
      tpu.yield
    }) : () -> ()
    %add3A_17 = arith.constant 240 : i32
    %add3A_18 = arith.addi %mul3A_8, %add3A_17 : i32
    %run_scoped3A_19 = arith.constant 0 : i32
    "tpu.region"() ({
      %run_scoped3A_70 = tpu.sem_alloc : memref<!tpu.dma_semaphore, #tpu.memory_space<semaphore_mem>>
      %dma_start3A_71 = arith.constant 0 : i32
      %dma_start3A_72 = arith.constant 0 : i32
      %dma_start3A_73 = tpu.memref_slice %arg8[%run_scoped3A_19, %dma_start3A_71, %dma_start3A_72] : memref<2x80x128xf32, #tpu.memory_space<vmem>> -> memref<1x80x128xf32, #tpu.memory_space<vmem>>
      %dma_start3A_74 = tpu.memref_squeeze %dma_start3A_73 : memref<1x80x128xf32, #tpu.memory_space<vmem>> -> memref<80x128xf32, #tpu.memory_space<vmem>>
      %dma_start3A_75 = arith.constant 0 : i32
      %dma_start3A_76 = arith.constant 0 : i32
      %dma_start3A_77 = tpu.memref_slice %dma_start3A_74[%dma_start3A_75, %dma_start3A_76] : memref<80x128xf32, #tpu.memory_space<vmem>> -> memref<80x128xf32, #tpu.memory_space<vmem>>
      %dma_start3A_78 = arith.constant 0 : i32
      %dma_start3A_79 = tpu.memref_slice %arg9[%add3A_18, %dma_start3A_78] : memref<10000x128xf32, #tpu.memory_space<vmem_shared>> -> memref<80x128xf32, #tpu.memory_space<vmem_shared>>
      %dma_start3A_80 = arith.constant 0 : i32
      %dma_start3A_81 = tpu.memref_slice %arg9[%add3A_18, %dma_start3A_80] : memref<10000x128xf32, #tpu.memory_space<vmem_shared>> -> memref<80x128xf32, #tpu.memory_space<vmem_shared>>
      %dma_start3A_82 = arith.constant 0 : i32
      %dma_start3A_83 = arith.constant 0 : i32
      %dma_start3A_84 = tpu.memref_slice %arg8[%run_scoped3A_19, %dma_start3A_82, %dma_start3A_83] : memref<2x80x128xf32, #tpu.memory_space<vmem>> -> memref<1x80x128xf32, #tpu.memory_space<vmem>>
      %dma_start3A_85 = tpu.memref_squeeze %dma_start3A_84 : memref<1x80x128xf32, #tpu.memory_space<vmem>> -> memref<80x128xf32, #tpu.memory_space<vmem>>
      %dma_start3A_86 = arith.constant 0 : i32
      %dma_start3A_87 = arith.constant 0 : i32
      %dma_start3A_88 = tpu.memref_slice %dma_start3A_85[%dma_start3A_86, %dma_start3A_87] : memref<80x128xf32, #tpu.memory_space<vmem>> -> memref<80x128xf32, #tpu.memory_space<vmem>>
      tpu.enqueue_dma source(%dma_start3A_88 : memref<80x128xf32, #tpu.memory_space<vmem>>) target(%dma_start3A_81 : memref<80x128xf32, #tpu.memory_space<vmem_shared>>) target_semaphore(%run_scoped3A_70 : memref<!tpu.dma_semaphore, #tpu.memory_space<semaphore_mem>>)
      %dma_wait3A_89 = arith.constant 0 : i32
      %dma_wait3A_90 = arith.constant 0 : i32
      %dma_wait3A_91 = tpu.memref_slice %arg8[%run_scoped3A_19, %dma_wait3A_89, %dma_wait3A_90] : memref<2x80x128xf32, #tpu.memory_space<vmem>> -> memref<1x80x128xf32, #tpu.memory_space<vmem>>
      %dma_wait3A_92 = tpu.memref_squeeze %dma_wait3A_91 : memref<1x80x128xf32, #tpu.memory_space<vmem>> -> memref<80x128xf32, #tpu.memory_space<vmem>>
      %dma_wait3A_93 = arith.constant 0 : i32
      %dma_wait3A_94 = arith.constant 0 : i32
      %dma_wait3A_95 = tpu.memref_slice %dma_wait3A_92[%dma_wait3A_93, %dma_wait3A_94] : memref<80x128xf32, #tpu.memory_space<vmem>> -> memref<80x128xf32, #tpu.memory_space<vmem>>
      %dma_wait3A_96 = arith.constant 0 : i32
      %dma_wait3A_97 = tpu.memref_slice %arg9[%add3A_18, %dma_wait3A_96] : memref<10000x128xf32, #tpu.memory_space<vmem_shared>> -> memref<80x128xf32, #tpu.memory_space<vmem_shared>>
      %dma_wait3A_98 = arith.constant 0 : i32
      %dma_wait3A_99 = tpu.memref_slice %arg9[%add3A_18, %dma_wait3A_98] : memref<10000x128xf32, #tpu.memory_space<vmem_shared>> -> memref<80x128xf32, #tpu.memory_space<vmem_shared>>
      %dma_wait3A_100 = arith.constant 0 : i32
      %dma_wait3A_101 = arith.constant 0 : i32
      %dma_wait3A_102 = tpu.memref_slice %arg8[%run_scoped3A_19, %dma_wait3A_100, %dma_wait3A_101] : memref<2x80x128xf32, #tpu.memory_space<vmem>> -> memref<1x80x128xf32, #tpu.memory_space<vmem>>
      %dma_wait3A_103 = tpu.memref_squeeze %dma_wait3A_102 : memref<1x80x128xf32, #tpu.memory_space<vmem>> -> memref<80x128xf32, #tpu.memory_space<vmem>>
      %dma_wait3A_104 = arith.constant 0 : i32
      %dma_wait3A_105 = arith.constant 0 : i32
      %dma_wait3A_106 = tpu.memref_slice %dma_wait3A_103[%dma_wait3A_104, %dma_wait3A_105] : memref<80x128xf32, #tpu.memory_space<vmem>> -> memref<80x128xf32, #tpu.memory_space<vmem>>
      tpu.wait_dma2 semaphore(%run_scoped3A_70 : memref<!tpu.dma_semaphore, #tpu.memory_space<semaphore_mem>>) src(%dma_wait3A_106 : memref<80x128xf32, #tpu.memory_space<vmem>>) dst(%dma_wait3A_99 : memref<80x128xf32, #tpu.memory_space<vmem_shared>>)
      tpu.yield
    }) : () -> ()
    %add3A_20 = arith.constant 320 : i32
    %add3A_21 = arith.addi %mul3A_8, %add3A_20 : i32
    %run_scoped3A_22 = arith.constant 0 : i32
    "tpu.region"() ({
      %run_scoped3A_70 = tpu.sem_alloc : memref<!tpu.dma_semaphore, #tpu.memory_space<semaphore_mem>>
      %dma_start3A_71 = arith.constant 0 : i32
      %dma_start3A_72 = arith.constant 0 : i32
      %dma_start3A_73 = tpu.memref_slice %arg8[%run_scoped3A_22, %dma_start3A_71, %dma_start3A_72] : memref<2x80x128xf32, #tpu.memory_space<vmem>> -> memref<1x80x128xf32, #tpu.memory_space<vmem>>
      %dma_start3A_74 = tpu.memref_squeeze %dma_start3A_73 : memref<1x80x128xf32, #tpu.memory_space<vmem>> -> memref<80x128xf32, #tpu.memory_space<vmem>>
      %dma_start3A_75 = arith.constant 0 : i32
      %dma_start3A_76 = arith.constant 0 : i32
      %dma_start3A_77 = tpu.memref_slice %dma_start3A_74[%dma_start3A_75, %dma_start3A_76] : memref<80x128xf32, #tpu.memory_space<vmem>> -> memref<80x128xf32, #tpu.memory_space<vmem>>
      %dma_start3A_78 = arith.constant 0 : i32
      %dma_start3A_79 = tpu.memref_slice %arg9[%add3A_21, %dma_start3A_78] : memref<10000x128xf32, #tpu.memory_space<vmem_shared>> -> memref<80x128xf32, #tpu.memory_space<vmem_shared>>
      %dma_start3A_80 = arith.constant 0 : i32
      %dma_start3A_81 = tpu.memref_slice %arg9[%add3A_21, %dma_start3A_80] : memref<10000x128xf32, #tpu.memory_space<vmem_shared>> -> memref<80x128xf32, #tpu.memory_space<vmem_shared>>
      %dma_start3A_82 = arith.constant 0 : i32
      %dma_start3A_83 = arith.constant 0 : i32
      %dma_start3A_84 = tpu.memref_slice %arg8[%run_scoped3A_22, %dma_start3A_82, %dma_start3A_83] : memref<2x80x128xf32, #tpu.memory_space<vmem>> -> memref<1x80x128xf32, #tpu.memory_space<vmem>>
      %dma_start3A_85 = tpu.memref_squeeze %dma_start3A_84 : memref<1x80x128xf32, #tpu.memory_space<vmem>> -> memref<80x128xf32, #tpu.memory_space<vmem>>
      %dma_start3A_86 = arith.constant 0 : i32
      %dma_start3A_87 = arith.constant 0 : i32
      %dma_start3A_88 = tpu.memref_slice %dma_start3A_85[%dma_start3A_86, %dma_start3A_87] : memref<80x128xf32, #tpu.memory_space<vmem>> -> memref<80x128xf32, #tpu.memory_space<vmem>>
      tpu.enqueue_dma source(%dma_start3A_88 : memref<80x128xf32, #tpu.memory_space<vmem>>) target(%dma_start3A_81 : memref<80x128xf32, #tpu.memory_space<vmem_shared>>) target_semaphore(%run_scoped3A_70 : memref<!tpu.dma_semaphore, #tpu.memory_space<semaphore_mem>>)
      %dma_wait3A_89 = arith.constant 0 : i32
      %dma_wait3A_90 = arith.constant 0 : i32
      %dma_wait3A_91 = tpu.memref_slice %arg8[%run_scoped3A_22, %dma_wait3A_89, %dma_wait3A_90] : memref<2x80x128xf32, #tpu.memory_space<vmem>> -> memref<1x80x128xf32, #tpu.memory_space<vmem>>
      %dma_wait3A_92 = tpu.memref_squeeze %dma_wait3A_91 : memref<1x80x128xf32, #tpu.memory_space<vmem>> -> memref<80x128xf32, #tpu.memory_space<vmem>>
      %dma_wait3A_93 = arith.constant 0 : i32
      %dma_wait3A_94 = arith.constant 0 : i32
      %dma_wait3A_95 = tpu.memref_slice %dma_wait3A_92[%dma_wait3A_93, %dma_wait3A_94] : memref<80x128xf32, #tpu.memory_space<vmem>> -> memref<80x128xf32, #tpu.memory_space<vmem>>
      %dma_wait3A_96 = arith.constant 0 : i32
      %dma_wait3A_97 = tpu.memref_slice %arg9[%add3A_21, %dma_wait3A_96] : memref<10000x128xf32, #tpu.memory_space<vmem_shared>> -> memref<80x128xf32, #tpu.memory_space<vmem_shared>>
      %dma_wait3A_98 = arith.constant 0 : i32
      %dma_wait3A_99 = tpu.memref_slice %arg9[%add3A_21, %dma_wait3A_98] : memref<10000x128xf32, #tpu.memory_space<vmem_shared>> -> memref<80x128xf32, #tpu.memory_space<vmem_shared>>
      %dma_wait3A_100 = arith.constant 0 : i32
      %dma_wait3A_101 = arith.constant 0 : i32
      %dma_wait3A_102 = tpu.memref_slice %arg8[%run_scoped3A_22, %dma_wait3A_100, %dma_wait3A_101] : memref<2x80x128xf32, #tpu.memory_space<vmem>> -> memref<1x80x128xf32, #tpu.memory_space<vmem>>
      %dma_wait3A_103 = tpu.memref_squeeze %dma_wait3A_102 : memref<1x80x128xf32, #tpu.memory_space<vmem>> -> memref<80x128xf32, #tpu.memory_space<vmem>>
      %dma_wait3A_104 = arith.constant 0 : i32
      %dma_wait3A_105 = arith.constant 0 : i32
      %dma_wait3A_106 = tpu.memref_slice %dma_wait3A_103[%dma_wait3A_104, %dma_wait3A_105] : memref<80x128xf32, #tpu.memory_space<vmem>> -> memref<80x128xf32, #tpu.memory_space<vmem>>
      tpu.wait_dma2 semaphore(%run_scoped3A_70 : memref<!tpu.dma_semaphore, #tpu.memory_space<semaphore_mem>>) src(%dma_wait3A_106 : memref<80x128xf32, #tpu.memory_space<vmem>>) dst(%dma_wait3A_99 : memref<80x128xf32, #tpu.memory_space<vmem_shared>>)
      tpu.yield
    }) : () -> ()
    %add3A_23 = arith.constant 400 : i32
    %add3A_24 = arith.addi %mul3A_8, %add3A_23 : i32
    %run_scoped3A_25 = arith.constant 0 : i32
    "tpu.region"() ({
      %run_scoped3A_70 = tpu.sem_alloc : memref<!tpu.dma_semaphore, #tpu.memory_space<semaphore_mem>>
      %dma_start3A_71 = arith.constant 0 : i32
      %dma_start3A_72 = arith.constant 0 : i32
      %dma_start3A_73 = tpu.memref_slice %arg8[%run_scoped3A_25, %dma_start3A_71, %dma_start3A_72] : memref<2x80x128xf32, #tpu.memory_space<vmem>> -> memref<1x80x128xf32, #tpu.memory_space<vmem>>
      %dma_start3A_74 = tpu.memref_squeeze %dma_start3A_73 : memref<1x80x128xf32, #tpu.memory_space<vmem>> -> memref<80x128xf32, #tpu.memory_space<vmem>>
      %dma_start3A_75 = arith.constant 0 : i32
      %dma_start3A_76 = arith.constant 0 : i32
      %dma_start3A_77 = tpu.memref_slice %dma_start3A_74[%dma_start3A_75, %dma_start3A_76] : memref<80x128xf32, #tpu.memory_space<vmem>> -> memref<80x128xf32, #tpu.memory_space<vmem>>
      %dma_start3A_78 = arith.constant 0 : i32
      %dma_start3A_79 = tpu.memref_slice %arg9[%add3A_24, %dma_start3A_78] : memref<10000x128xf32, #tpu.memory_space<vmem_shared>> -> memref<80x128xf32, #tpu.memory_space<vmem_shared>>
      %dma_start3A_80 = arith.constant 0 : i32
      %dma_start3A_81 = tpu.memref_slice %arg9[%add3A_24, %dma_start3A_80] : memref<10000x128xf32, #tpu.memory_space<vmem_shared>> -> memref<80x128xf32, #tpu.memory_space<vmem_shared>>
      %dma_start3A_82 = arith.constant 0 : i32
      %dma_start3A_83 = arith.constant 0 : i32
      %dma_start3A_84 = tpu.memref_slice %arg8[%run_scoped3A_25, %dma_start3A_82, %dma_start3A_83] : memref<2x80x128xf32, #tpu.memory_space<vmem>> -> memref<1x80x128xf32, #tpu.memory_space<vmem>>
      %dma_start3A_85 = tpu.memref_squeeze %dma_start3A_84 : memref<1x80x128xf32, #tpu.memory_space<vmem>> -> memref<80x128xf32, #tpu.memory_space<vmem>>
      %dma_start3A_86 = arith.constant 0 : i32
      %dma_start3A_87 = arith.constant 0 : i32
      %dma_start3A_88 = tpu.memref_slice %dma_start3A_85[%dma_start3A_86, %dma_start3A_87] : memref<80x128xf32, #tpu.memory_space<vmem>> -> memref<80x128xf32, #tpu.memory_space<vmem>>
      tpu.enqueue_dma source(%dma_start3A_88 : memref<80x128xf32, #tpu.memory_space<vmem>>) target(%dma_start3A_81 : memref<80x128xf32, #tpu.memory_space<vmem_shared>>) target_semaphore(%run_scoped3A_70 : memref<!tpu.dma_semaphore, #tpu.memory_space<semaphore_mem>>)
      %dma_wait3A_89 = arith.constant 0 : i32
      %dma_wait3A_90 = arith.constant 0 : i32
      %dma_wait3A_91 = tpu.memref_slice %arg8[%run_scoped3A_25, %dma_wait3A_89, %dma_wait3A_90] : memref<2x80x128xf32, #tpu.memory_space<vmem>> -> memref<1x80x128xf32, #tpu.memory_space<vmem>>
      %dma_wait3A_92 = tpu.memref_squeeze %dma_wait3A_91 : memref<1x80x128xf32, #tpu.memory_space<vmem>> -> memref<80x128xf32, #tpu.memory_space<vmem>>
      %dma_wait3A_93 = arith.constant 0 : i32
      %dma_wait3A_94 = arith.constant 0 : i32
      %dma_wait3A_95 = tpu.memref_slice %dma_wait3A_92[%dma_wait3A_93, %dma_wait3A_94] : memref<80x128xf32, #tpu.memory_space<vmem>> -> memref<80x128xf32, #tpu.memory_space<vmem>>
      %dma_wait3A_96 = arith.constant 0 : i32
      %dma_wait3A_97 = tpu.memref_slice %arg9[%add3A_24, %dma_wait3A_96] : memref<10000x128xf32, #tpu.memory_space<vmem_shared>> -> memref<80x128xf32, #tpu.memory_space<vmem_shared>>
      %dma_wait3A_98 = arith.constant 0 : i32
      %dma_wait3A_99 = tpu.memref_slice %arg9[%add3A_24, %dma_wait3A_98] : memref<10000x128xf32, #tpu.memory_space<vmem_shared>> -> memref<80x128xf32, #tpu.memory_space<vmem_shared>>
      %dma_wait3A_100 = arith.constant 0 : i32
      %dma_wait3A_101 = arith.constant 0 : i32
      %dma_wait3A_102 = tpu.memref_slice %arg8[%run_scoped3A_25, %dma_wait3A_100, %dma_wait3A_101] : memref<2x80x128xf32, #tpu.memory_space<vmem>> -> memref<1x80x128xf32, #tpu.memory_space<vmem>>
      %dma_wait3A_103 = tpu.memref_squeeze %dma_wait3A_102 : memref<1x80x128xf32, #tpu.memory_space<vmem>> -> memref<80x128xf32, #tpu.memory_space<vmem>>
      %dma_wait3A_104 = arith.constant 0 : i32
      %dma_wait3A_105 = arith.constant 0 : i32
      %dma_wait3A_106 = tpu.memref_slice %dma_wait3A_103[%dma_wait3A_104, %dma_wait3A_105] : memref<80x128xf32, #tpu.memory_space<vmem>> -> memref<80x128xf32, #tpu.memory_space<vmem>>
      tpu.wait_dma2 semaphore(%run_scoped3A_70 : memref<!tpu.dma_semaphore, #tpu.memory_space<semaphore_mem>>) src(%dma_wait3A_106 : memref<80x128xf32, #tpu.memory_space<vmem>>) dst(%dma_wait3A_99 : memref<80x128xf32, #tpu.memory_space<vmem_shared>>)
      tpu.yield
    }) : () -> ()
    %add3A_26 = arith.constant 480 : i32
    %add3A_27 = arith.addi %mul3A_8, %add3A_26 : i32
    %run_scoped3A_28 = arith.constant 0 : i32
    "tpu.region"() ({
      %run_scoped3A_70 = tpu.sem_alloc : memref<!tpu.dma_semaphore, #tpu.memory_space<semaphore_mem>>
      %dma_start3A_71 = arith.constant 0 : i32
      %dma_start3A_72 = arith.constant 0 : i32
      %dma_start3A_73 = tpu.memref_slice %arg8[%run_scoped3A_28, %dma_start3A_71, %dma_start3A_72] : memref<2x80x128xf32, #tpu.memory_space<vmem>> -> memref<1x80x128xf32, #tpu.memory_space<vmem>>
      %dma_start3A_74 = tpu.memref_squeeze %dma_start3A_73 : memref<1x80x128xf32, #tpu.memory_space<vmem>> -> memref<80x128xf32, #tpu.memory_space<vmem>>
      %dma_start3A_75 = arith.constant 0 : i32
      %dma_start3A_76 = arith.constant 0 : i32
      %dma_start3A_77 = tpu.memref_slice %dma_start3A_74[%dma_start3A_75, %dma_start3A_76] : memref<80x128xf32, #tpu.memory_space<vmem>> -> memref<80x128xf32, #tpu.memory_space<vmem>>
      %dma_start3A_78 = arith.constant 0 : i32
      %dma_start3A_79 = tpu.memref_slice %arg9[%add3A_27, %dma_start3A_78] : memref<10000x128xf32, #tpu.memory_space<vmem_shared>> -> memref<80x128xf32, #tpu.memory_space<vmem_shared>>
      %dma_start3A_80 = arith.constant 0 : i32
      %dma_start3A_81 = tpu.memref_slice %arg9[%add3A_27, %dma_start3A_80] : memref<10000x128xf32, #tpu.memory_space<vmem_shared>> -> memref<80x128xf32, #tpu.memory_space<vmem_shared>>
      %dma_start3A_82 = arith.constant 0 : i32
      %dma_start3A_83 = arith.constant 0 : i32
      %dma_start3A_84 = tpu.memref_slice %arg8[%run_scoped3A_28, %dma_start3A_82, %dma_start3A_83] : memref<2x80x128xf32, #tpu.memory_space<vmem>> -> memref<1x80x128xf32, #tpu.memory_space<vmem>>
      %dma_start3A_85 = tpu.memref_squeeze %dma_start3A_84 : memref<1x80x128xf32, #tpu.memory_space<vmem>> -> memref<80x128xf32, #tpu.memory_space<vmem>>
      %dma_start3A_86 = arith.constant 0 : i32
      %dma_start3A_87 = arith.constant 0 : i32
      %dma_start3A_88 = tpu.memref_slice %dma_start3A_85[%dma_start3A_86, %dma_start3A_87] : memref<80x128xf32, #tpu.memory_space<vmem>> -> memref<80x128xf32, #tpu.memory_space<vmem>>
      tpu.enqueue_dma source(%dma_start3A_88 : memref<80x128xf32, #tpu.memory_space<vmem>>) target(%dma_start3A_81 : memref<80x128xf32, #tpu.memory_space<vmem_shared>>) target_semaphore(%run_scoped3A_70 : memref<!tpu.dma_semaphore, #tpu.memory_space<semaphore_mem>>)
      %dma_wait3A_89 = arith.constant 0 : i32
      %dma_wait3A_90 = arith.constant 0 : i32
      %dma_wait3A_91 = tpu.memref_slice %arg8[%run_scoped3A_28, %dma_wait3A_89, %dma_wait3A_90] : memref<2x80x128xf32, #tpu.memory_space<vmem>> -> memref<1x80x128xf32, #tpu.memory_space<vmem>>
      %dma_wait3A_92 = tpu.memref_squeeze %dma_wait3A_91 : memref<1x80x128xf32, #tpu.memory_space<vmem>> -> memref<80x128xf32, #tpu.memory_space<vmem>>
      %dma_wait3A_93 = arith.constant 0 : i32
      %dma_wait3A_94 = arith.constant 0 : i32
      %dma_wait3A_95 = tpu.memref_slice %dma_wait3A_92[%dma_wait3A_93, %dma_wait3A_94] : memref<80x128xf32, #tpu.memory_space<vmem>> -> memref<80x128xf32, #tpu.memory_space<vmem>>
      %dma_wait3A_96 = arith.constant 0 : i32
      %dma_wait3A_97 = tpu.memref_slice %arg9[%add3A_27, %dma_wait3A_96] : memref<10000x128xf32, #tpu.memory_space<vmem_shared>> -> memref<80x128xf32, #tpu.memory_space<vmem_shared>>
      %dma_wait3A_98 = arith.constant 0 : i32
      %dma_wait3A_99 = tpu.memref_slice %arg9[%add3A_27, %dma_wait3A_98] : memref<10000x128xf32, #tpu.memory_space<vmem_shared>> -> memref<80x128xf32, #tpu.memory_space<vmem_shared>>
      %dma_wait3A_100 = arith.constant 0 : i32
      %dma_wait3A_101 = arith.constant 0 : i32
      %dma_wait3A_102 = tpu.memref_slice %arg8[%run_scoped3A_28, %dma_wait3A_100, %dma_wait3A_101] : memref<2x80x128xf32, #tpu.memory_space<vmem>> -> memref<1x80x128xf32, #tpu.memory_space<vmem>>
      %dma_wait3A_103 = tpu.memref_squeeze %dma_wait3A_102 : memref<1x80x128xf32, #tpu.memory_space<vmem>> -> memref<80x128xf32, #tpu.memory_space<vmem>>
      %dma_wait3A_104 = arith.constant 0 : i32
      %dma_wait3A_105 = arith.constant 0 : i32
      %dma_wait3A_106 = tpu.memref_slice %dma_wait3A_103[%dma_wait3A_104, %dma_wait3A_105] : memref<80x128xf32, #tpu.memory_space<vmem>> -> memref<80x128xf32, #tpu.memory_space<vmem>>
      tpu.wait_dma2 semaphore(%run_scoped3A_70 : memref<!tpu.dma_semaphore, #tpu.memory_space<semaphore_mem>>) src(%dma_wait3A_106 : memref<80x128xf32, #tpu.memory_space<vmem>>) dst(%dma_wait3A_99 : memref<80x128xf32, #tpu.memory_space<vmem_shared>>)
      tpu.yield
    }) : () -> ()
    %add3A_29 = arith.constant 560 : i32
    %add3A_30 = arith.addi %mul3A_8, %add3A_29 : i32
    %run_scoped3A_31 = arith.constant 0 : i32
    "tpu.region"() ({
      %run_scoped3A_70 = tpu.sem_alloc : memref<!tpu.dma_semaphore, #tpu.memory_space<semaphore_mem>>
      %dma_start3A_71 = arith.constant 0 : i32
      %dma_start3A_72 = arith.constant 0 : i32
      %dma_start3A_73 = tpu.memref_slice %arg8[%run_scoped3A_31, %dma_start3A_71, %dma_start3A_72] : memref<2x80x128xf32, #tpu.memory_space<vmem>> -> memref<1x80x128xf32, #tpu.memory_space<vmem>>
      %dma_start3A_74 = tpu.memref_squeeze %dma_start3A_73 : memref<1x80x128xf32, #tpu.memory_space<vmem>> -> memref<80x128xf32, #tpu.memory_space<vmem>>
      %dma_start3A_75 = arith.constant 0 : i32
      %dma_start3A_76 = arith.constant 0 : i32
      %dma_start3A_77 = tpu.memref_slice %dma_start3A_74[%dma_start3A_75, %dma_start3A_76] : memref<80x128xf32, #tpu.memory_space<vmem>> -> memref<64x128xf32, #tpu.memory_space<vmem>>
      %dma_start3A_78 = arith.constant 0 : i32
      %dma_start3A_79 = tpu.memref_slice %arg9[%add3A_30, %dma_start3A_78] : memref<10000x128xf32, #tpu.memory_space<vmem_shared>> -> memref<64x128xf32, #tpu.memory_space<vmem_shared>>
      %dma_start3A_80 = arith.constant 0 : i32
      %dma_start3A_81 = tpu.memref_slice %arg9[%add3A_30, %dma_start3A_80] : memref<10000x128xf32, #tpu.memory_space<vmem_shared>> -> memref<64x128xf32, #tpu.memory_space<vmem_shared>>
      %dma_start3A_82 = arith.constant 0 : i32
      %dma_start3A_83 = arith.constant 0 : i32
      %dma_start3A_84 = tpu.memref_slice %arg8[%run_scoped3A_31, %dma_start3A_82, %dma_start3A_83] : memref<2x80x128xf32, #tpu.memory_space<vmem>> -> memref<1x80x128xf32, #tpu.memory_space<vmem>>
      %dma_start3A_85 = tpu.memref_squeeze %dma_start3A_84 : memref<1x80x128xf32, #tpu.memory_space<vmem>> -> memref<80x128xf32, #tpu.memory_space<vmem>>
      %dma_start3A_86 = arith.constant 0 : i32
      %dma_start3A_87 = arith.constant 0 : i32
      %dma_start3A_88 = tpu.memref_slice %dma_start3A_85[%dma_start3A_86, %dma_start3A_87] : memref<80x128xf32, #tpu.memory_space<vmem>> -> memref<64x128xf32, #tpu.memory_space<vmem>>
      tpu.enqueue_dma source(%dma_start3A_88 : memref<64x128xf32, #tpu.memory_space<vmem>>) target(%dma_start3A_81 : memref<64x128xf32, #tpu.memory_space<vmem_shared>>) target_semaphore(%run_scoped3A_70 : memref<!tpu.dma_semaphore, #tpu.memory_space<semaphore_mem>>)
      %dma_wait3A_89 = arith.constant 0 : i32
      %dma_wait3A_90 = arith.constant 0 : i32
      %dma_wait3A_91 = tpu.memref_slice %arg8[%run_scoped3A_31, %dma_wait3A_89, %dma_wait3A_90] : memref<2x80x128xf32, #tpu.memory_space<vmem>> -> memref<1x80x128xf32, #tpu.memory_space<vmem>>
      %dma_wait3A_92 = tpu.memref_squeeze %dma_wait3A_91 : memref<1x80x128xf32, #tpu.memory_space<vmem>> -> memref<80x128xf32, #tpu.memory_space<vmem>>
      %dma_wait3A_93 = arith.constant 0 : i32
      %dma_wait3A_94 = arith.constant 0 : i32
      %dma_wait3A_95 = tpu.memref_slice %dma_wait3A_92[%dma_wait3A_93, %dma_wait3A_94] : memref<80x128xf32, #tpu.memory_space<vmem>> -> memref<64x128xf32, #tpu.memory_space<vmem>>
      %dma_wait3A_96 = arith.constant 0 : i32
      %dma_wait3A_97 = tpu.memref_slice %arg9[%add3A_30, %dma_wait3A_96] : memref<10000x128xf32, #tpu.memory_space<vmem_shared>> -> memref<64x128xf32, #tpu.memory_space<vmem_shared>>
      %dma_wait3A_98 = arith.constant 0 : i32
      %dma_wait3A_99 = tpu.memref_slice %arg9[%add3A_30, %dma_wait3A_98] : memref<10000x128xf32, #tpu.memory_space<vmem_shared>> -> memref<64x128xf32, #tpu.memory_space<vmem_shared>>
      %dma_wait3A_100 = arith.constant 0 : i32
      %dma_wait3A_101 = arith.constant 0 : i32
      %dma_wait3A_102 = tpu.memref_slice %arg8[%run_scoped3A_31, %dma_wait3A_100, %dma_wait3A_101] : memref<2x80x128xf32, #tpu.memory_space<vmem>> -> memref<1x80x128xf32, #tpu.memory_space<vmem>>
      %dma_wait3A_103 = tpu.memref_squeeze %dma_wait3A_102 : memref<1x80x128xf32, #tpu.memory_space<vmem>> -> memref<80x128xf32, #tpu.memory_space<vmem>>
      %dma_wait3A_104 = arith.constant 0 : i32
      %dma_wait3A_105 = arith.constant 0 : i32
      %dma_wait3A_106 = tpu.memref_slice %dma_wait3A_103[%dma_wait3A_104, %dma_wait3A_105] : memref<80x128xf32, #tpu.memory_space<vmem>> -> memref<64x128xf32, #tpu.memory_space<vmem>>
      tpu.wait_dma2 semaphore(%run_scoped3A_70 : memref<!tpu.dma_semaphore, #tpu.memory_space<semaphore_mem>>) src(%dma_wait3A_106 : memref<64x128xf32, #tpu.memory_space<vmem>>) dst(%dma_wait3A_99 : memref<64x128xf32, #tpu.memory_space<vmem_shared>>)
      tpu.yield
    }) : () -> ()
    %eq3A = arith.constant 15 : i32
    %eq3A_32 = arith.cmpi eq, %arg1, %eq3A : i32
    %convert_element_type3A = arith.extui %eq3A_32 : i1 to i32
    %cond3A = arith.constant 0 : i32
    %cond3A_33 = arith.constant 0 : i32
    %cond3A_34 = arith.cmpi ne, %convert_element_type3A, %cond3A_33 : i32
    scf.if %cond3A_34 {
      "tpu.region"() ({
        %run_scoped3A_70 = tpu.sem_alloc : memref<!tpu.dma_semaphore, #tpu.memory_space<semaphore_mem>>
        %dma_start3A_71 = arith.constant 0 : i32
        %dma_start3A_72 = arith.constant 0 : i32
        %dma_start3A_73 = tpu.memref_slice %arg8[%cond3A, %dma_start3A_71, %dma_start3A_72] : memref<2x80x128xf32, #tpu.memory_space<vmem>> -> memref<1x80x128xf32, #tpu.memory_space<vmem>>
        %dma_start3A_74 = tpu.memref_squeeze %dma_start3A_73 : memref<1x80x128xf32, #tpu.memory_space<vmem>> -> memref<80x128xf32, #tpu.memory_space<vmem>>
        %dma_start3A_75 = arith.constant 0 : i32
        %dma_start3A_76 = arith.constant 0 : i32
        %dma_start3A_77 = tpu.memref_slice %dma_start3A_74[%dma_start3A_75, %dma_start3A_76] : memref<80x128xf32, #tpu.memory_space<vmem>> -> memref<16x128xf32, #tpu.memory_space<vmem>>
        %dma_start3A_78 = arith.constant 9984 : i32
        %dma_start3A_79 = arith.constant 0 : i32
        %dma_start3A_80 = tpu.memref_slice %arg9[%dma_start3A_78, %dma_start3A_79] : memref<10000x128xf32, #tpu.memory_space<vmem_shared>> -> memref<16x128xf32, #tpu.memory_space<vmem_shared>>
        %dma_start3A_81 = arith.constant 9984 : i32
        %dma_start3A_82 = arith.constant 0 : i32
        %dma_start3A_83 = tpu.memref_slice %arg9[%dma_start3A_81, %dma_start3A_82] : memref<10000x128xf32, #tpu.memory_space<vmem_shared>> -> memref<16x128xf32, #tpu.memory_space<vmem_shared>>
        %dma_start3A_84 = arith.constant 0 : i32
        %dma_start3A_85 = arith.constant 0 : i32
        %dma_start3A_86 = tpu.memref_slice %arg8[%cond3A, %dma_start3A_84, %dma_start3A_85] : memref<2x80x128xf32, #tpu.memory_space<vmem>> -> memref<1x80x128xf32, #tpu.memory_space<vmem>>
        %dma_start3A_87 = tpu.memref_squeeze %dma_start3A_86 : memref<1x80x128xf32, #tpu.memory_space<vmem>> -> memref<80x128xf32, #tpu.memory_space<vmem>>
        %dma_start3A_88 = arith.constant 0 : i32
        %dma_start3A_89 = arith.constant 0 : i32
        %dma_start3A_90 = tpu.memref_slice %dma_start3A_87[%dma_start3A_88, %dma_start3A_89] : memref<80x128xf32, #tpu.memory_space<vmem>> -> memref<16x128xf32, #tpu.memory_space<vmem>>
        tpu.enqueue_dma source(%dma_start3A_90 : memref<16x128xf32, #tpu.memory_space<vmem>>) target(%dma_start3A_83 : memref<16x128xf32, #tpu.memory_space<vmem_shared>>) target_semaphore(%run_scoped3A_70 : memref<!tpu.dma_semaphore, #tpu.memory_space<semaphore_mem>>)
        %dma_wait3A_91 = arith.constant 0 : i32
        %dma_wait3A_92 = arith.constant 0 : i32
        %dma_wait3A_93 = tpu.memref_slice %arg8[%cond3A, %dma_wait3A_91, %dma_wait3A_92] : memref<2x80x128xf32, #tpu.memory_space<vmem>> -> memref<1x80x128xf32, #tpu.memory_space<vmem>>
        %dma_wait3A_94 = tpu.memref_squeeze %dma_wait3A_93 : memref<1x80x128xf32, #tpu.memory_space<vmem>> -> memref<80x128xf32, #tpu.memory_space<vmem>>
        %dma_wait3A_95 = arith.constant 0 : i32
        %dma_wait3A_96 = arith.constant 0 : i32
        %dma_wait3A_97 = tpu.memref_slice %dma_wait3A_94[%dma_wait3A_95, %dma_wait3A_96] : memref<80x128xf32, #tpu.memory_space<vmem>> -> memref<16x128xf32, #tpu.memory_space<vmem>>
        %dma_wait3A_98 = arith.constant 9984 : i32
        %dma_wait3A_99 = arith.constant 0 : i32
        %dma_wait3A_100 = tpu.memref_slice %arg9[%dma_wait3A_98, %dma_wait3A_99] : memref<10000x128xf32, #tpu.memory_space<vmem_shared>> -> memref<16x128xf32, #tpu.memory_space<vmem_shared>>
        %dma_wait3A_101 = arith.constant 9984 : i32
        %dma_wait3A_102 = arith.constant 0 : i32
        %dma_wait3A_103 = tpu.memref_slice %arg9[%dma_wait3A_101, %dma_wait3A_102] : memref<10000x128xf32, #tpu.memory_space<vmem_shared>> -> memref<16x128xf32, #tpu.memory_space<vmem_shared>>
        %dma_wait3A_104 = arith.constant 0 : i32
        %dma_wait3A_105 = arith.constant 0 : i32
        %dma_wait3A_106 = tpu.memref_slice %arg8[%cond3A, %dma_wait3A_104, %dma_wait3A_105] : memref<2x80x128xf32, #tpu.memory_space<vmem>> -> memref<1x80x128xf32, #tpu.memory_space<vmem>>
        %dma_wait3A_107 = tpu.memref_squeeze %dma_wait3A_106 : memref<1x80x128xf32, #tpu.memory_space<vmem>> -> memref<80x128xf32, #tpu.memory_space<vmem>>
        %dma_wait3A_108 = arith.constant 0 : i32
        %dma_wait3A_109 = arith.constant 0 : i32
        %dma_wait3A_110 = tpu.memref_slice %dma_wait3A_107[%dma_wait3A_108, %dma_wait3A_109] : memref<80x128xf32, #tpu.memory_space<vmem>> -> memref<16x128xf32, #tpu.memory_space<vmem>>
        tpu.wait_dma2 semaphore(%run_scoped3A_70 : memref<!tpu.dma_semaphore, #tpu.memory_space<semaphore_mem>>) src(%dma_wait3A_110 : memref<16x128xf32, #tpu.memory_space<vmem>>) dst(%dma_wait3A_103 : memref<16x128xf32, #tpu.memory_space<vmem_shared>>)
        tpu.yield
      }) : () -> ()
    } else {
    }
    "tpu.region"() ({
      %run_scoped3A_70 = tpu.sem_alloc : memref<!tpu.dma_semaphore, #tpu.memory_space<semaphore_mem>>
      %dma_start3A_71 = arith.constant 0 : i32
      %dma_start3A_72 = tpu.memref_slice %arg3[%add3A, %dma_start3A_71] : memref<32x10000xi32, #tpu.memory_space<hbm>> -> memref<1x10000xi32, #tpu.memory_space<hbm>>
      %dma_start3A_73 = tpu.memref_squeeze %dma_start3A_72 : memref<1x10000xi32, #tpu.memory_space<hbm>> -> memref<10000xi32, #tpu.memory_space<hbm>>
      %dma_start3A_74 = arith.constant 0 : i32
      %dma_start3A_75 = tpu.memref_slice %arg3[%add3A, %dma_start3A_74] : memref<32x10000xi32, #tpu.memory_space<hbm>> -> memref<1x10000xi32, #tpu.memory_space<hbm>>
      %dma_start3A_76 = tpu.memref_squeeze %dma_start3A_75 : memref<1x10000xi32, #tpu.memory_space<hbm>> -> memref<10000xi32, #tpu.memory_space<hbm>>
      tpu.enqueue_dma source(%dma_start3A_76 : memref<10000xi32, #tpu.memory_space<hbm>>) target(%arg6 : memref<10000xi32, #tpu.memory_space<vmem>>) target_semaphore(%run_scoped3A_70 : memref<!tpu.dma_semaphore, #tpu.memory_space<semaphore_mem>>)
      %dma_wait3A_77 = arith.constant 0 : i32
      %dma_wait3A_78 = tpu.memref_slice %arg3[%add3A, %dma_wait3A_77] : memref<32x10000xi32, #tpu.memory_space<hbm>> -> memref<1x10000xi32, #tpu.memory_space<hbm>>
      %dma_wait3A_79 = tpu.memref_squeeze %dma_wait3A_78 : memref<1x10000xi32, #tpu.memory_space<hbm>> -> memref<10000xi32, #tpu.memory_space<hbm>>
      %dma_wait3A_80 = arith.constant 0 : i32
      %dma_wait3A_81 = tpu.memref_slice %arg3[%add3A, %dma_wait3A_80] : memref<32x10000xi32, #tpu.memory_space<hbm>> -> memref<1x10000xi32, #tpu.memory_space<hbm>>
      %dma_wait3A_82 = tpu.memref_squeeze %dma_wait3A_81 : memref<1x10000xi32, #tpu.memory_space<hbm>> -> memref<10000xi32, #tpu.memory_space<hbm>>
      tpu.wait_dma2 semaphore(%run_scoped3A_70 : memref<!tpu.dma_semaphore, #tpu.memory_space<semaphore_mem>>) src(%dma_wait3A_82 : memref<10000xi32, #tpu.memory_space<hbm>>) dst(%arg6 : memref<10000xi32, #tpu.memory_space<vmem>>)
      tpu.yield
    }) : () -> ()
    "tpu.region"() ({
      %run_scoped3A_70 = tpu.sem_alloc : memref<!tpu.dma_semaphore, #tpu.memory_space<semaphore_mem>>
      %dma_start3A_71 = arith.constant 0 : i32
      %dma_start3A_72 = arith.constant 0 : i32
      %dma_start3A_73 = tpu.memref_slice %arg4[%add3A, %dma_start3A_71, %dma_start3A_72] : memref<32x125x80xi32, #tpu.memory_space<hbm>> -> memref<1x125x80xi32, #tpu.memory_space<hbm>>
      %dma_start3A_74 = tpu.memref_squeeze %dma_start3A_73 : memref<1x125x80xi32, #tpu.memory_space<hbm>> -> memref<125x80xi32, #tpu.memory_space<hbm>>
      %dma_start3A_75 = arith.constant 0 : i32
      %dma_start3A_76 = arith.constant 0 : i32
      %dma_start3A_77 = tpu.memref_slice %arg4[%add3A, %dma_start3A_75, %dma_start3A_76] : memref<32x125x80xi32, #tpu.memory_space<hbm>> -> memref<1x125x80xi32, #tpu.memory_space<hbm>>
      %dma_start3A_78 = tpu.memref_squeeze %dma_start3A_77 : memref<1x125x80xi32, #tpu.memory_space<hbm>> -> memref<125x80xi32, #tpu.memory_space<hbm>>
      tpu.enqueue_dma source(%dma_start3A_78 : memref<125x80xi32, #tpu.memory_space<hbm>>) target(%arg7 : memref<125x80xi32, #tpu.memory_space<vmem>>) target_semaphore(%run_scoped3A_70 : memref<!tpu.dma_semaphore, #tpu.memory_space<semaphore_mem>>)
      %dma_wait3A_79 = arith.constant 0 : i32
      %dma_wait3A_80 = arith.constant 0 : i32
      %dma_wait3A_81 = tpu.memref_slice %arg4[%add3A, %dma_wait3A_79, %dma_wait3A_80] : memref<32x125x80xi32, #tpu.memory_space<hbm>> -> memref<1x125x80xi32, #tpu.memory_space<hbm>>
      %dma_wait3A_82 = tpu.memref_squeeze %dma_wait3A_81 : memref<1x125x80xi32, #tpu.memory_space<hbm>> -> memref<125x80xi32, #tpu.memory_space<hbm>>
      %dma_wait3A_83 = arith.constant 0 : i32
      %dma_wait3A_84 = arith.constant 0 : i32
      %dma_wait3A_85 = tpu.memref_slice %arg4[%add3A, %dma_wait3A_83, %dma_wait3A_84] : memref<32x125x80xi32, #tpu.memory_space<hbm>> -> memref<1x125x80xi32, #tpu.memory_space<hbm>>
      %dma_wait3A_86 = tpu.memref_squeeze %dma_wait3A_85 : memref<1x125x80xi32, #tpu.memory_space<hbm>> -> memref<125x80xi32, #tpu.memory_space<hbm>>
      tpu.wait_dma2 semaphore(%run_scoped3A_70 : memref<!tpu.dma_semaphore, #tpu.memory_space<semaphore_mem>>) src(%dma_wait3A_86 : memref<125x80xi32, #tpu.memory_space<hbm>>) dst(%arg7 : memref<125x80xi32, #tpu.memory_space<vmem>>)
      tpu.yield
    }) : () -> ()
    %barrier3A = arith.constant 0 : index
    tpu.barrier barrier_id(%barrier3A)
    %dma_start3A = arith.constant 0 : i32
    %dma_start3A_35 = arith.constant 0 : i32
    %dma_start3A_36 = arith.constant 0 : i32
    %dma_start3A_37 = tpu.memref_slice %arg8[%dma_start3A, %dma_start3A_35, %dma_start3A_36] : memref<2x80x128xf32, #tpu.memory_space<vmem>> -> memref<1x80x128xf32, #tpu.memory_space<vmem>>
    %dma_start3A_38 = tpu.memref_squeeze %dma_start3A_37 : memref<1x80x128xf32, #tpu.memory_space<vmem>> -> memref<80x128xf32, #tpu.memory_space<vmem>>
    %dma_start3A_39 = arith.constant 0 : i32
    %dma_start3A_40 = tpu.memref_slice %arg6[%dma_start3A_39] : memref<10000xi32, #tpu.memory_space<vmem>> -> memref<80xi32, #tpu.memory_space<vmem>>
    %dma_start3A_41 = arith.constant 0 : i32
    %dma_start3A_42 = arith.constant 0 : i32
    %dma_start3A_43 = tpu.memref_slice %arg2[%dma_start3A_41, %dma_start3A_42] : memref<10000x128xf32, #tpu.memory_space<hbm>> -> memref<10000x128xf32, #tpu.memory_space<hbm>>
    tpu.enqueue_indirect_dma source(%dma_start3A_43 : memref<10000x128xf32, #tpu.memory_space<hbm>>) target(%dma_start3A_38 : memref<80x128xf32, #tpu.memory_space<vmem>>) offsets(%dma_start3A_40 : memref<80xi32, #tpu.memory_space<vmem>>) semaphore(%arg10 : memref<!tpu.dma_semaphore, #tpu.memory_space<semaphore_mem>>)
    %scan3A_44 = arith.constant 0 : i32
    %scan3A_45 = arith.constant 62 : i32
    %scan3A_46 = arith.addi %scan3A_44, %scan3A_45 : i32
    %scan3A_47 = arith.constant 1 : i32
    scf.for %scan3A_70 = %scan3A_44 to %scan3A_46 step %scan3A_47  : i32 {
      %mul3A_71 = arith.constant 2 : i32
      %mul3A_72 = arith.muli %scan3A_70, %mul3A_71 : i32
      %add3A_73 = arith.constant 0 : i32
      %add3A_74 = arith.addi %add3A_73, %mul3A_72 : i32
      %add3A_75 = arith.constant 1 : i32
      %add3A_76 = arith.addi %add3A_74, %add3A_75 : i32
      %mul3A_77 = arith.constant 80 : i32
      %mul3A_78 = arith.muli %add3A_76, %mul3A_77 : i32
      %dma_start3A_79 = arith.constant 1 : i32
      %dma_start3A_80 = arith.constant 0 : i32
      %dma_start3A_81 = arith.constant 0 : i32
      %dma_start3A_82 = tpu.memref_slice %arg8[%dma_start3A_79, %dma_start3A_80, %dma_start3A_81] : memref<2x80x128xf32, #tpu.memory_space<vmem>> -> memref<1x80x128xf32, #tpu.memory_space<vmem>>
      %dma_start3A_83 = tpu.memref_squeeze %dma_start3A_82 : memref<1x80x128xf32, #tpu.memory_space<vmem>> -> memref<80x128xf32, #tpu.memory_space<vmem>>
      %dma_start3A_84 = tpu.memref_slice %arg6[%mul3A_78] : memref<10000xi32, #tpu.memory_space<vmem>> -> memref<80xi32, #tpu.memory_space<vmem>>
      %dma_start3A_85 = arith.constant 0 : i32
      %dma_start3A_86 = arith.constant 0 : i32
      %dma_start3A_87 = tpu.memref_slice %arg2[%dma_start3A_85, %dma_start3A_86] : memref<10000x128xf32, #tpu.memory_space<hbm>> -> memref<10000x128xf32, #tpu.memory_space<hbm>>
      tpu.enqueue_indirect_dma source(%dma_start3A_87 : memref<10000x128xf32, #tpu.memory_space<hbm>>) target(%dma_start3A_83 : memref<80x128xf32, #tpu.memory_space<vmem>>) offsets(%dma_start3A_84 : memref<80xi32, #tpu.memory_space<vmem>>) semaphore(%arg11 : memref<!tpu.dma_semaphore, #tpu.memory_space<semaphore_mem>>)
      %dma_wait3A_88 = arith.constant 0 : i32
      %dma_wait3A_89 = arith.constant 0 : i32
      %dma_wait3A_90 = arith.constant 0 : i32
      %dma_wait3A_91 = tpu.memref_slice %arg8[%dma_wait3A_88, %dma_wait3A_89, %dma_wait3A_90] : memref<2x80x128xf32, #tpu.memory_space<vmem>> -> memref<1x80x128xf32, #tpu.memory_space<vmem>>
      %dma_wait3A_92 = tpu.memref_squeeze %dma_wait3A_91 : memref<1x80x128xf32, #tpu.memory_space<vmem>> -> memref<80x128xf32, #tpu.memory_space<vmem>>
      %dma_wait3A_93 = arith.constant 0 : i32
      %dma_wait3A_94 = tpu.memref_slice %arg6[%dma_wait3A_93] : memref<10000xi32, #tpu.memory_space<vmem>> -> memref<80xi32, #tpu.memory_space<vmem>>
      %dma_wait3A_95 = arith.constant 0 : i32
      %dma_wait3A_96 = arith.constant 0 : i32
      %dma_wait3A_97 = tpu.memref_slice %arg2[%dma_wait3A_95, %dma_wait3A_96] : memref<10000x128xf32, #tpu.memory_space<hbm>> -> memref<10000x128xf32, #tpu.memory_space<hbm>>
      tpu.wait_indirect_dma semaphore(%arg10 : memref<!tpu.dma_semaphore, #tpu.memory_space<semaphore_mem>>) src(%dma_wait3A_97 : memref<10000x128xf32, #tpu.memory_space<hbm>>) dst(%dma_wait3A_92 : memref<80x128xf32, #tpu.memory_space<vmem>>)
      %run_scoped3A_98 = arith.constant 0 : i32
      "tpu.region"() ({
        %run_scoped3A_118 = tpu.sem_alloc : memref<!tpu.dma_semaphore, #tpu.memory_space<semaphore_mem>>
        %dma_start3A_119 = arith.constant 0 : i32
        %dma_start3A_120 = arith.constant 0 : i32
        %dma_start3A_121 = tpu.memref_slice %arg8[%run_scoped3A_98, %dma_start3A_119, %dma_start3A_120] : memref<2x80x128xf32, #tpu.memory_space<vmem>> -> memref<1x80x128xf32, #tpu.memory_space<vmem>>
        %dma_start3A_122 = tpu.memref_squeeze %dma_start3A_121 : memref<1x80x128xf32, #tpu.memory_space<vmem>> -> memref<80x128xf32, #tpu.memory_space<vmem>>
        %dma_start3A_123 = arith.constant 0 : i32
        %dma_start3A_124 = tpu.memref_slice %arg7[%add3A_74, %dma_start3A_123] : memref<125x80xi32, #tpu.memory_space<vmem>> -> memref<1x80xi32, #tpu.memory_space<vmem>>
        %dma_start3A_125 = tpu.memref_squeeze %dma_start3A_124 : memref<1x80xi32, #tpu.memory_space<vmem>> -> memref<80xi32, #tpu.memory_space<vmem>>
        %dma_start3A_126 = arith.constant 0 : i32
        %dma_start3A_127 = arith.constant 0 : i32
        %dma_start3A_128 = tpu.memref_slice %arg9[%dma_start3A_126, %dma_start3A_127] : memref<10000x128xf32, #tpu.memory_space<vmem_shared>> -> memref<10000x128xf32, #tpu.memory_space<vmem_shared>>
        tpu.enqueue_indirect_dma source(%dma_start3A_122 : memref<80x128xf32, #tpu.memory_space<vmem>>) target(%dma_start3A_128 : memref<10000x128xf32, #tpu.memory_space<vmem_shared>>) offsets(%dma_start3A_125 : memref<80xi32, #tpu.memory_space<vmem>>) semaphore(%run_scoped3A_118 : memref<!tpu.dma_semaphore, #tpu.memory_space<semaphore_mem>>) {add = true}
        %dma_wait3A_129 = arith.constant 0 : i32
        %dma_wait3A_130 = arith.constant 0 : i32
        %dma_wait3A_131 = tpu.memref_slice %arg8[%run_scoped3A_98, %dma_wait3A_129, %dma_wait3A_130] : memref<2x80x128xf32, #tpu.memory_space<vmem>> -> memref<1x80x128xf32, #tpu.memory_space<vmem>>
        %dma_wait3A_132 = tpu.memref_squeeze %dma_wait3A_131 : memref<1x80x128xf32, #tpu.memory_space<vmem>> -> memref<80x128xf32, #tpu.memory_space<vmem>>
        %dma_wait3A_133 = arith.constant 0 : i32
        %dma_wait3A_134 = tpu.memref_slice %arg7[%add3A_74, %dma_wait3A_133] : memref<125x80xi32, #tpu.memory_space<vmem>> -> memref<1x80xi32, #tpu.memory_space<vmem>>
        %dma_wait3A_135 = tpu.memref_squeeze %dma_wait3A_134 : memref<1x80xi32, #tpu.memory_space<vmem>> -> memref<80xi32, #tpu.memory_space<vmem>>
        %dma_wait3A_136 = arith.constant 0 : i32
        %dma_wait3A_137 = arith.constant 0 : i32
        %dma_wait3A_138 = tpu.memref_slice %arg9[%dma_wait3A_136, %dma_wait3A_137] : memref<10000x128xf32, #tpu.memory_space<vmem_shared>> -> memref<10000x128xf32, #tpu.memory_space<vmem_shared>>
        tpu.wait_indirect_dma semaphore(%run_scoped3A_118 : memref<!tpu.dma_semaphore, #tpu.memory_space<semaphore_mem>>) src(%dma_wait3A_132 : memref<80x128xf32, #tpu.memory_space<vmem>>) dst(%dma_wait3A_138 : memref<10000x128xf32, #tpu.memory_space<vmem_shared>>)
        tpu.yield
      }) : () -> ()
      %add3A_99 = arith.constant 2 : i32
      %add3A_100 = arith.addi %add3A_74, %add3A_99 : i32
      %lt3A = arith.constant 125 : i32
      %lt3A_101 = arith.cmpi slt, %add3A_100, %lt3A : i32
      %convert_element_type3A_102 = arith.extui %lt3A_101 : i1 to i32
      %cond3A_103 = arith.constant 0 : i32
      %cond3A_104 = arith.cmpi ne, %convert_element_type3A_102, %cond3A_103 : i32
      scf.if %cond3A_104 {
        %add3A_118 = arith.constant 2 : i32
        %add3A_119 = arith.addi %add3A_74, %add3A_118 : i32
        %mul3A_120 = arith.constant 80 : i32
        %mul3A_121 = arith.muli %add3A_119, %mul3A_120 : i32
        %dma_start3A_122 = arith.constant 0 : i32
        %dma_start3A_123 = arith.constant 0 : i32
        %dma_start3A_124 = arith.constant 0 : i32
        %dma_start3A_125 = tpu.memref_slice %arg8[%dma_start3A_122, %dma_start3A_123, %dma_start3A_124] : memref<2x80x128xf32, #tpu.memory_space<vmem>> -> memref<1x80x128xf32, #tpu.memory_space<vmem>>
        %dma_start3A_126 = tpu.memref_squeeze %dma_start3A_125 : memref<1x80x128xf32, #tpu.memory_space<vmem>> -> memref<80x128xf32, #tpu.memory_space<vmem>>
        %dma_start3A_127 = tpu.memref_slice %arg6[%mul3A_121] : memref<10000xi32, #tpu.memory_space<vmem>> -> memref<80xi32, #tpu.memory_space<vmem>>
        %dma_start3A_128 = arith.constant 0 : i32
        %dma_start3A_129 = arith.constant 0 : i32
        %dma_start3A_130 = tpu.memref_slice %arg2[%dma_start3A_128, %dma_start3A_129] : memref<10000x128xf32, #tpu.memory_space<hbm>> -> memref<10000x128xf32, #tpu.memory_space<hbm>>
        tpu.enqueue_indirect_dma source(%dma_start3A_130 : memref<10000x128xf32, #tpu.memory_space<hbm>>) target(%dma_start3A_126 : memref<80x128xf32, #tpu.memory_space<vmem>>) offsets(%dma_start3A_127 : memref<80xi32, #tpu.memory_space<vmem>>) semaphore(%arg10 : memref<!tpu.dma_semaphore, #tpu.memory_space<semaphore_mem>>)
      } else {
      }
      %dma_wait3A_105 = arith.constant 1 : i32
      %dma_wait3A_106 = arith.constant 0 : i32
      %dma_wait3A_107 = arith.constant 0 : i32
      %dma_wait3A_108 = tpu.memref_slice %arg8[%dma_wait3A_105, %dma_wait3A_106, %dma_wait3A_107] : memref<2x80x128xf32, #tpu.memory_space<vmem>> -> memref<1x80x128xf32, #tpu.memory_space<vmem>>
      %dma_wait3A_109 = tpu.memref_squeeze %dma_wait3A_108 : memref<1x80x128xf32, #tpu.memory_space<vmem>> -> memref<80x128xf32, #tpu.memory_space<vmem>>
      %dma_wait3A_110 = arith.constant 0 : i32
      %dma_wait3A_111 = tpu.memref_slice %arg6[%dma_wait3A_110] : memref<10000xi32, #tpu.memory_space<vmem>> -> memref<80xi32, #tpu.memory_space<vmem>>
      %dma_wait3A_112 = arith.constant 0 : i32
      %dma_wait3A_113 = arith.constant 0 : i32
      %dma_wait3A_114 = tpu.memref_slice %arg2[%dma_wait3A_112, %dma_wait3A_113] : memref<10000x128xf32, #tpu.memory_space<hbm>> -> memref<10000x128xf32, #tpu.memory_space<hbm>>
      tpu.wait_indirect_dma semaphore(%arg11 : memref<!tpu.dma_semaphore, #tpu.memory_space<semaphore_mem>>) src(%dma_wait3A_114 : memref<10000x128xf32, #tpu.memory_space<hbm>>) dst(%dma_wait3A_109 : memref<80x128xf32, #tpu.memory_space<vmem>>)
      %add3A_115 = arith.constant 1 : i32
      %add3A_116 = arith.addi %add3A_74, %add3A_115 : i32
      %run_scoped3A_117 = arith.constant 1 : i32
      "tpu.region"() ({
        %run_scoped3A_118 = tpu.sem_alloc : memref<!tpu.dma_semaphore, #tpu.memory_space<semaphore_mem>>
        %dma_start3A_119 = arith.constant 0 : i32
        %dma_start3A_120 = arith.constant 0 : i32
        %dma_start3A_121 = tpu.memref_slice %arg8[%run_scoped3A_117, %dma_start3A_119, %dma_start3A_120] : memref<2x80x128xf32, #tpu.memory_space<vmem>> -> memref<1x80x128xf32, #tpu.memory_space<vmem>>
        %dma_start3A_122 = tpu.memref_squeeze %dma_start3A_121 : memref<1x80x128xf32, #tpu.memory_space<vmem>> -> memref<80x128xf32, #tpu.memory_space<vmem>>
        %dma_start3A_123 = arith.constant 0 : i32
        %dma_start3A_124 = tpu.memref_slice %arg7[%add3A_116, %dma_start3A_123] : memref<125x80xi32, #tpu.memory_space<vmem>> -> memref<1x80xi32, #tpu.memory_space<vmem>>
        %dma_start3A_125 = tpu.memref_squeeze %dma_start3A_124 : memref<1x80xi32, #tpu.memory_space<vmem>> -> memref<80xi32, #tpu.memory_space<vmem>>
        %dma_start3A_126 = arith.constant 0 : i32
        %dma_start3A_127 = arith.constant 0 : i32
        %dma_start3A_128 = tpu.memref_slice %arg9[%dma_start3A_126, %dma_start3A_127] : memref<10000x128xf32, #tpu.memory_space<vmem_shared>> -> memref<10000x128xf32, #tpu.memory_space<vmem_shared>>
        tpu.enqueue_indirect_dma source(%dma_start3A_122 : memref<80x128xf32, #tpu.memory_space<vmem>>) target(%dma_start3A_128 : memref<10000x128xf32, #tpu.memory_space<vmem_shared>>) offsets(%dma_start3A_125 : memref<80xi32, #tpu.memory_space<vmem>>) semaphore(%run_scoped3A_118 : memref<!tpu.dma_semaphore, #tpu.memory_space<semaphore_mem>>) {add = true}
        %dma_wait3A_129 = arith.constant 0 : i32
        %dma_wait3A_130 = arith.constant 0 : i32
        %dma_wait3A_131 = tpu.memref_slice %arg8[%run_scoped3A_117, %dma_wait3A_129, %dma_wait3A_130] : memref<2x80x128xf32, #tpu.memory_space<vmem>> -> memref<1x80x128xf32, #tpu.memory_space<vmem>>
        %dma_wait3A_132 = tpu.memref_squeeze %dma_wait3A_131 : memref<1x80x128xf32, #tpu.memory_space<vmem>> -> memref<80x128xf32, #tpu.memory_space<vmem>>
        %dma_wait3A_133 = arith.constant 0 : i32
        %dma_wait3A_134 = tpu.memref_slice %arg7[%add3A_116, %dma_wait3A_133] : memref<125x80xi32, #tpu.memory_space<vmem>> -> memref<1x80xi32, #tpu.memory_space<vmem>>
        %dma_wait3A_135 = tpu.memref_squeeze %dma_wait3A_134 : memref<1x80xi32, #tpu.memory_space<vmem>> -> memref<80xi32, #tpu.memory_space<vmem>>
        %dma_wait3A_136 = arith.constant 0 : i32
        %dma_wait3A_137 = arith.constant 0 : i32
        %dma_wait3A_138 = tpu.memref_slice %arg9[%dma_wait3A_136, %dma_wait3A_137] : memref<10000x128xf32, #tpu.memory_space<vmem_shared>> -> memref<10000x128xf32, #tpu.memory_space<vmem_shared>>
        tpu.wait_indirect_dma semaphore(%run_scoped3A_118 : memref<!tpu.dma_semaphore, #tpu.memory_space<semaphore_mem>>) src(%dma_wait3A_132 : memref<80x128xf32, #tpu.memory_space<vmem>>) dst(%dma_wait3A_138 : memref<10000x128xf32, #tpu.memory_space<vmem_shared>>)
        tpu.yield
      }) : () -> ()
    }
    %scan3A_48 = arith.constant 62 : i32
    %dma_wait3A = arith.constant 0 : i32
    %dma_wait3A_49 = arith.constant 0 : i32
    %dma_wait3A_50 = arith.constant 0 : i32
    %dma_wait3A_51 = tpu.memref_slice %arg8[%dma_wait3A, %dma_wait3A_49, %dma_wait3A_50] : memref<2x80x128xf32, #tpu.memory_space<vmem>> -> memref<1x80x128xf32, #tpu.memory_space<vmem>>
    %dma_wait3A_52 = tpu.memref_squeeze %dma_wait3A_51 : memref<1x80x128xf32, #tpu.memory_space<vmem>> -> memref<80x128xf32, #tpu.memory_space<vmem>>
    %dma_wait3A_53 = arith.constant 0 : i32
    %dma_wait3A_54 = tpu.memref_slice %arg6[%dma_wait3A_53] : memref<10000xi32, #tpu.memory_space<vmem>> -> memref<80xi32, #tpu.memory_space<vmem>>
    %dma_wait3A_55 = arith.constant 0 : i32
    %dma_wait3A_56 = arith.constant 0 : i32
    %dma_wait3A_57 = tpu.memref_slice %arg2[%dma_wait3A_55, %dma_wait3A_56] : memref<10000x128xf32, #tpu.memory_space<hbm>> -> memref<10000x128xf32, #tpu.memory_space<hbm>>
    tpu.wait_indirect_dma semaphore(%arg10 : memref<!tpu.dma_semaphore, #tpu.memory_space<semaphore_mem>>) src(%dma_wait3A_57 : memref<10000x128xf32, #tpu.memory_space<hbm>>) dst(%dma_wait3A_52 : memref<80x128xf32, #tpu.memory_space<vmem>>)
    %run_scoped3A_58 = arith.constant 0 : i32
    %run_scoped3A_59 = arith.constant 124 : i32
    "tpu.region"() ({
      %run_scoped3A_70 = tpu.sem_alloc : memref<!tpu.dma_semaphore, #tpu.memory_space<semaphore_mem>>
      %dma_start3A_71 = arith.constant 0 : i32
      %dma_start3A_72 = arith.constant 0 : i32
      %dma_start3A_73 = tpu.memref_slice %arg8[%run_scoped3A_58, %dma_start3A_71, %dma_start3A_72] : memref<2x80x128xf32, #tpu.memory_space<vmem>> -> memref<1x80x128xf32, #tpu.memory_space<vmem>>
      %dma_start3A_74 = tpu.memref_squeeze %dma_start3A_73 : memref<1x80x128xf32, #tpu.memory_space<vmem>> -> memref<80x128xf32, #tpu.memory_space<vmem>>
      %dma_start3A_75 = arith.constant 0 : i32
      %dma_start3A_76 = tpu.memref_slice %arg7[%run_scoped3A_59, %dma_start3A_75] : memref<125x80xi32, #tpu.memory_space<vmem>> -> memref<1x80xi32, #tpu.memory_space<vmem>>
      %dma_start3A_77 = tpu.memref_squeeze %dma_start3A_76 : memref<1x80xi32, #tpu.memory_space<vmem>> -> memref<80xi32, #tpu.memory_space<vmem>>
      %dma_start3A_78 = arith.constant 0 : i32
      %dma_start3A_79 = arith.constant 0 : i32
      %dma_start3A_80 = tpu.memref_slice %arg9[%dma_start3A_78, %dma_start3A_79] : memref<10000x128xf32, #tpu.memory_space<vmem_shared>> -> memref<10000x128xf32, #tpu.memory_space<vmem_shared>>
      tpu.enqueue_indirect_dma source(%dma_start3A_74 : memref<80x128xf32, #tpu.memory_space<vmem>>) target(%dma_start3A_80 : memref<10000x128xf32, #tpu.memory_space<vmem_shared>>) offsets(%dma_start3A_77 : memref<80xi32, #tpu.memory_space<vmem>>) semaphore(%run_scoped3A_70 : memref<!tpu.dma_semaphore, #tpu.memory_space<semaphore_mem>>) {add = true}
      %dma_wait3A_81 = arith.constant 0 : i32
      %dma_wait3A_82 = arith.constant 0 : i32
      %dma_wait3A_83 = tpu.memref_slice %arg8[%run_scoped3A_58, %dma_wait3A_81, %dma_wait3A_82] : memref<2x80x128xf32, #tpu.memory_space<vmem>> -> memref<1x80x128xf32, #tpu.memory_space<vmem>>
      %dma_wait3A_84 = tpu.memref_squeeze %dma_wait3A_83 : memref<1x80x128xf32, #tpu.memory_space<vmem>> -> memref<80x128xf32, #tpu.memory_space<vmem>>
      %dma_wait3A_85 = arith.constant 0 : i32
      %dma_wait3A_86 = tpu.memref_slice %arg7[%run_scoped3A_59, %dma_wait3A_85] : memref<125x80xi32, #tpu.memory_space<vmem>> -> memref<1x80xi32, #tpu.memory_space<vmem>>
      %dma_wait3A_87 = tpu.memref_squeeze %dma_wait3A_86 : memref<1x80xi32, #tpu.memory_space<vmem>> -> memref<80xi32, #tpu.memory_space<vmem>>
      %dma_wait3A_88 = arith.constant 0 : i32
      %dma_wait3A_89 = arith.constant 0 : i32
      %dma_wait3A_90 = tpu.memref_slice %arg9[%dma_wait3A_88, %dma_wait3A_89] : memref<10000x128xf32, #tpu.memory_space<vmem_shared>> -> memref<10000x128xf32, #tpu.memory_space<vmem_shared>>
      tpu.wait_indirect_dma semaphore(%run_scoped3A_70 : memref<!tpu.dma_semaphore, #tpu.memory_space<semaphore_mem>>) src(%dma_wait3A_84 : memref<80x128xf32, #tpu.memory_space<vmem>>) dst(%dma_wait3A_90 : memref<10000x128xf32, #tpu.memory_space<vmem_shared>>)
      tpu.yield
    }) : () -> ()
    %barrier3A_60 = arith.constant 0 : index
    tpu.barrier barrier_id(%barrier3A_60)
    %mul3A_61 = arith.constant 624 : i32
    %mul3A_62 = arith.muli %arg1, %mul3A_61 : i32
    %mul3A_63 = arith.constant 624 : i32
    %mul3A_64 = arith.muli %arg1, %mul3A_63 : i32
    "tpu.region"() ({
      %run_scoped3A_70 = tpu.sem_alloc : memref<!tpu.dma_semaphore, #tpu.memory_space<semaphore_mem>>
      %dma_start3A_71 = arith.constant 0 : i32
      %dma_start3A_72 = tpu.memref_slice %arg5[%arg0, %mul3A_64, %dma_start3A_71] : memref<2x10000x128xf32, #tpu.memory_space<hbm>> -> memref<1x624x128xf32, #tpu.memory_space<hbm>>
      %dma_start3A_73 = tpu.memref_squeeze %dma_start3A_72 : memref<1x624x128xf32, #tpu.memory_space<hbm>> -> memref<624x128xf32, #tpu.memory_space<hbm>>
      %dma_start3A_74 = arith.constant 0 : i32
      %dma_start3A_75 = tpu.memref_slice %arg9[%mul3A_62, %dma_start3A_74] : memref<10000x128xf32, #tpu.memory_space<vmem_shared>> -> memref<624x128xf32, #tpu.memory_space<vmem_shared>>
      tpu.enqueue_dma source(%dma_start3A_75 : memref<624x128xf32, #tpu.memory_space<vmem_shared>>) target(%dma_start3A_73 : memref<624x128xf32, #tpu.memory_space<hbm>>) target_semaphore(%run_scoped3A_70 : memref<!tpu.dma_semaphore, #tpu.memory_space<semaphore_mem>>)
      %dma_wait3A_76 = arith.constant 0 : i32
      %dma_wait3A_77 = tpu.memref_slice %arg5[%arg0, %mul3A_64, %dma_wait3A_76] : memref<2x10000x128xf32, #tpu.memory_space<hbm>> -> memref<1x624x128xf32, #tpu.memory_space<hbm>>
      %dma_wait3A_78 = tpu.memref_squeeze %dma_wait3A_77 : memref<1x624x128xf32, #tpu.memory_space<hbm>> -> memref<624x128xf32, #tpu.memory_space<hbm>>
      %dma_wait3A_79 = arith.constant 0 : i32
      %dma_wait3A_80 = tpu.memref_slice %arg9[%mul3A_62, %dma_wait3A_79] : memref<10000x128xf32, #tpu.memory_space<vmem_shared>> -> memref<624x128xf32, #tpu.memory_space<vmem_shared>>
      tpu.wait_dma2 semaphore(%run_scoped3A_70 : memref<!tpu.dma_semaphore, #tpu.memory_space<semaphore_mem>>) src(%dma_wait3A_80 : memref<624x128xf32, #tpu.memory_space<vmem_shared>>) dst(%dma_wait3A_78 : memref<624x128xf32, #tpu.memory_space<hbm>>)
      tpu.yield
    }) : () -> ()
    %eq3A_65 = arith.constant 15 : i32
    %eq3A_66 = arith.cmpi eq, %arg1, %eq3A_65 : i32
    %convert_element_type3A_67 = arith.extui %eq3A_66 : i1 to i32
    %cond3A_68 = arith.constant 0 : i32
    %cond3A_69 = arith.cmpi ne, %convert_element_type3A_67, %cond3A_68 : i32
    scf.if %cond3A_69 {
      "tpu.region"() ({
        %run_scoped3A_70 = tpu.sem_alloc : memref<!tpu.dma_semaphore, #tpu.memory_space<semaphore_mem>>
        %dma_start3A_71 = arith.constant 9984 : i32
        %dma_start3A_72 = arith.constant 0 : i32
        %dma_start3A_73 = tpu.memref_slice %arg5[%arg0, %dma_start3A_71, %dma_start3A_72] : memref<2x10000x128xf32, #tpu.memory_space<hbm>> -> memref<1x16x128xf32, #tpu.memory_space<hbm>>
        %dma_start3A_74 = tpu.memref_squeeze %dma_start3A_73 : memref<1x16x128xf32, #tpu.memory_space<hbm>> -> memref<16x128xf32, #tpu.memory_space<hbm>>
        %dma_start3A_75 = arith.constant 9984 : i32
        %dma_start3A_76 = arith.constant 0 : i32
        %dma_start3A_77 = tpu.memref_slice %arg9[%dma_start3A_75, %dma_start3A_76] : memref<10000x128xf32, #tpu.memory_space<vmem_shared>> -> memref<16x128xf32, #tpu.memory_space<vmem_shared>>
        tpu.enqueue_dma source(%dma_start3A_77 : memref<16x128xf32, #tpu.memory_space<vmem_shared>>) target(%dma_start3A_74 : memref<16x128xf32, #tpu.memory_space<hbm>>) target_semaphore(%run_scoped3A_70 : memref<!tpu.dma_semaphore, #tpu.memory_space<semaphore_mem>>)
        %dma_wait3A_78 = arith.constant 9984 : i32
        %dma_wait3A_79 = arith.constant 0 : i32
        %dma_wait3A_80 = tpu.memref_slice %arg5[%arg0, %dma_wait3A_78, %dma_wait3A_79] : memref<2x10000x128xf32, #tpu.memory_space<hbm>> -> memref<1x16x128xf32, #tpu.memory_space<hbm>>
        %dma_wait3A_81 = tpu.memref_squeeze %dma_wait3A_80 : memref<1x16x128xf32, #tpu.memory_space<hbm>> -> memref<16x128xf32, #tpu.memory_space<hbm>>
        %dma_wait3A_82 = arith.constant 9984 : i32
        %dma_wait3A_83 = arith.constant 0 : i32
        %dma_wait3A_84 = tpu.memref_slice %arg9[%dma_wait3A_82, %dma_wait3A_83] : memref<10000x128xf32, #tpu.memory_space<vmem_shared>> -> memref<16x128xf32, #tpu.memory_space<vmem_shared>>
        tpu.wait_dma2 semaphore(%run_scoped3A_70 : memref<!tpu.dma_semaphore, #tpu.memory_space<semaphore_mem>>) src(%dma_wait3A_84 : memref<16x128xf32, #tpu.memory_space<vmem_shared>>) dst(%dma_wait3A_81 : memref<16x128xf32, #tpu.memory_space<hbm>>)
        tpu.yield
      }) : () -> ()
    } else {
    }
    return
  }
}

module attributes {stable_mosaic.version = 14 : i64} {
  func.func @_prep_body(%arg0: memref<2x10000x1xf32, #tpu.memory_space<vmem>>, %arg1: memref<10000x128xf32, #tpu.memory_space<vmem>>, %arg2: memref<10000x1xf32, #tpu.memory_space<vmem>>, %arg3: memref<10000x128xf32, #tpu.memory_space<vmem>>) attributes {dimension_semantics = [], scalar_prefetch = 0 : i64, scratch_operands = 0 : i64, tpu.core_type = #tpu.core_type<tc>} {
    %get3A = arith.constant 0 : index
    %get3A_0 = arith.constant 0 : index
    %get3A_1 = arith.constant 0 : index
    %get3A_2 = vector.load %arg0[%get3A, %get3A_0, %get3A_1] : memref<2x10000x1xf32, #tpu.memory_space<vmem>>, vector<1x10000x1xf32>
    %get3A_3 = vector.shape_cast %get3A_2 : vector<1x10000x1xf32> to vector<10000x1xf32>
    %get3A_4 = arith.constant 1 : index
    %get3A_5 = arith.constant 0 : index
    %get3A_6 = arith.constant 0 : index
    %get3A_7 = vector.load %arg0[%get3A_4, %get3A_5, %get3A_6] : memref<2x10000x1xf32, #tpu.memory_space<vmem>>, vector<1x10000x1xf32>
    %get3A_8 = vector.shape_cast %get3A_7 : vector<1x10000x1xf32> to vector<10000x1xf32>
    %add3A = arith.addf %get3A_3, %get3A_8 : vector<10000x1xf32>
    %add3A_9 = arith.constant 1.000000e+00 : f32
    %add3A_10 = vector.broadcast %add3A_9 : f32 to vector<10000x1xf32>
    %add3A_11 = arith.addf %add3A, %add3A_10 : vector<10000x1xf32>
    %rsqrt3A = math.rsqrt %add3A_11 : vector<10000x1xf32>
    %swap3A = arith.constant 0 : index
    %swap3A_12 = arith.constant 0 : index
    %swap3A_13 = vector.load %arg2[%swap3A, %swap3A_12] : memref<10000x1xf32, #tpu.memory_space<vmem>>, vector<10000x1xf32>
    tpu.vector_store %arg2[%swap3A, %swap3A_12], %rsqrt3A {strides = array<i32>} : memref<10000x1xf32, #tpu.memory_space<vmem>>, vector<10000x1xf32>,
    %get3A_14 = arith.constant 0 : index
    %get3A_15 = arith.constant 0 : index
    %get3A_16 = vector.load %arg1[%get3A_14, %get3A_15] : memref<10000x128xf32, #tpu.memory_space<vmem>>, vector<10000x128xf32>
    %mul3A = vector.broadcast %rsqrt3A : vector<10000x1xf32> to vector<10000x128xf32>
    %mul3A_17 = arith.mulf %get3A_16, %mul3A : vector<10000x128xf32>
    %swap3A_18 = arith.constant 0 : index
    %swap3A_19 = arith.constant 0 : index
    %swap3A_20 = vector.load %arg3[%swap3A_18, %swap3A_19] : memref<10000x128xf32, #tpu.memory_space<vmem>>, vector<10000x128xf32>
    tpu.vector_store %arg3[%swap3A_18, %swap3A_19], %mul3A_17 {strides = array<i32>} : memref<10000x128xf32, #tpu.memory_space<vmem>>, vector<10000x128xf32>,
    return
  }
}

module attributes {stable_mosaic.version = 14 : i64} {
  func.func @_mid_body(%arg0: i32, %arg1: memref<2x2000x128xf32, #tpu.memory_space<vmem>>, %arg2: memref<2000x128xf32, #tpu.memory_space<vmem>>, %arg3: memref<2000x1xf32, #tpu.memory_space<vmem>>, %arg4: memref<128x256xf32, #tpu.memory_space<vmem>>, %arg5: memref<1x256xf32, #tpu.memory_space<vmem>>, %arg6: memref<256x128xf32, #tpu.memory_space<vmem>>, %arg7: memref<2000x128xf32, #tpu.memory_space<vmem>>) attributes {dimension_semantics = [#tpu.dimension_semantics<arbitrary>], iteration_bounds = array<i64: 5>, scalar_prefetch = 0 : i64, scratch_operands = 0 : i64, tpu.core_type = #tpu.core_type<tc>, window_params = [{transform_indices = @transform_0, window_bounds = array<i64: 2, 2000, 128>}, {transform_indices = @transform_1, window_bounds = array<i64: 2000, 128>}, {transform_indices = @transform_2, window_bounds = array<i64: 2000, 1>}, {pipeline_mode = #tpu.pipeline_mode<synchronous>, transform_indices = @transform_3, window_bounds = array<i64: 128, 256>}, {pipeline_mode = #tpu.pipeline_mode<synchronous>, transform_indices = @transform_4, window_bounds = array<i64: 1, 256>}, {pipeline_mode = #tpu.pipeline_mode<synchronous>, transform_indices = @transform_5, window_bounds = array<i64: 256, 128>}, {transform_indices = @transform_6, window_bounds = array<i64: 2000, 128>}]} {
    %get3A = arith.constant 0 : index
    %get3A_0 = arith.constant 0 : index
    %get3A_1 = vector.load %arg3[%get3A, %get3A_0] : memref<2000x1xf32, #tpu.memory_space<vmem>>, vector<2000x1xf32>
    %get3A_2 = arith.constant 0 : index
    %get3A_3 = arith.constant 0 : index
    %get3A_4 = arith.constant 0 : index
    %get3A_5 = vector.load %arg1[%get3A_2, %get3A_3, %get3A_4] : memref<2x2000x128xf32, #tpu.memory_space<vmem>>, vector<1x2000x128xf32>
    %get3A_6 = vector.shape_cast %get3A_5 : vector<1x2000x128xf32> to vector<2000x128xf32>
    %get3A_7 = arith.constant 1 : index
    %get3A_8 = arith.constant 0 : index
    %get3A_9 = arith.constant 0 : index
    %get3A_10 = vector.load %arg1[%get3A_7, %get3A_8, %get3A_9] : memref<2x2000x128xf32, #tpu.memory_space<vmem>>, vector<1x2000x128xf32>
    %get3A_11 = vector.shape_cast %get3A_10 : vector<1x2000x128xf32> to vector<2000x128xf32>
    %add3A = arith.addf %get3A_6, %get3A_11 : vector<2000x128xf32>
    %get3A_12 = arith.constant 0 : index
    %get3A_13 = arith.constant 0 : index
    %get3A_14 = vector.load %arg2[%get3A_12, %get3A_13] : memref<2000x128xf32, #tpu.memory_space<vmem>>, vector<2000x128xf32>
    %add3A_15 = arith.addf %add3A, %get3A_14 : vector<2000x128xf32>
    %mul3A = vector.broadcast %get3A_1 : vector<2000x1xf32> to vector<2000x128xf32>
    %mul3A_16 = arith.mulf %mul3A, %add3A_15 : vector<2000x128xf32>
    %get3A_17 = arith.constant 0 : index
    %get3A_18 = arith.constant 0 : index
    %get3A_19 = vector.load %arg4[%get3A_17, %get3A_18] : memref<128x256xf32, #tpu.memory_space<vmem>>, vector<128x256xf32>
    %dot_general3A = arith.constant dense<0.000000e+00> : vector<2000x256xf32>
    %dot_general3A_20 = tpu.matmul %mul3A_16, %get3A_19, %dot_general3A {dimension_numbers = #tpu.dot_dimension_numbers<[1], [0], [0], [1], [0, 0, 1, 1], [], []>, transpose_lhs_hint = false} : vector<2000x128xf32>, vector<128x256xf32>, vector<2000x256xf32> -> vector<2000x256xf32>
    %get3A_21 = arith.constant 0 : index
    %get3A_22 = arith.constant 0 : index
    %get3A_23 = vector.load %arg5[%get3A_21, %get3A_22] : memref<1x256xf32, #tpu.memory_space<vmem>>, vector<1x256xf32>
    %add3A_24 = vector.broadcast %get3A_23 : vector<1x256xf32> to vector<2000x256xf32>
    %add3A_25 = arith.addf %dot_general3A_20, %add3A_24 : vector<2000x256xf32>
    %max3A = arith.constant 0.000000e+00 : f32
    %max3A_26 = vector.broadcast %max3A : f32 to vector<2000x256xf32>
    %max3A_27 = arith.maximumf %add3A_25, %max3A_26 : vector<2000x256xf32>
    %get3A_28 = arith.constant 0 : index
    %get3A_29 = arith.constant 0 : index
    %get3A_30 = vector.load %arg6[%get3A_28, %get3A_29] : memref<256x128xf32, #tpu.memory_space<vmem>>, vector<256x128xf32>
    %dot_general3A_31 = arith.constant dense<0.000000e+00> : vector<2000x128xf32>
    %dot_general3A_32 = tpu.matmul %max3A_27, %get3A_30, %dot_general3A_31 {dimension_numbers = #tpu.dot_dimension_numbers<[1], [0], [0], [1], [0, 0, 1, 1], [], []>, transpose_lhs_hint = false} : vector<2000x256xf32>, vector<256x128xf32>, vector<2000x128xf32> -> vector<2000x128xf32>
    %mul3A_33 = vector.broadcast %get3A_1 : vector<2000x1xf32> to vector<2000x128xf32>
    %mul3A_34 = arith.mulf %mul3A_33, %dot_general3A_32 : vector<2000x128xf32>
    %swap3A = arith.constant 0 : index
    %swap3A_35 = arith.constant 0 : index
    %swap3A_36 = vector.load %arg7[%swap3A, %swap3A_35] : memref<2000x128xf32, #tpu.memory_space<vmem>>, vector<2000x128xf32>
    tpu.vector_store %arg7[%swap3A, %swap3A_35], %mul3A_34 {strides = array<i32>} : memref<2000x128xf32, #tpu.memory_space<vmem>>, vector<2000x128xf32>,
    return
  }
  func.func @transform_0(%arg0: i32) -> (i32, i32, i32) {
    %c0_i32 = arith.constant 0 : i32
    %c0_i32_0 = arith.constant 0 : i32
    %c0_i32_1 = arith.constant 0 : i32
    return %c0_i32, %arg0, %c0_i32_0 : i32, i32, i32
  }
  func.func @transform_1(%arg0: i32) -> (i32, i32) {
    %c0_i32 = arith.constant 0 : i32
    %c0_i32_0 = arith.constant 0 : i32
    return %arg0, %c0_i32 : i32, i32
  }
  func.func @transform_2(%arg0: i32) -> (i32, i32) {
    %c0_i32 = arith.constant 0 : i32
    %c0_i32_0 = arith.constant 0 : i32
    return %arg0, %c0_i32 : i32, i32
  }
  func.func @transform_3(%arg0: i32) -> (i32, i32) {
    %c0_i32 = arith.constant 0 : i32
    %c0_i32_0 = arith.constant 0 : i32
    %c0_i32_1 = arith.constant 0 : i32
    return %c0_i32, %c0_i32_0 : i32, i32
  }
  func.func @transform_4(%arg0: i32) -> (i32, i32) {
    %c0_i32 = arith.constant 0 : i32
    %c0_i32_0 = arith.constant 0 : i32
    %c0_i32_1 = arith.constant 0 : i32
    return %c0_i32, %c0_i32_0 : i32, i32
  }
  func.func @transform_5(%arg0: i32) -> (i32, i32) {
    %c0_i32 = arith.constant 0 : i32
    %c0_i32_0 = arith.constant 0 : i32
    %c0_i32_1 = arith.constant 0 : i32
    return %c0_i32, %c0_i32_0 : i32, i32
  }
  func.func @transform_6(%arg0: i32) -> (i32, i32) {
    %c0_i32 = arith.constant 0 : i32
    %c0_i32_0 = arith.constant 0 : i32
    return %arg0, %c0_i32 : i32, i32
  }
}

module attributes {stable_mosaic.version = 14 : i64} {
  func.func @_final_body(%arg0: i32, %arg1: memref<2x2000x128xf32, #tpu.memory_space<vmem>>, %arg2: memref<2000x128xf32, #tpu.memory_space<vmem>>, %arg3: memref<2000x1xf32, #tpu.memory_space<vmem>>, %arg4: memref<1x128xf32, #tpu.memory_space<vmem>>, %arg5: memref<2000x40xf32, #tpu.memory_space<vmem>>) attributes {dimension_semantics = [#tpu.dimension_semantics<arbitrary>], iteration_bounds = array<i64: 5>, scalar_prefetch = 0 : i64, scratch_operands = 0 : i64, tpu.core_type = #tpu.core_type<tc>, window_params = [{transform_indices = @transform_0, window_bounds = array<i64: 2, 2000, 128>}, {transform_indices = @transform_1, window_bounds = array<i64: 2000, 128>}, {transform_indices = @transform_2, window_bounds = array<i64: 2000, 1>}, {pipeline_mode = #tpu.pipeline_mode<synchronous>, transform_indices = @transform_3, window_bounds = array<i64: 1, 128>}, {transform_indices = @transform_4, window_bounds = array<i64: 2000, 40>}]} {
    %get3A = arith.constant 0 : index
    %get3A_0 = arith.constant 0 : index
    %get3A_1 = vector.load %arg3[%get3A, %get3A_0] : memref<2000x1xf32, #tpu.memory_space<vmem>>, vector<2000x1xf32>
    %get3A_2 = arith.constant 0 : index
    %get3A_3 = arith.constant 0 : index
    %get3A_4 = arith.constant 0 : index
    %get3A_5 = vector.load %arg1[%get3A_2, %get3A_3, %get3A_4] : memref<2x2000x128xf32, #tpu.memory_space<vmem>>, vector<1x2000x128xf32>
    %get3A_6 = vector.shape_cast %get3A_5 : vector<1x2000x128xf32> to vector<2000x128xf32>
    %get3A_7 = arith.constant 1 : index
    %get3A_8 = arith.constant 0 : index
    %get3A_9 = arith.constant 0 : index
    %get3A_10 = vector.load %arg1[%get3A_7, %get3A_8, %get3A_9] : memref<2x2000x128xf32, #tpu.memory_space<vmem>>, vector<1x2000x128xf32>
    %get3A_11 = vector.shape_cast %get3A_10 : vector<1x2000x128xf32> to vector<2000x128xf32>
    %add3A = arith.addf %get3A_6, %get3A_11 : vector<2000x128xf32>
    %get3A_12 = arith.constant 0 : index
    %get3A_13 = arith.constant 0 : index
    %get3A_14 = vector.load %arg2[%get3A_12, %get3A_13] : memref<2000x128xf32, #tpu.memory_space<vmem>>, vector<2000x128xf32>
    %add3A_15 = arith.addf %add3A, %get3A_14 : vector<2000x128xf32>
    %mul3A = vector.broadcast %get3A_1 : vector<2000x1xf32> to vector<2000x128xf32>
    %mul3A_16 = arith.mulf %mul3A, %add3A_15 : vector<2000x128xf32>
    %get3A_17 = arith.constant 0 : index
    %get3A_18 = arith.constant 0 : index
    %get3A_19 = vector.load %arg4[%get3A_17, %get3A_18] : memref<1x128xf32, #tpu.memory_space<vmem>>, vector<1x128xf32>
    %add3A_20 = vector.broadcast %get3A_19 : vector<1x128xf32> to vector<2000x128xf32>
    %add3A_21 = arith.addf %mul3A_16, %add3A_20 : vector<2000x128xf32>
    %slice3A = vector.extract_strided_slice %add3A_21 {offsets = [0, 0], sizes = [2000, 40], strides = [1, 1]} : vector<2000x128xf32> to vector<2000x40xf32>
    %swap3A = arith.constant 0 : index
    %swap3A_22 = arith.constant 0 : index
    %swap3A_23 = vector.load %arg5[%swap3A, %swap3A_22] : memref<2000x40xf32, #tpu.memory_space<vmem>>, vector<2000x40xf32>
    tpu.vector_store %arg5[%swap3A, %swap3A_22], %slice3A {strides = array<i32>} : memref<2000x40xf32, #tpu.memory_space<vmem>>, vector<2000x40xf32>,
    return
  }
  func.func @transform_0(%arg0: i32) -> (i32, i32, i32) {
    %c0_i32 = arith.constant 0 : i32
    %c0_i32_0 = arith.constant 0 : i32
    %c0_i32_1 = arith.constant 0 : i32
    return %c0_i32, %arg0, %c0_i32_0 : i32, i32, i32
  }
  func.func @transform_1(%arg0: i32) -> (i32, i32) {
    %c0_i32 = arith.constant 0 : i32
    %c0_i32_0 = arith.constant 0 : i32
    return %arg0, %c0_i32 : i32, i32
  }
  func.func @transform_2(%arg0: i32) -> (i32, i32) {
    %c0_i32 = arith.constant 0 : i32
    %c0_i32_0 = arith.constant 0 : i32
    return %arg0, %c0_i32 : i32, i32
  }
  func.func @transform_3(%arg0: i32) -> (i32, i32) {
    %c0_i32 = arith.constant 0 : i32
    %c0_i32_0 = arith.constant 0 : i32
    %c0_i32_1 = arith.constant 0 : i32
    return %c0_i32, %c0_i32_0 : i32, i32
  }
  func.func @transform_4(%arg0: i32) -> (i32, i32) {
    %c0_i32 = arith.constant 0 : i32
    %c0_i32_0 = arith.constant 0 : i32
    return %arg0, %c0_i32 : i32, i32
  }
}

</mosaic_0001>

<sc_bundles>
// kernel: kernel.11.cloned.1.call-start
scs
__scs_entry_jumppad:
0x0: {  	(pc) =	sbr.rel $0x88, $3  }
0x1: {  	(tag) =	ssettag $0x0;
	lr =	simm.s32 $0x1  }
0x2: {  	[smem:$0x3F9B] =	sst lr;
	_ =	strace $0xD0000000  }
0x3: {  	_ = 	snop  }
0x4: {  	_ = 	snop  }
0x5: {  	_ = 	snop  }
0x6: {  	_ = 	snop  }
0x7: {  	_ = 	snop  }
__scs_overlays_trampoline_lowered:
0x8: {  	[smem:$0x3FAA] =	sst s0  }
0x9: {  	[smem:$0x3FAB] =	sst s1  }
0xa: {  	[smem:$0x3FAC] =	sst s2  }
0xb: {  	[smem:$0x3FAD] =	sst s3  }
0xc: {  	[smem:$0x3FAE] =	sst s4  }
0xd: {  	[smem:$0x3FAF] =	sst s5  }
0xe: {  	[smem:$0x3FB0] =	sst s6  }
0xf: {  	[smem:$0x3FB1] =	sst s7  }
0x10: {  	[smem:$0x3FB2] =	sst s8  }
0x11: {  	[smem:$0x3FB3] =	sst s9;
	s0 =	simm.s32 @!p0 $0x0  }
0x12: {  	s1 =	sld [smem:$0x3F99];
	s0 =	simm.s32 @p0 $0x1  }
0x13: {  	[smem:$0x3FB4] =	sst s0;
	s0 =	simm.s32 @!p1 $0x0  }
0x14: {  	s2 =	sld [smem:$0x3F98];
	s0 =	simm.s32 @p1 $0x1  }
0x15: {  	[smem:$0x3FB5] =	sst s0;
	s0 =	simm.s32 @!p2 $0x0  }
0x16: {  	s3 =	sld [smem:$0x3FDB];
	s0 =	simm.s32 @p2 $0x1  }
0x17: {  	s4 =	simm.s32 $0x1BF5;
	[smem:$0x3FB7] =	sst s0  }
0x18: {  	s0 =	sld [smem:$0x3F9A];
	_ =	swait.ge [sflag:s4], $0x0  }
0x19: {  	s7 =	sld [smem:$0x3F9B]  }
0x1a: {  	s8 =	sadd.s32 $0xFFFFE003, lr  }
0x1b: {  	s9 =	sadd.s32 $0xFFFFFEF7, lr;
	s5 =	simm.s32 $0xFFFFFFFF;
	p2 =	slt.u32 s8, $0xFFFFF086  }
0x1c: {  	p1 =	slt.u32 s9, $0xF7A;
	s5 =	simm.s32 @!p2 $0x0  }
0x1d: {  	s5 =	simm.s32 @p1 $0x1;
	p0 =	seq.s32 s7, s2  }
0x1e: {  	s7 =	smul.u32 @!p0 $0xF7A, s2;
	p2 =	seq.s32 @!p0 s5, $0x0  }
0x1f: {  	s9 =	smul.u32 $0xF7A, s1;
	s8 =	simm.s32 @!p0 $0x1BF5;
	p2 =	por !p2, p0  }
0x20: {  	[sflag:s8] =	ssyncset.s32 @!p0 $0xFFFFF086;
	s6 =	sadd.s32 @!p0 s3, s7;
	s7 =	simm.s32 @!p0 $0x108  }
0x21: {  	s3 =	sadd.s32 s3, s9;
	s6 =	sadd.s32 @!p0 $0x88, s6;
	s7 =	simm.s32 @p2 $0x1082  }
0x22: {  	[simem:s7], [sflag:s8] =	dma.local @!p0 [hbm:s6], $0xF7A  }
0x23: {  	s9 =	sor.u32 $0xD0000000, s2;
	s6 =	simm.s32 $0x108;
	_ =	swait.ge @!p0 [sflag:s8], $0x0  }
0x24: {  	s3 =	sadd.s32 $0x88, s3;
	s6 =	simm.s32 @!p1 $0x1082;
	[sflag:s4] =	ssyncset.s32 $0xFFFFF086  }
0x25: {  	[simem:s6], [sflag:s4] =	dma.local [hbm:s3], $0xF7A  }
0x26: {  	[smem:$0x3F9B] =	sst s1;
	(tag) =	ssettag s2;
	_ =	strace s9  }
0x27: {  	s1 =	sld [smem:$0x3FAB]  }
0x28: {  	s2 =	sld [smem:$0x3FAC]  }
0x29: {  	s4 =	sld [smem:$0x3FAE]  }
0x2a: {  	p0 =	seq.s32 s5, $0x0;
	s5 =	sld [smem:$0x3FAF]  }
0x2b: {  	s6 =	sld [smem:$0x3FB0]  }
0x2c: {  	s7 =	sld [smem:$0x3FB1]  }
0x2d: {  	s3 =	simm.s32 $0x108;
	s8 =	sld [smem:$0x3FB2]  }
0x2e: {  	s3 =	simm.s32 @!p0 $0x1082;
	s9 =	sld [smem:$0x3FB3]  }
0x2f: {  	lr =	sadd.s32 s0, s3;
	s0 =	sld [smem:$0x3FAA]  }
0x30: {  	s3 =	sld [smem:$0x3FAD]  }
0x31: {  	[smem:$0x3FB6] =	sst s10  }
0x32: {  	s10 =	sld [smem:$0x3FB4];
	_ =	sdelay $0x3  }
0x33: {  	p0 =	seq.s32 s10, $0x1;
	s10 =	sld [smem:$0x3FB6];
	_ =	sdelay $0x3  }
0x34: {  	[smem:$0x3FB6] =	sst s10  }
0x35: {  	s10 =	sld [smem:$0x3FB5];
	_ =	sdelay $0x3  }
0x36: {  	p1 =	seq.s32 s10, $0x1;
	s10 =	sld [smem:$0x3FB6];
	_ =	sdelay $0x3  }
0x37: {  	[smem:$0x3FB6] =	sst s10  }
0x38: {  	s10 =	sld [smem:$0x3FB7]  }
0x39: {  	_ = 	snop;
	(pc) =	sbr.ind lr, $3  }
0x3a: {  	_ = 	snop  }
0x3b: {  	_ = 	snop  }
0x3c: {  	p2 =	seq.s32 s10, $0x1;
	s10 =	sld [smem:$0x3FB6]  }
0x3d: {  	_ =	shalt  }
0x3e: {  	_ =	shalt  }
0x3f: {  	_ =	shalt  }
0x40: {  	_ =	shalt  }
0x41: {  	_ =	shalt  }
0x42: {  	_ =	shalt  }
0x43: {  	_ =	shalt  }
0x44: {  	_ =	shalt  }
0x45: {  	_ =	shalt  }
0x46: {  	_ =	shalt  }
0x47: {  	_ =	shalt  }
0x48: {  	_ =	shalt  }
0x49: {  	_ =	shalt  }
0x4a: {  	_ =	shalt  }
0x4b: {  	_ =	shalt  }
0x4c: {  	_ =	shalt  }
0x4d: {  	_ =	shalt  }
0x4e: {  	_ =	shalt  }
0x4f: {  	_ =	shalt  }
0x50: {  	_ =	shalt  }
0x51: {  	_ =	shalt  }
0x52: {  	_ =	shalt  }
0x53: {  	_ =	shalt  }
0x54: {  	_ =	shalt  }
0x55: {  	_ =	shalt  }
0x56: {  	_ =	shalt  }
0x57: {  	_ =	shalt  }
0x58: {  	_ =	shalt  }
0x59: {  	_ =	shalt  }
0x5a: {  	_ =	shalt  }
0x5b: {  	_ =	shalt  }
0x5c: {  	_ =	shalt  }
0x5d: {  	_ =	shalt  }
0x5e: {  	_ =	shalt  }
0x5f: {  	_ =	shalt  }
0x60: {  	_ =	shalt  }
0x61: {  	_ =	shalt  }
0x62: {  	_ =	shalt  }
0x63: {  	_ =	shalt  }
0x64: {  	_ =	shalt  }
0x65: {  	_ =	shalt  }
0x66: {  	_ =	shalt  }
0x67: {  	_ =	shalt  }
0x68: {  	_ =	shalt  }
0x69: {  	_ =	shalt  }
0x6a: {  	_ =	shalt  }
0x6b: {  	_ =	shalt  }
0x6c: {  	_ =	shalt  }
0x6d: {  	_ =	shalt  }
0x6e: {  	_ =	shalt  }
0x6f: {  	_ =	shalt  }
0x70: {  	_ =	shalt  }
0x71: {  	_ =	shalt  }
0x72: {  	_ =	shalt  }
0x73: {  	_ =	shalt  }
0x74: {  	_ =	shalt  }
0x75: {  	_ =	shalt  }
0x76: {  	_ =	shalt  }
0x77: {  	_ =	shalt  }
0x78: {  	_ =	shalt  }
0x79: {  	_ =	shalt  }
0x7a: {  	_ =	shalt  }
0x7b: {  	_ =	shalt  }
0x7c: {  	_ =	shalt  }
0x7d: {  	_ =	shalt  }
0x7e: {  	_ =	shalt  }
0x7f: {  	_ =	shalt  }
0x80: {  	_ =	shalt  }
0x81: {  	_ =	shalt  }
0x82: {  	_ =	shalt  }
0x83: {  	_ =	shalt  }
0x84: {  	_ =	shalt  }
0x85: {  	_ =	shalt  }
0x86: {  	_ =	shalt  }
0x87: {  	_ =	shalt  }
.Lfunc_end0:
.L_simem_size_0:
called_computation.1_lowered:
.L_overlay_start_0:
0x88: {  	s2 =	sld [smem:$0x3FD9]  }
0x89: {  	s3 =	sld [smem:$0x3FFE];
	_ =	sdelay $0x1  }
0x8a: {  	s1 =	srdreg.scid  }
0x8b: {  	s0 =	sand.u32 $0x1, s1  }
0x8c: {  	s17 =	sshll.u32 s0, $0xA;
	s2 =	sadd.s32 s3, s2  }
0x8d: {  	s2 =	sadd.s32 s2, s17  }
0x8e: {  	[smem:$0x3FC2] =	sst s2  }
0x8f: {  	_ = 	snop  }
0x90: {  	s2 =	sld [smem:$0x3FD0];
	(tm) =	ssettm $0x1  }
0x91: {  	s18 =	sld [smem:$0x3FFB];
	_ =	sdelay $0x3  }
0x92: {  	_ =	strace s18  }
0x93: {  	s3 =	sld [smem:$0x3FFC];
	_ =	sdelay $0x3  }
0x94: {  	_ =	strace s3  }
0x95: {  	s3 =	sld [smem:$0x3FFD];
	_ =	sdelay $0x3  }
0x96: {  	_ =	strace s3  }
0x97: {  	_ =	strace $0x8FFFFFFF  }
0x98: {  	s19 =	sld [smem:$0x3FDB];
	_ =	sdelay $0x1  }
0x99: {  	s4 =	simm.s32 $_scs_section_size  }
0x9a: {  	s5 =	simm.s32 $_size__tile_overlayer_lowered;
	s6 =	simm.s32 $_tile_overlayer_lowered  }
0x9b: {  	s22 =	simm.s32 $0x1BFF;
	s21 =	sshll.u32 s6, $0x1;
	s3 =	sadd.s32 s4, s19  }
0x9c: {  	s7 =	simm.s32 $0x0;
	s20 =	sshll.u32 s5, $0x1;
	s5 =	sadd.s32 s21, s3  }
0x9d: {  	[timem:s7], [sflag:s22] =	dma.local [hbm:s5], s20  }
0x9e: {  	_ =	swait.ge [sflag:s22], s20  }
0x9f: {  	s4 =	ssub.s32 $0x0, s20;
	[sflag:s22] =	ssyncset.done $0x0  }
0xa0: {  	[sflag:s22] =	ssyncadd.s32 s4;
	_ =	sdelay $0x1  }
0xa1: {  	s23 =	simm.s32 $0x1B8B  }
0xa2: {  	_ =	swait.ge [sflag:s23], $0x1  }
0xa3: {  	[sflag:s23] =	ssyncset.done $0x0  }
0xa4: {  	s25 =	simm.s32 $0x1B8E;
	s24 =	sld [smem:$0x3FFE];
	[sflag:s23] =	ssyncadd.s32 $0xFFFFFFFF  }
0xa5: {  	s26 =	simm.s32 $execute0_lowered;
	[smem:$0x3FD2] =	sst s25  }
0xa6: {  	s5 =	sshll.u32 s26, $0x1;
	_ =	strace $0x80000049;
	[dreg:$0x1] =	wrdreg $0xFFFFFFFF  }
0xa7: {  	s28 =	simm.s32 $_size_execute0_lowered;
	s3 =	sadd.s32 s3, s5;
	[dreg:$0x0] =	wrdreg $0x0  }
0xa8: {  	s5 =	sshll.u32 s28, $0x1;
	[dreg:$0x2] =	wrdreg s3  }
0xa9: {  	[dreg:$0x3] =	wrdreg s5  }
0xaa: {  	[dreg:$0x4] =	wrdreg $0xC0  }
0xab: {  	_ =	task [dreg:s7], $0x5FFFF  }
0xac: {  	[dreg:$0x1] =	wrdreg $0xFFFFFFFF  }
0xad: {  	[dreg:$0x0] =	wrdreg $0x60  }
0xae: {  	[dreg:$0x2] =	wrdreg s24  }
0xaf: {  	[dreg:$0x3] =	wrdreg s2  }
0xb0: {  	[dreg:$0x4] =	wrdreg $0xB7800  }
0xb1: {  	[dreg:$0x5] =	wrdreg $0x9  }
0xb2: {  	_ =	task.clear_ibuf [dreg:s7], $0x6FFFF;
	_ =	strace $0x90000049  }
0xb3: {  	s29 =	simm.s32 $0x9;
	_ =	strace $0x8000004B  }
0xb4: {  	_ =	swait.ge [sflag:s29], $0x1  }
0xb5: {  	[sflag:s29] =	ssyncadd.s32 $0xFFFFFFFF  }
0xb6: {  	_ =	strace $0x9000004B  }
0xb7: {  	_ =	sfence  }
0xb8: {  	s30 =	sld [smem:$0x0];
	_ =	sdelay $0x2  }
0xb9: {  	s31 =	sshll.u32 s1, $0xD;
	s1 =	sshrl.u32 s1, $0x2  }
0xba: {  	s3 =	sand.u32 $0x4000, s31;
	s1 =	sadd.s32 s1, s30  }
0xbb: {  	s0 =	sor.u32 s3, s0;
	s1 =	sshll.u32 s1, $0x11  }
0xbc: {  	s0 =	sor.u32 s1, s0  }
0xbd: {  	s0 =	sadd.s32 $0x8F2B, s0  }
0xbe: {  	[sflag:s0] =	ssyncadd.remote.s32 $0x1  }
0xbf: {  	_ =	sfence.sel $0xFFFF  }
0xc0: {  	[dreg:$0x0] =	wrdreg $0xFFFFFFFF;
	(pc) =	sbr.abs _section_cstart, $3  }
0xc1: {  	[dreg:$0x1] =	wrdreg $0xFFFFFFFF  }
0xc2: {  	_ =	task.clear_ibuf [dreg:s7], $0x2FFFF;
	_ =	strace $0x9FFFFFFF  }
0xc3: {  	(tm) =	ssettm $0x7FFFFFFF  }
tec
execute0_lowered:
.L_overlay_start_1:
0x0: {  	(tag) =	ssettag $0x1  }
0x1: {  	s5 =	rddreg [dreg:$0x0]  }
0x2: {  	s14 =	rddreg [dreg:$0x1]  }
0x3: {  	s2 =	rddreg [dreg:$0x2]  }
0x4: {  	s3 =	simm.s32 $0x0;
	s4 =	srdreg.scid;
	s0 =	stileid.u32  }
0x5: {  	s22 =	simm.s32 $0x400;
	s23 =	simm.s32 $0x2780;
	s24 =	simm.s32 $0x50  }
0x6: {  	s28 =	simm.s32 $0x2;
	s29 =	simm.s32 $0x6580;
	[smem:$0x7FF] =	sst s3  }
0x7: {  	s11 =	sand.u32 $0x1, s4;
	s25 =	sshll.u32 s0, $0x1;
	s6 =	smul.u32 $0x4E000, s0  }
0x8: {  	s4 =	sadd.s32 $0x12400, s5;
	s16 =	sadd.s32 $0x39600, s5;
	s10 =	sshrl.u32 s0, $0x2  }
0x9: {  	s21 =	smul.u32 $0x13800, s0;
	s13 =	sadd.s32 $0x138000, s2;
	p0 =	sne.s32 s0, $0xF  }
0xa: {  	_ =	strace $0x8000004A;
	s12 =	sor.u32 s11, s25;
	s17 =	smul.u32 $0x13C00, s10  }
0xb: {  	s8 =	ssub.s32 $0x2, s11;
	s19 =	smul.u32 $0x138800, s11;
	s25 =	simm.s32 $0x8F80  }
0xc: {  	s7 =	sshll.u32 s12, $0xB;
	s26 =	sshrl.u32 s8, $0x1;
	s6 =	sshrl.u32 s6, $0x2  }
0xd: {  	s12 =	sshll.u32 s12, $0x7;
	s15 =	sadd.s32 s7, s5;
	s18 =	ssub.s32 s8, s26  }
0xe: {  	s5 =	sadd.s32 s6, s2;
	s20 =	sand.u32 $0x380, s12;
	s30 =	sadd.s32 s21, s19  }
0xf: {  	s19 =	sshrl.u32 s19, $0x3;
	s21 =	simm.s32 $0x80;
	s26 =	simm.s32 $0x1  }
0x10: {  	s6 =	sadd.s32 $0x2800, s5;
	s7 =	sadd.s32 $0x5000, s5;
	s8 =	sadd.s32 $0x7800, s5  }
0x11: {  	s9 =	sadd.s32 $0xA000, s5;
	s10 =	sadd.s32 $0xC800, s5;
	s11 =	sadd.s32 $0xF000, s5  }
0x12: {  	s12 =	sadd.s32 $0x11800, s5;
	s17 =	sor.u32 s17, s20;
	s31 =	sshrl.u32 s30, $0x3  }
0x13: {  	s19 =	sadd.s32 s16, s19;
	s15 =	sadd.s32 $0x2400, s15;
	s18 =	smax.u32 s18, $0x1  }
0x14: {  	s20 =	simm.s32 $0x3;
	s17 =	sshrl.u32 s17, $0x3;
	s16 =	sadd.s32 s16, s31  }
0x15: {  	v0 =	vimm.f32 $0.0e+00;
	s14 =	sadd.s32 s14, s17;
	s17 =	sadd.s32 $0x27000, s19;
	s19 =	simm.s32 $0x6780  }
.LBB2_1:
0x16: {  	s30 =	simm.s32 $0x70;
	s31 =	simm.s32 $0x3C0  }
.LBB2_2:
0x17: {  	p1 =	sne.s32 s31, $0x9FC0;
	[tilespmem:s30+$0x6780] =	vst v0  }
0x18: {  	[tilespmem:s30+$0x6710] =	vst v0  }
0x19: {  	[tilespmem:s30+$0x6720] =	vst v0  }
.Ltmp0:
0x1a: {  	[tilespmem:s30+$0x6730] =	vst v0;
	(pc) =	sbr.rel @p1 .LBB2_2-.Ltmp0, $4  }
0x1b: {  	[tilespmem:s30+$0x6740] =	vst v0  }
0x1c: {  	[tilespmem:s30+$0x6750] =	vst v0  }
0x1d: {  	[tilespmem:s30+$0x6760] =	vst v0  }
0x1e: {  	[tilespmem:s30+$0x6770] =	vst v0;
	s30 =	sshra.s32 s31, $0x2;
	s31 =	sadd.s32 $0x200, s31  }
0x1f: {  	[tilespmem:s30+$0x6780] =	vst v0  }
0x20: {  	[tilespmem:s30+$0x6710] =	vst v0  }
0x21: {  	[tilespmem:s30+$0x6720] =	vst v0  }
0x22: {  	[tilespmem:s30+$0x6730] =	vst v0  }
0x23: {  	[tilespmem:s30+$0x6740] =	vst v0  }
0x24: {  	[tilespmem:s30+$0x6750] =	vst v0  }
0x25: {  	[tilespmem:s30+$0x6760] =	vst v0  }
0x26: {  	[tilespmem:s30+$0x6770] =	vst v0  }
0x27: {  	[spmem:s5] =	stream.linear.scatter [tilespmem:s19], [sflag:$0x3], $0x2800, $0x38;
	[tilespmem:$0x1F000] =	vst v63  }
0x28: {  	_ =	swait.ge [sflag:s20], $0x2800  }
0x29: {  	[sflag:s20] =	ssyncset.done $0x0  }
0x2a: {  	[sflag:s20] =	ssyncadd.s32 $0xFFFFD800  }
0x2b: {  	[spmem:s6] =	stream.linear.scatter [tilespmem:s19], [sflag:$0x3], $0x2800, $0x38;
	[tilespmem:$0x1F000] =	vst v63  }
0x2c: {  	_ =	swait.ge [sflag:s20], $0x2800  }
0x2d: {  	[sflag:s20] =	ssyncset.done $0x0  }
0x2e: {  	[sflag:s20] =	ssyncadd.s32 $0xFFFFD800  }
0x2f: {  	[spmem:s7] =	stream.linear.scatter [tilespmem:s19], [sflag:$0x3], $0x2800, $0x38;
	[tilespmem:$0x1F000] =	vst v63  }
0x30: {  	_ =	swait.ge [sflag:s20], $0x2800  }
0x31: {  	[sflag:s20] =	ssyncset.done $0x0  }
0x32: {  	[sflag:s20] =	ssyncadd.s32 $0xFFFFD800  }
0x33: {  	[spmem:s8] =	stream.linear.scatter [tilespmem:s19], [sflag:$0x3], $0x2800, $0x38;
	[tilespmem:$0x1F000] =	vst v63  }
0x34: {  	_ =	swait.ge [sflag:s20], $0x2800  }
0x35: {  	[sflag:s20] =	ssyncset.done $0x0  }
0x36: {  	[sflag:s20] =	ssyncadd.s32 $0xFFFFD800  }
0x37: {  	[spmem:s9] =	stream.linear.scatter [tilespmem:s19], [sflag:$0x3], $0x2800, $0x38;
	[tilespmem:$0x1F000] =	vst v63  }
0x38: {  	_ =	swait.ge [sflag:s20], $0x2800  }
0x39: {  	[sflag:s20] =	ssyncset.done $0x0  }
0x3a: {  	[sflag:s20] =	ssyncadd.s32 $0xFFFFD800  }
0x3b: {  	[spmem:s10] =	stream.linear.scatter [tilespmem:s19], [sflag:$0x3], $0x2800, $0x38;
	[tilespmem:$0x1F000] =	vst v63  }
0x3c: {  	_ =	swait.ge [sflag:s20], $0x2800  }
0x3d: {  	[sflag:s20] =	ssyncset.done $0x0  }
0x3e: {  	[sflag:s20] =	ssyncadd.s32 $0xFFFFD800  }
0x3f: {  	[spmem:s11] =	stream.linear.scatter [tilespmem:s19], [sflag:$0x3], $0x2800, $0x38;
	[tilespmem:$0x1F000] =	vst v63  }
0x40: {  	_ =	swait.ge [sflag:s20], $0x2800  }
0x41: {  	[sflag:s20] =	ssyncset.done $0x0  }
0x42: {  	[sflag:s20] =	ssyncadd.s32 $0xFFFFD800  }
0x43: {  	[spmem:s12] =	stream.linear.scatter [tilespmem:s19], [sflag:$0x3], $0x2000, $0x38;
	[tilespmem:$0x1F000] =	vst v63  }
0x44: {  	_ =	swait.ge [sflag:s20], $0x2000  }
0x45: {  	[sflag:s20] =	ssyncset.done $0x0  }
0x46: {  	s30 =	simm.s32 @!p0 $0x6780;
	[sflag:s20] =	ssyncadd.s32 $0xFFFFE000  }
0x47: {  	[spmem:s13] =	stream.linear.scatter @!p0 [tilespmem:s30], [sflag:$0x3], $0x800, $0x38;
	[tilespmem:$0x1F000] =	vst v63  }
0x48: {  	s30 =	simm.s32 @!p0 $0x3  }
0x49: {  	_ =	swait.ge @!p0 [sflag:s30], $0x800  }
0x4a: {  	[sflag:s30] =	ssyncset.done @!p0 $0x0  }
0x4b: {  	s31 =	simm.s32 $0x0;
	[sflag:s30] =	ssyncadd.s32 @!p0 $0xFFFFF800  }
0x4c: {  	[tilespmem:s31], [sflag:$0x3] =	stream.strided.gather [hbm4b:s14+s21], $0x2780, s22, s21, $0x38;
	[tilespmem:$0x1F000] =	vst v63  }
0x4d: {  	_ =	swait.ge [sflag:s20], $0x2780  }
0x4e: {  	[sflag:s20] =	ssyncset.done $0x0  }
0x4f: {  	[sflag:s20] =	ssyncadd.s32 $0xFFFFD880  }
0x50: {  	[tilespmem:s23], [sflag:$0x3] =	stream.linear.gather [hbm4b:s15+s31], $0x3E80, $0x38;
	[tilespmem:$0x1F000] =	vst v63  }
0x51: {  	_ =	swait.ge [sflag:s20], $0x3E80  }
0x52: {  	[sflag:s20] =	ssyncset.done $0x0  }
0x53: {  	[sflag:s20] =	ssyncadd.s32 $0xFFFFC180  }
0x54: {  	s30 =	simm.s32 $0x50;
	[bflag:$0x0] =	sbarrier.arrive $0xFFFF  }
0x55: {  	[tilespmem:s19], [sflag:$0x1] =	stream.indirect.gather [hbm4b:s4+s30], $0x80, s31, s30, $0xb8;
	[tilespmem:$0x1F000] =	vst v63  }
0x56: {  	_ = 	snop  }
0x57: {  	[tilespmem:s25], [sflag:$0x2] =	stream.indirect.gather [hbm4b:s4+s24], $0x80, s30, s24, $0xb8;
	[tilespmem:$0x1F000] =	vst v63  }
0x58: {  	_ =	swait.ge [sflag:s26], $0x2800  }
0x59: {  	[sflag:s26] =	ssyncset.done $0x0  }
0x5a: {  	s31 =	simm.s32 $0x2780;
	[sflag:s26] =	ssyncadd.s32 $0xFFFFD800  }
0x5b: {  	[spmem:s2] =	stream.indirect.scatter.add.f32 [tilespmem:s19], [sflag:$0x3], $0x80, s31, s24, $0xb8;
	[tilespmem:$0x1F000] =	vst v63  }
0x5c: {  	_ =	swait.ge [sflag:s20], $0x2800  }
0x5d: {  	[sflag:s20] =	ssyncset.done $0x0  }
0x5e: {  	s31 =	simm.s32 $0xA0;
	[sflag:s20] =	ssyncadd.s32 $0xFFFFD800  }
0x5f: {  	[tilespmem:s19], [sflag:$0x1] =	stream.indirect.gather [hbm4b:s4+s24], $0x80, s31, s24, $0xb8;
	[tilespmem:$0x1F000] =	vst v63  }
0x60: {  	_ =	swait.ge [sflag:s28], $0x2800  }
0x61: {  	[sflag:s28] =	ssyncset.done $0x0  }
0x62: {  	s31 =	simm.s32 $0x2800;
	[sflag:s28] =	ssyncadd.s32 $0xFFFFD800  }
0x63: {  	[spmem:s2] =	stream.indirect.scatter.add.f32 [tilespmem:s25], [sflag:$0x3], $0x80, s31, s24, $0xb8;
	[tilespmem:$0x1F000] =	vst v63  }
0x64: {  	_ =	swait.ge [sflag:s20], $0x2800  }
0x65: {  	s31 =	simm.s32 $0x400;
	[sflag:s20] =	ssyncset.done $0x0  }
.LBB2_4:
0x66: {  	p1 =	sne.s32 s31, $0xF400;
	[sflag:s20] =	ssyncadd.s32 $0xFFFFD800;
	s30 =	sadd.s32 $0xA0, s30  }
0x67: {  	[tilespmem:s25], [sflag:$0x2] =	stream.indirect.gather [hbm4b:s4+s24], $0x80, s30, s24, $0xb8;
	[tilespmem:$0x1F000] =	vst v63  }
0x68: {  	s0 =	smov.u32 s31;
	s31 =	sadd.s32 $0x400, s31;
	_ =	swait.ge [sflag:s26], $0x2800  }
0x69: {  	s0 =	sshra.s32 s0, $0x2;
	[sflag:s26] =	ssyncset.done $0x0  }
0x6a: {  	s1 =	sadd.s32 $0x2780, s0;
	[sflag:s26] =	ssyncadd.s32 $0xFFFFD800  }
0x6b: {  	[spmem:s2] =	stream.indirect.scatter.add.f32 [tilespmem:s19], [sflag:$0x3], $0x80, s1, s24, $0xb8;
	[tilespmem:$0x1F000] =	vst v63  }
0x6c: {  	_ =	swait.ge [sflag:s20], $0x2800  }
0x6d: {  	[sflag:s20] =	ssyncset.done $0x0  }
0x6e: {  	s1 =	sadd.s32 $0x50, s30;
	[sflag:s20] =	ssyncadd.s32 $0xFFFFD800  }
0x6f: {  	[tilespmem:s19], [sflag:$0x1] =	stream.indirect.gather [hbm4b:s4+s24], $0x80, s1, s24, $0xb8;
	[tilespmem:$0x1F000] =	vst v63  }
0x70: {  	_ =	swait.ge [sflag:s28], $0x2800  }
.Ltmp1:
0x71: {  	[sflag:s28] =	ssyncset.done $0x0;
	(pc) =	sbr.rel @p1 .LBB2_4-.Ltmp1, $4  }
0x72: {  	s0 =	sadd.s32 $0x2800, s0;
	[sflag:s28] =	ssyncadd.s32 $0xFFFFD800  }
0x73: {  	[spmem:s2] =	stream.indirect.scatter.add.f32 [tilespmem:s25], [sflag:$0x3], $0x80, s0, s24, $0xb8;
	[tilespmem:$0x1F000] =	vst v63  }
0x74: {  	_ =	swait.ge [sflag:s20], $0x2800  }
0x75: {  	[sflag:s20] =	ssyncset.done $0x0  }
0x76: {  	[sflag:s20] =	ssyncadd.s32 $0xFFFFD800  }
0x77: {  	_ =	swait.ge [sflag:s26], $0x2800  }
0x78: {  	[sflag:s26] =	ssyncset.done $0x0  }
0x79: {  	[sflag:s26] =	ssyncadd.s32 $0xFFFFD800  }
0x7a: {  	[spmem:s2] =	stream.indirect.scatter.add.f32 [tilespmem:s19], [sflag:$0x3], $0x80, s29, s24, $0xb8;
	[tilespmem:$0x1F000] =	vst v63  }
0x7b: {  	_ =	swait.ge [sflag:s20], $0x2800  }
0x7c: {  	s0 =	stileid.u32;
	[sflag:s20] =	ssyncset.done $0x0  }
0x7d: {  	s0 =	sshll.u32 s0, $0x6;
	[sflag:s20] =	ssyncadd.s32 $0xFFFFD800  }
0x7e: {  	s1 =	sshrl.u32 s5, $0x3;
	s0 =	sor.u32 $0x1C03, s0;
	[bflag:$0x0] =	sbarrier.arrive $0xFFFF  }
0x7f: {  	[hbm:s16], [sflag:s0] =	dma.local [spmem:s1], $0x2700  }
0x80: {  	_ =	swait.ge [sflag:s20], $0x2700  }
0x81: {  	s3 =	sadd.s32 $0x1, s3;
	[sflag:s20] =	ssyncset.done $0x0  }
0x82: {  	p1 =	sne.s32 s3, s18;
	s1 =	sshrl.u32 @!p0 s13, $0x3;
	[sflag:s20] =	ssyncadd.s32 $0xFFFFD900  }
0x83: {  	[hbm:s17], [sflag:s0] =	dma.local @!p0 [spmem:s1], $0x100  }
.Ltmp2:
0x84: {  	_ = 	snop;
	(pc) =	sbr.rel @p1 .LBB2_1-.Ltmp2, $4  }
0x85: {  	s0 =	simm.s32 @!p0 $0x3  }
0x86: {  	_ =	swait.ge @!p0 [sflag:s0], $0x100  }
0x87: {  	[sflag:s0] =	ssyncset.done @!p0 $0x0  }
0x88: {  	[sflag:s0] =	ssyncadd.s32 @!p0 $0xFFFFFF00  }
0x89: {  	_ =	sfence.sel $0x180000  }
0x8a: {  	[bflag:$0x0] =	sbarrier.arrive $0xFFFF  }
0x8b: {  	_ =	strace $0x9000004A  }
0x8c: {  	s0 =	stileid.u32;
	[bflag:$0x2] =	sbarrier.arrive $0xFFFF  }
0x8d: {  	p0 =	sne.s32 s0, $0x0;
	s0 =	rddreg [dreg:$0x3]  }
0x8e: {  	s0 =	sadd.s32 @!p0 $0x100000, s0  }
0x8f: {  	[sflag:s0] =	ssyncadd.tile.s32 @!p0 $0x1;
	_ =	shalt  }
.Lfunc_end2:
_tile_overlayer_lowered:
.L_overlay_start_2:
0x90: {  	(tag) =	ssettag $0x2  }
0x91: {  	s0 =	rddreg [dreg:$0x0];
	s2 =	stileid.u32  }
0x92: {  	s1 =	rddreg [dreg:$0x1];
	p0 =	sne.s32 s2, $0x0  }
0x93: {  	s3 =	rddreg [dreg:$0x2];
	[bflag:$0x3] =	sbarrier.arrive $0xFFFF;
	s2 =	simm.s32 @!p0 $0x1C03  }
0x94: {  	[timem:s3], [sflag:s2] =	dma.local @!p0 [hbm:s0], s1  }
0x95: {  	s0 =	simm.s32 @!p0 $0x3  }
0x96: {  	_ =	swait.ge @!p0 [sflag:s0], s1  }
0x97: {  	s1 =	ssub.s32 @!p0 $0x0, s1;
	[sflag:s0] =	ssyncset.done @!p0 $0x0  }
0x98: {  	[sflag:s0] =	ssyncadd.s32 @!p0 s1  }
0x99: {  	[bflag:$0x3] =	sbarrier.arrive $0xFFFF  }
0x9a: {  	_ =	shalt  }

// kernel: kernel.14.cloned.1.call-start
scs
__scs_entry_jumppad:
0x0: {  	(pc) =	sbr.rel $0x88, $3  }
0x1: {  	(tag) =	ssettag $0x0;
	lr =	simm.s32 $0x1  }
0x2: {  	[smem:$0x3F9B] =	sst lr;
	_ =	strace $0xD0000000  }
0x3: {  	_ = 	snop  }
0x4: {  	_ = 	snop  }
0x5: {  	_ = 	snop  }
0x6: {  	_ = 	snop  }
0x7: {  	_ = 	snop  }
__scs_overlays_trampoline_lowered:
0x8: {  	[smem:$0x3FAA] =	sst s0  }
0x9: {  	[smem:$0x3FAB] =	sst s1  }
0xa: {  	[smem:$0x3FAC] =	sst s2  }
0xb: {  	[smem:$0x3FAD] =	sst s3  }
0xc: {  	[smem:$0x3FAE] =	sst s4  }
0xd: {  	[smem:$0x3FAF] =	sst s5  }
0xe: {  	[smem:$0x3FB0] =	sst s6  }
0xf: {  	[smem:$0x3FB1] =	sst s7  }
0x10: {  	[smem:$0x3FB2] =	sst s8  }
0x11: {  	[smem:$0x3FB3] =	sst s9;
	s0 =	simm.s32 @!p0 $0x0  }
0x12: {  	s1 =	sld [smem:$0x3F99];
	s0 =	simm.s32 @p0 $0x1  }
0x13: {  	[smem:$0x3FB4] =	sst s0;
	s0 =	simm.s32 @!p1 $0x0  }
0x14: {  	s2 =	sld [smem:$0x3F98];
	s0 =	simm.s32 @p1 $0x1  }
0x15: {  	[smem:$0x3FB5] =	sst s0;
	s0 =	simm.s32 @!p2 $0x0  }
0x16: {  	s3 =	sld [smem:$0x3FDB];
	s0 =	simm.s32 @p2 $0x1  }
0x17: {  	s4 =	simm.s32 $0x1BF5;
	[smem:$0x3FB7] =	sst s0  }
0x18: {  	s0 =	sld [smem:$0x3F9A];
	_ =	swait.ge [sflag:s4], $0x0  }
0x19: {  	s7 =	sld [smem:$0x3F9B]  }
0x1a: {  	s8 =	sadd.s32 $0xFFFFE003, lr  }
0x1b: {  	s9 =	sadd.s32 $0xFFFFFEF7, lr;
	s5 =	simm.s32 $0xFFFFFFFF;
	p2 =	slt.u32 s8, $0xFFFFF086  }
0x1c: {  	p1 =	slt.u32 s9, $0xF7A;
	s5 =	simm.s32 @!p2 $0x0  }
0x1d: {  	s5 =	simm.s32 @p1 $0x1;
	p0 =	seq.s32 s7, s2  }
0x1e: {  	s7 =	smul.u32 @!p0 $0xF7A, s2;
	p2 =	seq.s32 @!p0 s5, $0x0  }
0x1f: {  	s9 =	smul.u32 $0xF7A, s1;
	s8 =	simm.s32 @!p0 $0x1BF5;
	p2 =	por !p2, p0  }
0x20: {  	[sflag:s8] =	ssyncset.s32 @!p0 $0xFFFFF086;
	s6 =	sadd.s32 @!p0 s3, s7;
	s7 =	simm.s32 @!p0 $0x108  }
0x21: {  	s3 =	sadd.s32 s3, s9;
	s6 =	sadd.s32 @!p0 $0x88, s6;
	s7 =	simm.s32 @p2 $0x1082  }
0x22: {  	[simem:s7], [sflag:s8] =	dma.local @!p0 [hbm:s6], $0xF7A  }
0x23: {  	s9 =	sor.u32 $0xD0000000, s2;
	s6 =	simm.s32 $0x108;
	_ =	swait.ge @!p0 [sflag:s8], $0x0  }
0x24: {  	s3 =	sadd.s32 $0x88, s3;
	s6 =	simm.s32 @!p1 $0x1082;
	[sflag:s4] =	ssyncset.s32 $0xFFFFF086  }
0x25: {  	[simem:s6], [sflag:s4] =	dma.local [hbm:s3], $0xF7A  }
0x26: {  	[smem:$0x3F9B] =	sst s1;
	(tag) =	ssettag s2;
	_ =	strace s9  }
0x27: {  	s1 =	sld [smem:$0x3FAB]  }
0x28: {  	s2 =	sld [smem:$0x3FAC]  }
0x29: {  	s4 =	sld [smem:$0x3FAE]  }
0x2a: {  	p0 =	seq.s32 s5, $0x0;
	s5 =	sld [smem:$0x3FAF]  }
0x2b: {  	s6 =	sld [smem:$0x3FB0]  }
0x2c: {  	s7 =	sld [smem:$0x3FB1]  }
0x2d: {  	s3 =	simm.s32 $0x108;
	s8 =	sld [smem:$0x3FB2]  }
0x2e: {  	s3 =	simm.s32 @!p0 $0x1082;
	s9 =	sld [smem:$0x3FB3]  }
0x2f: {  	lr =	sadd.s32 s0, s3;
	s0 =	sld [smem:$0x3FAA]  }
0x30: {  	s3 =	sld [smem:$0x3FAD]  }
0x31: {  	[smem:$0x3FB6] =	sst s10  }
0x32: {  	s10 =	sld [smem:$0x3FB4];
	_ =	sdelay $0x3  }
0x33: {  	p0 =	seq.s32 s10, $0x1;
	s10 =	sld [smem:$0x3FB6];
	_ =	sdelay $0x3  }
0x34: {  	[smem:$0x3FB6] =	sst s10  }
0x35: {  	s10 =	sld [smem:$0x3FB5];
	_ =	sdelay $0x3  }
0x36: {  	p1 =	seq.s32 s10, $0x1;
	s10 =	sld [smem:$0x3FB6];
	_ =	sdelay $0x3  }
0x37: {  	[smem:$0x3FB6] =	sst s10  }
0x38: {  	s10 =	sld [smem:$0x3FB7]  }
0x39: {  	_ = 	snop;
	(pc) =	sbr.ind lr, $3  }
0x3a: {  	_ = 	snop  }
0x3b: {  	_ = 	snop  }
0x3c: {  	p2 =	seq.s32 s10, $0x1;
	s10 =	sld [smem:$0x3FB6]  }
0x3d: {  	_ =	shalt  }
0x3e: {  	_ =	shalt  }
0x3f: {  	_ =	shalt  }
0x40: {  	_ =	shalt  }
0x41: {  	_ =	shalt  }
0x42: {  	_ =	shalt  }
0x43: {  	_ =	shalt  }
0x44: {  	_ =	shalt  }
0x45: {  	_ =	shalt  }
0x46: {  	_ =	shalt  }
0x47: {  	_ =	shalt  }
0x48: {  	_ =	shalt  }
0x49: {  	_ =	shalt  }
0x4a: {  	_ =	shalt  }
0x4b: {  	_ =	shalt  }
0x4c: {  	_ =	shalt  }
0x4d: {  	_ =	shalt  }
0x4e: {  	_ =	shalt  }
0x4f: {  	_ =	shalt  }
0x50: {  	_ =	shalt  }
0x51: {  	_ =	shalt  }
0x52: {  	_ =	shalt  }
0x53: {  	_ =	shalt  }
0x54: {  	_ =	shalt  }
0x55: {  	_ =	shalt  }
0x56: {  	_ =	shalt  }
0x57: {  	_ =	shalt  }
0x58: {  	_ =	shalt  }
0x59: {  	_ =	shalt  }
0x5a: {  	_ =	shalt  }
0x5b: {  	_ =	shalt  }
0x5c: {  	_ =	shalt  }
0x5d: {  	_ =	shalt  }
0x5e: {  	_ =	shalt  }
0x5f: {  	_ =	shalt  }
0x60: {  	_ =	shalt  }
0x61: {  	_ =	shalt  }
0x62: {  	_ =	shalt  }
0x63: {  	_ =	shalt  }
0x64: {  	_ =	shalt  }
0x65: {  	_ =	shalt  }
0x66: {  	_ =	shalt  }
0x67: {  	_ =	shalt  }
0x68: {  	_ =	shalt  }
0x69: {  	_ =	shalt  }
0x6a: {  	_ =	shalt  }
0x6b: {  	_ =	shalt  }
0x6c: {  	_ =	shalt  }
0x6d: {  	_ =	shalt  }
0x6e: {  	_ =	shalt  }
0x6f: {  	_ =	shalt  }
0x70: {  	_ =	shalt  }
0x71: {  	_ =	shalt  }
0x72: {  	_ =	shalt  }
0x73: {  	_ =	shalt  }
0x74: {  	_ =	shalt  }
0x75: {  	_ =	shalt  }
0x76: {  	_ =	shalt  }
0x77: {  	_ =	shalt  }
0x78: {  	_ =	shalt  }
0x79: {  	_ =	shalt  }
0x7a: {  	_ =	shalt  }
0x7b: {  	_ =	shalt  }
0x7c: {  	_ =	shalt  }
0x7d: {  	_ =	shalt  }
0x7e: {  	_ =	shalt  }
0x7f: {  	_ =	shalt  }
0x80: {  	_ =	shalt  }
0x81: {  	_ =	shalt  }
0x82: {  	_ =	shalt  }
0x83: {  	_ =	shalt  }
0x84: {  	_ =	shalt  }
0x85: {  	_ =	shalt  }
0x86: {  	_ =	shalt  }
0x87: {  	_ =	shalt  }
.Lfunc_end0:
.L_simem_size_0:
called_computation.2_lowered:
.L_overlay_start_0:
0x88: {  	s2 =	sld [smem:$0x3FD9]  }
0x89: {  	s3 =	sld [smem:$0x3FFE];
	_ =	sdelay $0x1  }
0x8a: {  	s1 =	srdreg.scid  }
0x8b: {  	s0 =	sand.u32 $0x1, s1  }
0x8c: {  	s17 =	sshll.u32 s0, $0xA;
	s2 =	sadd.s32 s3, s2  }
0x8d: {  	s2 =	sadd.s32 s2, s17  }
0x8e: {  	[smem:$0x3FC2] =	sst s2  }
0x8f: {  	_ = 	snop  }
0x90: {  	s2 =	sld [smem:$0x3FD0];
	(tm) =	ssettm $0x1  }
0x91: {  	s18 =	sld [smem:$0x3FFB];
	_ =	sdelay $0x3  }
0x92: {  	_ =	strace s18  }
0x93: {  	s3 =	sld [smem:$0x3FFC];
	_ =	sdelay $0x3  }
0x94: {  	_ =	strace s3  }
0x95: {  	s3 =	sld [smem:$0x3FFD];
	_ =	sdelay $0x3  }
0x96: {  	_ =	strace s3  }
0x97: {  	_ =	strace $0x8FFFFFFF  }
0x98: {  	s19 =	sld [smem:$0x3FDB];
	_ =	sdelay $0x1  }
0x99: {  	s4 =	simm.s32 $_scs_section_size  }
0x9a: {  	s5 =	simm.s32 $_size__tile_overlayer_lowered;
	s6 =	simm.s32 $_tile_overlayer_lowered  }
0x9b: {  	s22 =	simm.s32 $0x1BFF;
	s21 =	sshll.u32 s6, $0x1;
	s3 =	sadd.s32 s4, s19  }
0x9c: {  	s7 =	simm.s32 $0x0;
	s20 =	sshll.u32 s5, $0x1;
	s5 =	sadd.s32 s21, s3  }
0x9d: {  	[timem:s7], [sflag:s22] =	dma.local [hbm:s5], s20  }
0x9e: {  	_ =	swait.ge [sflag:s22], s20  }
0x9f: {  	s4 =	ssub.s32 $0x0, s20;
	[sflag:s22] =	ssyncset.done $0x0  }
0xa0: {  	[sflag:s22] =	ssyncadd.s32 s4;
	_ =	sdelay $0x1  }
0xa1: {  	s23 =	simm.s32 $0x1B8B  }
0xa2: {  	_ =	swait.ge [sflag:s23], $0x1  }
0xa3: {  	[sflag:s23] =	ssyncset.done $0x0  }
0xa4: {  	s25 =	simm.s32 $0x1B8E;
	s24 =	sld [smem:$0x3FFE];
	[sflag:s23] =	ssyncadd.s32 $0xFFFFFFFF  }
0xa5: {  	s26 =	simm.s32 $execute0_lowered;
	[smem:$0x3FD2] =	sst s25  }
0xa6: {  	s5 =	sshll.u32 s26, $0x1;
	_ =	strace $0x8000004C;
	[dreg:$0x1] =	wrdreg $0xFFFFFFFF  }
0xa7: {  	s28 =	simm.s32 $_size_execute0_lowered;
	s3 =	sadd.s32 s3, s5;
	[dreg:$0x0] =	wrdreg $0x0  }
0xa8: {  	s5 =	sshll.u32 s28, $0x1;
	[dreg:$0x2] =	wrdreg s3  }
0xa9: {  	[dreg:$0x3] =	wrdreg s5  }
0xaa: {  	[dreg:$0x4] =	wrdreg $0xC0  }
0xab: {  	_ =	task [dreg:s7], $0x5FFFF  }
0xac: {  	[dreg:$0x1] =	wrdreg $0xFFFFFFFF  }
0xad: {  	[dreg:$0x0] =	wrdreg $0x60  }
0xae: {  	[dreg:$0x2] =	wrdreg s24  }
0xaf: {  	[dreg:$0x3] =	wrdreg s2  }
0xb0: {  	[dreg:$0x4] =	wrdreg $0xB7800  }
0xb1: {  	[dreg:$0x5] =	wrdreg $0x9  }
0xb2: {  	_ =	task.clear_ibuf [dreg:s7], $0x6FFFF;
	_ =	strace $0x9000004C  }
0xb3: {  	s29 =	simm.s32 $0x9;
	_ =	strace $0x8000004E  }
0xb4: {  	_ =	swait.ge [sflag:s29], $0x1  }
0xb5: {  	[sflag:s29] =	ssyncadd.s32 $0xFFFFFFFF  }
0xb6: {  	_ =	strace $0x9000004E  }
0xb7: {  	_ =	sfence  }
0xb8: {  	s30 =	sld [smem:$0x0];
	_ =	sdelay $0x2  }
0xb9: {  	s31 =	sshll.u32 s1, $0xD;
	s1 =	sshrl.u32 s1, $0x2  }
0xba: {  	s3 =	sand.u32 $0x4000, s31;
	s1 =	sadd.s32 s1, s30  }
0xbb: {  	s0 =	sor.u32 s3, s0;
	s1 =	sshll.u32 s1, $0x11  }
0xbc: {  	s0 =	sor.u32 s1, s0  }
0xbd: {  	s0 =	sadd.s32 $0x8F2B, s0  }
0xbe: {  	[sflag:s0] =	ssyncadd.remote.s32 $0x1  }
0xbf: {  	_ =	sfence.sel $0xFFFF  }
0xc0: {  	[dreg:$0x0] =	wrdreg $0xFFFFFFFF;
	(pc) =	sbr.abs _section_cstart, $3  }
0xc1: {  	[dreg:$0x1] =	wrdreg $0xFFFFFFFF  }
0xc2: {  	_ =	task.clear_ibuf [dreg:s7], $0x2FFFF;
	_ =	strace $0x9FFFFFFF  }
0xc3: {  	(tm) =	ssettm $0x7FFFFFFF  }
tec
execute0_lowered:
.L_overlay_start_1:
0x0: {  	(tag) =	ssettag $0x1  }
0x1: {  	s5 =	rddreg [dreg:$0x0]  }
0x2: {  	s14 =	rddreg [dreg:$0x1]  }
0x3: {  	s2 =	rddreg [dreg:$0x2]  }
0x4: {  	s3 =	simm.s32 $0x0;
	s4 =	srdreg.scid;
	s0 =	stileid.u32  }
0x5: {  	s22 =	simm.s32 $0x400;
	s23 =	simm.s32 $0x2780;
	s24 =	simm.s32 $0x50  }
0x6: {  	s28 =	simm.s32 $0x2;
	s29 =	simm.s32 $0x6580;
	[smem:$0x7FF] =	sst s3  }
0x7: {  	s11 =	sand.u32 $0x1, s4;
	s25 =	sshll.u32 s0, $0x1;
	s6 =	smul.u32 $0x4E000, s0  }
0x8: {  	s4 =	sadd.s32 $0x12400, s5;
	s16 =	sadd.s32 $0x39600, s5;
	s10 =	sshrl.u32 s0, $0x2  }
0x9: {  	s21 =	smul.u32 $0x13800, s0;
	s13 =	sadd.s32 $0x138000, s2;
	p0 =	sne.s32 s0, $0xF  }
0xa: {  	_ =	strace $0x8000004D;
	s12 =	sor.u32 s11, s25;
	s17 =	smul.u32 $0x13C00, s10  }
0xb: {  	s8 =	ssub.s32 $0x2, s11;
	s19 =	smul.u32 $0x138800, s11;
	s25 =	simm.s32 $0x8F80  }
0xc: {  	s7 =	sshll.u32 s12, $0xB;
	s26 =	sshrl.u32 s8, $0x1;
	s6 =	sshrl.u32 s6, $0x2  }
0xd: {  	s12 =	sshll.u32 s12, $0x7;
	s15 =	sadd.s32 s7, s5;
	s18 =	ssub.s32 s8, s26  }
0xe: {  	s5 =	sadd.s32 s6, s2;
	s20 =	sand.u32 $0x380, s12;
	s30 =	sadd.s32 s21, s19  }
0xf: {  	s19 =	sshrl.u32 s19, $0x3;
	s21 =	simm.s32 $0x80;
	s26 =	simm.s32 $0x1  }
0x10: {  	s6 =	sadd.s32 $0x2800, s5;
	s7 =	sadd.s32 $0x5000, s5;
	s8 =	sadd.s32 $0x7800, s5  }
0x11: {  	s9 =	sadd.s32 $0xA000, s5;
	s10 =	sadd.s32 $0xC800, s5;
	s11 =	sadd.s32 $0xF000, s5  }
0x12: {  	s12 =	sadd.s32 $0x11800, s5;
	s17 =	sor.u32 s17, s20;
	s31 =	sshrl.u32 s30, $0x3  }
0x13: {  	s19 =	sadd.s32 s16, s19;
	s15 =	sadd.s32 $0x2400, s15;
	s18 =	smax.u32 s18, $0x1  }
0x14: {  	s20 =	simm.s32 $0x3;
	s17 =	sshrl.u32 s17, $0x3;
	s16 =	sadd.s32 s16, s31  }
0x15: {  	v0 =	vimm.f32 $0.0e+00;
	s14 =	sadd.s32 s14, s17;
	s17 =	sadd.s32 $0x27000, s19;
	s19 =	simm.s32 $0x6780  }
.LBB2_1:
0x16: {  	s30 =	simm.s32 $0x70;
	s31 =	simm.s32 $0x3C0  }
.LBB2_2:
0x17: {  	p1 =	sne.s32 s31, $0x9FC0;
	[tilespmem:s30+$0x6780] =	vst v0  }
0x18: {  	[tilespmem:s30+$0x6710] =	vst v0  }
0x19: {  	[tilespmem:s30+$0x6720] =	vst v0  }
.Ltmp0:
0x1a: {  	[tilespmem:s30+$0x6730] =	vst v0;
	(pc) =	sbr.rel @p1 .LBB2_2-.Ltmp0, $4  }
0x1b: {  	[tilespmem:s30+$0x6740] =	vst v0  }
0x1c: {  	[tilespmem:s30+$0x6750] =	vst v0  }
0x1d: {  	[tilespmem:s30+$0x6760] =	vst v0  }
0x1e: {  	[tilespmem:s30+$0x6770] =	vst v0;
	s30 =	sshra.s32 s31, $0x2;
	s31 =	sadd.s32 $0x200, s31  }
0x1f: {  	[tilespmem:s30+$0x6780] =	vst v0  }
0x20: {  	[tilespmem:s30+$0x6710] =	vst v0  }
0x21: {  	[tilespmem:s30+$0x6720] =	vst v0  }
0x22: {  	[tilespmem:s30+$0x6730] =	vst v0  }
0x23: {  	[tilespmem:s30+$0x6740] =	vst v0  }
0x24: {  	[tilespmem:s30+$0x6750] =	vst v0  }
0x25: {  	[tilespmem:s30+$0x6760] =	vst v0  }
0x26: {  	[tilespmem:s30+$0x6770] =	vst v0  }
0x27: {  	[spmem:s5] =	stream.linear.scatter [tilespmem:s19], [sflag:$0x3], $0x2800, $0x38;
	[tilespmem:$0x1F000] =	vst v63  }
0x28: {  	_ =	swait.ge [sflag:s20], $0x2800  }
0x29: {  	[sflag:s20] =	ssyncset.done $0x0  }
0x2a: {  	[sflag:s20] =	ssyncadd.s32 $0xFFFFD800  }
0x2b: {  	[spmem:s6] =	stream.linear.scatter [tilespmem:s19], [sflag:$0x3], $0x2800, $0x38;
	[tilespmem:$0x1F000] =	vst v63  }
0x2c: {  	_ =	swait.ge [sflag:s20], $0x2800  }
0x2d: {  	[sflag:s20] =	ssyncset.done $0x0  }
0x2e: {  	[sflag:s20] =	ssyncadd.s32 $0xFFFFD800  }
0x2f: {  	[spmem:s7] =	stream.linear.scatter [tilespmem:s19], [sflag:$0x3], $0x2800, $0x38;
	[tilespmem:$0x1F000] =	vst v63  }
0x30: {  	_ =	swait.ge [sflag:s20], $0x2800  }
0x31: {  	[sflag:s20] =	ssyncset.done $0x0  }
0x32: {  	[sflag:s20] =	ssyncadd.s32 $0xFFFFD800  }
0x33: {  	[spmem:s8] =	stream.linear.scatter [tilespmem:s19], [sflag:$0x3], $0x2800, $0x38;
	[tilespmem:$0x1F000] =	vst v63  }
0x34: {  	_ =	swait.ge [sflag:s20], $0x2800  }
0x35: {  	[sflag:s20] =	ssyncset.done $0x0  }
0x36: {  	[sflag:s20] =	ssyncadd.s32 $0xFFFFD800  }
0x37: {  	[spmem:s9] =	stream.linear.scatter [tilespmem:s19], [sflag:$0x3], $0x2800, $0x38;
	[tilespmem:$0x1F000] =	vst v63  }
0x38: {  	_ =	swait.ge [sflag:s20], $0x2800  }
0x39: {  	[sflag:s20] =	ssyncset.done $0x0  }
0x3a: {  	[sflag:s20] =	ssyncadd.s32 $0xFFFFD800  }
0x3b: {  	[spmem:s10] =	stream.linear.scatter [tilespmem:s19], [sflag:$0x3], $0x2800, $0x38;
	[tilespmem:$0x1F000] =	vst v63  }
0x3c: {  	_ =	swait.ge [sflag:s20], $0x2800  }
0x3d: {  	[sflag:s20] =	ssyncset.done $0x0  }
0x3e: {  	[sflag:s20] =	ssyncadd.s32 $0xFFFFD800  }
0x3f: {  	[spmem:s11] =	stream.linear.scatter [tilespmem:s19], [sflag:$0x3], $0x2800, $0x38;
	[tilespmem:$0x1F000] =	vst v63  }
0x40: {  	_ =	swait.ge [sflag:s20], $0x2800  }
0x41: {  	[sflag:s20] =	ssyncset.done $0x0  }
0x42: {  	[sflag:s20] =	ssyncadd.s32 $0xFFFFD800  }
0x43: {  	[spmem:s12] =	stream.linear.scatter [tilespmem:s19], [sflag:$0x3], $0x2000, $0x38;
	[tilespmem:$0x1F000] =	vst v63  }
0x44: {  	_ =	swait.ge [sflag:s20], $0x2000  }
0x45: {  	[sflag:s20] =	ssyncset.done $0x0  }
0x46: {  	s30 =	simm.s32 @!p0 $0x6780;
	[sflag:s20] =	ssyncadd.s32 $0xFFFFE000  }
0x47: {  	[spmem:s13] =	stream.linear.scatter @!p0 [tilespmem:s30], [sflag:$0x3], $0x800, $0x38;
	[tilespmem:$0x1F000] =	vst v63  }
0x48: {  	s30 =	simm.s32 @!p0 $0x3  }
0x49: {  	_ =	swait.ge @!p0 [sflag:s30], $0x800  }
0x4a: {  	[sflag:s30] =	ssyncset.done @!p0 $0x0  }
0x4b: {  	s31 =	simm.s32 $0x0;
	[sflag:s30] =	ssyncadd.s32 @!p0 $0xFFFFF800  }
0x4c: {  	[tilespmem:s31], [sflag:$0x3] =	stream.strided.gather [hbm4b:s14+s21], $0x2780, s22, s21, $0x38;
	[tilespmem:$0x1F000] =	vst v63  }
0x4d: {  	_ =	swait.ge [sflag:s20], $0x2780  }
0x4e: {  	[sflag:s20] =	ssyncset.done $0x0  }
0x4f: {  	[sflag:s20] =	ssyncadd.s32 $0xFFFFD880  }
0x50: {  	[tilespmem:s23], [sflag:$0x3] =	stream.linear.gather [hbm4b:s15+s31], $0x3E80, $0x38;
	[tilespmem:$0x1F000] =	vst v63  }
0x51: {  	_ =	swait.ge [sflag:s20], $0x3E80  }
0x52: {  	[sflag:s20] =	ssyncset.done $0x0  }
0x53: {  	[sflag:s20] =	ssyncadd.s32 $0xFFFFC180  }
0x54: {  	s30 =	simm.s32 $0x50;
	[bflag:$0x0] =	sbarrier.arrive $0xFFFF  }
0x55: {  	[tilespmem:s19], [sflag:$0x1] =	stream.indirect.gather [hbm4b:s4+s30], $0x80, s31, s30, $0xb8;
	[tilespmem:$0x1F000] =	vst v63  }
0x56: {  	_ = 	snop  }
0x57: {  	[tilespmem:s25], [sflag:$0x2] =	stream.indirect.gather [hbm4b:s4+s24], $0x80, s30, s24, $0xb8;
	[tilespmem:$0x1F000] =	vst v63  }
0x58: {  	_ =	swait.ge [sflag:s26], $0x2800  }
0x59: {  	[sflag:s26] =	ssyncset.done $0x0  }
0x5a: {  	s31 =	simm.s32 $0x2780;
	[sflag:s26] =	ssyncadd.s32 $0xFFFFD800  }
0x5b: {  	[spmem:s2] =	stream.indirect.scatter.add.f32 [tilespmem:s19], [sflag:$0x3], $0x80, s31, s24, $0xb8;
	[tilespmem:$0x1F000] =	vst v63  }
0x5c: {  	_ =	swait.ge [sflag:s20], $0x2800  }
0x5d: {  	[sflag:s20] =	ssyncset.done $0x0  }
0x5e: {  	s31 =	simm.s32 $0xA0;
	[sflag:s20] =	ssyncadd.s32 $0xFFFFD800  }
0x5f: {  	[tilespmem:s19], [sflag:$0x1] =	stream.indirect.gather [hbm4b:s4+s24], $0x80, s31, s24, $0xb8;
	[tilespmem:$0x1F000] =	vst v63  }
0x60: {  	_ =	swait.ge [sflag:s28], $0x2800  }
0x61: {  	[sflag:s28] =	ssyncset.done $0x0  }
0x62: {  	s31 =	simm.s32 $0x2800;
	[sflag:s28] =	ssyncadd.s32 $0xFFFFD800  }
0x63: {  	[spmem:s2] =	stream.indirect.scatter.add.f32 [tilespmem:s25], [sflag:$0x3], $0x80, s31, s24, $0xb8;
	[tilespmem:$0x1F000] =	vst v63  }
0x64: {  	_ =	swait.ge [sflag:s20], $0x2800  }
0x65: {  	s31 =	simm.s32 $0x400;
	[sflag:s20] =	ssyncset.done $0x0  }
.LBB2_4:
0x66: {  	p1 =	sne.s32 s31, $0xF400;
	[sflag:s20] =	ssyncadd.s32 $0xFFFFD800;
	s30 =	sadd.s32 $0xA0, s30  }
0x67: {  	[tilespmem:s25], [sflag:$0x2] =	stream.indirect.gather [hbm4b:s4+s24], $0x80, s30, s24, $0xb8;
	[tilespmem:$0x1F000] =	vst v63  }
0x68: {  	s0 =	smov.u32 s31;
	s31 =	sadd.s32 $0x400, s31;
	_ =	swait.ge [sflag:s26], $0x2800  }
0x69: {  	s0 =	sshra.s32 s0, $0x2;
	[sflag:s26] =	ssyncset.done $0x0  }
0x6a: {  	s1 =	sadd.s32 $0x2780, s0;
	[sflag:s26] =	ssyncadd.s32 $0xFFFFD800  }
0x6b: {  	[spmem:s2] =	stream.indirect.scatter.add.f32 [tilespmem:s19], [sflag:$0x3], $0x80, s1, s24, $0xb8;
	[tilespmem:$0x1F000] =	vst v63  }
0x6c: {  	_ =	swait.ge [sflag:s20], $0x2800  }
0x6d: {  	[sflag:s20] =	ssyncset.done $0x0  }
0x6e: {  	s1 =	sadd.s32 $0x50, s30;
	[sflag:s20] =	ssyncadd.s32 $0xFFFFD800  }
0x6f: {  	[tilespmem:s19], [sflag:$0x1] =	stream.indirect.gather [hbm4b:s4+s24], $0x80, s1, s24, $0xb8;
	[tilespmem:$0x1F000] =	vst v63  }
0x70: {  	_ =	swait.ge [sflag:s28], $0x2800  }
.Ltmp1:
0x71: {  	[sflag:s28] =	ssyncset.done $0x0;
	(pc) =	sbr.rel @p1 .LBB2_4-.Ltmp1, $4  }
0x72: {  	s0 =	sadd.s32 $0x2800, s0;
	[sflag:s28] =	ssyncadd.s32 $0xFFFFD800  }
0x73: {  	[spmem:s2] =	stream.indirect.scatter.add.f32 [tilespmem:s25], [sflag:$0x3], $0x80, s0, s24, $0xb8;
	[tilespmem:$0x1F000] =	vst v63  }
0x74: {  	_ =	swait.ge [sflag:s20], $0x2800  }
0x75: {  	[sflag:s20] =	ssyncset.done $0x0  }
0x76: {  	[sflag:s20] =	ssyncadd.s32 $0xFFFFD800  }
0x77: {  	_ =	swait.ge [sflag:s26], $0x2800  }
0x78: {  	[sflag:s26] =	ssyncset.done $0x0  }
0x79: {  	[sflag:s26] =	ssyncadd.s32 $0xFFFFD800  }
0x7a: {  	[spmem:s2] =	stream.indirect.scatter.add.f32 [tilespmem:s19], [sflag:$0x3], $0x80, s29, s24, $0xb8;
	[tilespmem:$0x1F000] =	vst v63  }
0x7b: {  	_ =	swait.ge [sflag:s20], $0x2800  }
0x7c: {  	s0 =	stileid.u32;
	[sflag:s20] =	ssyncset.done $0x0  }
0x7d: {  	s0 =	sshll.u32 s0, $0x6;
	[sflag:s20] =	ssyncadd.s32 $0xFFFFD800  }
0x7e: {  	s1 =	sshrl.u32 s5, $0x3;
	s0 =	sor.u32 $0x1C03, s0;
	[bflag:$0x0] =	sbarrier.arrive $0xFFFF  }
0x7f: {  	[hbm:s16], [sflag:s0] =	dma.local [spmem:s1], $0x2700  }
0x80: {  	_ =	swait.ge [sflag:s20], $0x2700  }
0x81: {  	s3 =	sadd.s32 $0x1, s3;
	[sflag:s20] =	ssyncset.done $0x0  }
0x82: {  	p1 =	sne.s32 s3, s18;
	s1 =	sshrl.u32 @!p0 s13, $0x3;
	[sflag:s20] =	ssyncadd.s32 $0xFFFFD900  }
0x83: {  	[hbm:s17], [sflag:s0] =	dma.local @!p0 [spmem:s1], $0x100  }
.Ltmp2:
0x84: {  	_ = 	snop;
	(pc) =	sbr.rel @p1 .LBB2_1-.Ltmp2, $4  }
0x85: {  	s0 =	simm.s32 @!p0 $0x3  }
0x86: {  	_ =	swait.ge @!p0 [sflag:s0], $0x100  }
0x87: {  	[sflag:s0] =	ssyncset.done @!p0 $0x0  }
0x88: {  	[sflag:s0] =	ssyncadd.s32 @!p0 $0xFFFFFF00  }
0x89: {  	_ =	sfence.sel $0x180000  }
0x8a: {  	[bflag:$0x0] =	sbarrier.arrive $0xFFFF  }
0x8b: {  	_ =	strace $0x9000004D  }
0x8c: {  	s0 =	stileid.u32;
	[bflag:$0x2] =	sbarrier.arrive $0xFFFF  }
0x8d: {  	p0 =	sne.s32 s0, $0x0;
	s0 =	rddreg [dreg:$0x3]  }
0x8e: {  	s0 =	sadd.s32 @!p0 $0x100000, s0  }
0x8f: {  	[sflag:s0] =	ssyncadd.tile.s32 @!p0 $0x1;
	_ =	shalt  }
.Lfunc_end2:
_tile_overlayer_lowered:
.L_overlay_start_2:
0x90: {  	(tag) =	ssettag $0x2  }
0x91: {  	s0 =	rddreg [dreg:$0x0];
	s2 =	stileid.u32  }
0x92: {  	s1 =	rddreg [dreg:$0x1];
	p0 =	sne.s32 s2, $0x0  }
0x93: {  	s3 =	rddreg [dreg:$0x2];
	[bflag:$0x3] =	sbarrier.arrive $0xFFFF;
	s2 =	simm.s32 @!p0 $0x1C03  }
0x94: {  	[timem:s3], [sflag:s2] =	dma.local @!p0 [hbm:s0], s1  }
0x95: {  	s0 =	simm.s32 @!p0 $0x3  }
0x96: {  	_ =	swait.ge @!p0 [sflag:s0], s1  }
0x97: {  	s1 =	ssub.s32 @!p0 $0x0, s1;
	[sflag:s0] =	ssyncset.done @!p0 $0x0  }
0x98: {  	[sflag:s0] =	ssyncadd.s32 @!p0 s1  }
0x99: {  	[bflag:$0x3] =	sbarrier.arrive $0xFFFF  }
0x9a: {  	_ =	shalt  }

// kernel: kernel.8.cloned.1.call-start
scs
__scs_entry_jumppad:
0x0: {  	(pc) =	sbr.rel $0x88, $3  }
0x1: {  	(tag) =	ssettag $0x0;
	lr =	simm.s32 $0x1  }
0x2: {  	[smem:$0x3F9B] =	sst lr;
	_ =	strace $0xD0000000  }
0x3: {  	_ = 	snop  }
0x4: {  	_ = 	snop  }
0x5: {  	_ = 	snop  }
0x6: {  	_ = 	snop  }
0x7: {  	_ = 	snop  }
__scs_overlays_trampoline_lowered:
0x8: {  	[smem:$0x3FAA] =	sst s0  }
0x9: {  	[smem:$0x3FAB] =	sst s1  }
0xa: {  	[smem:$0x3FAC] =	sst s2  }
0xb: {  	[smem:$0x3FAD] =	sst s3  }
0xc: {  	[smem:$0x3FAE] =	sst s4  }
0xd: {  	[smem:$0x3FAF] =	sst s5  }
0xe: {  	[smem:$0x3FB0] =	sst s6  }
0xf: {  	[smem:$0x3FB1] =	sst s7  }
0x10: {  	[smem:$0x3FB2] =	sst s8  }
0x11: {  	[smem:$0x3FB3] =	sst s9;
	s0 =	simm.s32 @!p0 $0x0  }
0x12: {  	s1 =	sld [smem:$0x3F99];
	s0 =	simm.s32 @p0 $0x1  }
0x13: {  	[smem:$0x3FB4] =	sst s0;
	s0 =	simm.s32 @!p1 $0x0  }
0x14: {  	s2 =	sld [smem:$0x3F98];
	s0 =	simm.s32 @p1 $0x1  }
0x15: {  	[smem:$0x3FB5] =	sst s0;
	s0 =	simm.s32 @!p2 $0x0  }
0x16: {  	s3 =	sld [smem:$0x3FDB];
	s0 =	simm.s32 @p2 $0x1  }
0x17: {  	s4 =	simm.s32 $0x1BF5;
	[smem:$0x3FB7] =	sst s0  }
0x18: {  	s0 =	sld [smem:$0x3F9A];
	_ =	swait.ge [sflag:s4], $0x0  }
0x19: {  	s7 =	sld [smem:$0x3F9B]  }
0x1a: {  	s8 =	sadd.s32 $0xFFFFE003, lr  }
0x1b: {  	s9 =	sadd.s32 $0xFFFFFEF7, lr;
	s5 =	simm.s32 $0xFFFFFFFF;
	p2 =	slt.u32 s8, $0xFFFFF086  }
0x1c: {  	p1 =	slt.u32 s9, $0xF7A;
	s5 =	simm.s32 @!p2 $0x0  }
0x1d: {  	s5 =	simm.s32 @p1 $0x1;
	p0 =	seq.s32 s7, s2  }
0x1e: {  	s7 =	smul.u32 @!p0 $0xF7A, s2;
	p2 =	seq.s32 @!p0 s5, $0x0  }
0x1f: {  	s9 =	smul.u32 $0xF7A, s1;
	s8 =	simm.s32 @!p0 $0x1BF5;
	p2 =	por !p2, p0  }
0x20: {  	[sflag:s8] =	ssyncset.s32 @!p0 $0xFFFFF086;
	s6 =	sadd.s32 @!p0 s3, s7;
	s7 =	simm.s32 @!p0 $0x108  }
0x21: {  	s3 =	sadd.s32 s3, s9;
	s6 =	sadd.s32 @!p0 $0x88, s6;
	s7 =	simm.s32 @p2 $0x1082  }
0x22: {  	[simem:s7], [sflag:s8] =	dma.local @!p0 [hbm:s6], $0xF7A  }
0x23: {  	s9 =	sor.u32 $0xD0000000, s2;
	s6 =	simm.s32 $0x108;
	_ =	swait.ge @!p0 [sflag:s8], $0x0  }
0x24: {  	s3 =	sadd.s32 $0x88, s3;
	s6 =	simm.s32 @!p1 $0x1082;
	[sflag:s4] =	ssyncset.s32 $0xFFFFF086  }
0x25: {  	[simem:s6], [sflag:s4] =	dma.local [hbm:s3], $0xF7A  }
0x26: {  	[smem:$0x3F9B] =	sst s1;
	(tag) =	ssettag s2;
	_ =	strace s9  }
0x27: {  	s1 =	sld [smem:$0x3FAB]  }
0x28: {  	s2 =	sld [smem:$0x3FAC]  }
0x29: {  	s4 =	sld [smem:$0x3FAE]  }
0x2a: {  	p0 =	seq.s32 s5, $0x0;
	s5 =	sld [smem:$0x3FAF]  }
0x2b: {  	s6 =	sld [smem:$0x3FB0]  }
0x2c: {  	s7 =	sld [smem:$0x3FB1]  }
0x2d: {  	s3 =	simm.s32 $0x108;
	s8 =	sld [smem:$0x3FB2]  }
0x2e: {  	s3 =	simm.s32 @!p0 $0x1082;
	s9 =	sld [smem:$0x3FB3]  }
0x2f: {  	lr =	sadd.s32 s0, s3;
	s0 =	sld [smem:$0x3FAA]  }
0x30: {  	s3 =	sld [smem:$0x3FAD]  }
0x31: {  	[smem:$0x3FB6] =	sst s10  }
0x32: {  	s10 =	sld [smem:$0x3FB4];
	_ =	sdelay $0x3  }
0x33: {  	p0 =	seq.s32 s10, $0x1;
	s10 =	sld [smem:$0x3FB6];
	_ =	sdelay $0x3  }
0x34: {  	[smem:$0x3FB6] =	sst s10  }
0x35: {  	s10 =	sld [smem:$0x3FB5];
	_ =	sdelay $0x3  }
0x36: {  	p1 =	seq.s32 s10, $0x1;
	s10 =	sld [smem:$0x3FB6];
	_ =	sdelay $0x3  }
0x37: {  	[smem:$0x3FB6] =	sst s10  }
0x38: {  	s10 =	sld [smem:$0x3FB7]  }
0x39: {  	_ = 	snop;
	(pc) =	sbr.ind lr, $3  }
0x3a: {  	_ = 	snop  }
0x3b: {  	_ = 	snop  }
0x3c: {  	p2 =	seq.s32 s10, $0x1;
	s10 =	sld [smem:$0x3FB6]  }
0x3d: {  	_ =	shalt  }
0x3e: {  	_ =	shalt  }
0x3f: {  	_ =	shalt  }
0x40: {  	_ =	shalt  }
0x41: {  	_ =	shalt  }
0x42: {  	_ =	shalt  }
0x43: {  	_ =	shalt  }
0x44: {  	_ =	shalt  }
0x45: {  	_ =	shalt  }
0x46: {  	_ =	shalt  }
0x47: {  	_ =	shalt  }
0x48: {  	_ =	shalt  }
0x49: {  	_ =	shalt  }
0x4a: {  	_ =	shalt  }
0x4b: {  	_ =	shalt  }
0x4c: {  	_ =	shalt  }
0x4d: {  	_ =	shalt  }
0x4e: {  	_ =	shalt  }
0x4f: {  	_ =	shalt  }
0x50: {  	_ =	shalt  }
0x51: {  	_ =	shalt  }
0x52: {  	_ =	shalt  }
0x53: {  	_ =	shalt  }
0x54: {  	_ =	shalt  }
0x55: {  	_ =	shalt  }
0x56: {  	_ =	shalt  }
0x57: {  	_ =	shalt  }
0x58: {  	_ =	shalt  }
0x59: {  	_ =	shalt  }
0x5a: {  	_ =	shalt  }
0x5b: {  	_ =	shalt  }
0x5c: {  	_ =	shalt  }
0x5d: {  	_ =	shalt  }
0x5e: {  	_ =	shalt  }
0x5f: {  	_ =	shalt  }
0x60: {  	_ =	shalt  }
0x61: {  	_ =	shalt  }
0x62: {  	_ =	shalt  }
0x63: {  	_ =	shalt  }
0x64: {  	_ =	shalt  }
0x65: {  	_ =	shalt  }
0x66: {  	_ =	shalt  }
0x67: {  	_ =	shalt  }
0x68: {  	_ =	shalt  }
0x69: {  	_ =	shalt  }
0x6a: {  	_ =	shalt  }
0x6b: {  	_ =	shalt  }
0x6c: {  	_ =	shalt  }
0x6d: {  	_ =	shalt  }
0x6e: {  	_ =	shalt  }
0x6f: {  	_ =	shalt  }
0x70: {  	_ =	shalt  }
0x71: {  	_ =	shalt  }
0x72: {  	_ =	shalt  }
0x73: {  	_ =	shalt  }
0x74: {  	_ =	shalt  }
0x75: {  	_ =	shalt  }
0x76: {  	_ =	shalt  }
0x77: {  	_ =	shalt  }
0x78: {  	_ =	shalt  }
0x79: {  	_ =	shalt  }
0x7a: {  	_ =	shalt  }
0x7b: {  	_ =	shalt  }
0x7c: {  	_ =	shalt  }
0x7d: {  	_ =	shalt  }
0x7e: {  	_ =	shalt  }
0x7f: {  	_ =	shalt  }
0x80: {  	_ =	shalt  }
0x81: {  	_ =	shalt  }
0x82: {  	_ =	shalt  }
0x83: {  	_ =	shalt  }
0x84: {  	_ =	shalt  }
0x85: {  	_ =	shalt  }
0x86: {  	_ =	shalt  }
0x87: {  	_ =	shalt  }
.Lfunc_end0:
.L_simem_size_0:
called_computation_lowered:
.L_overlay_start_0:
0x88: {  	s2 =	sld [smem:$0x3FD9]  }
0x89: {  	s3 =	sld [smem:$0x3FFE];
	_ =	sdelay $0x1  }
0x8a: {  	s1 =	srdreg.scid  }
0x8b: {  	s0 =	sand.u32 $0x1, s1  }
0x8c: {  	s16 =	sshll.u32 s0, $0xA;
	s2 =	sadd.s32 s3, s2  }
0x8d: {  	s2 =	sadd.s32 s2, s16  }
0x8e: {  	[smem:$0x3FC2] =	sst s2  }
0x8f: {  	_ = 	snop  }
0x90: {  	(tm) =	ssettm $0x1  }
0x91: {  	s17 =	sld [smem:$0x3FFB];
	_ =	sdelay $0x3  }
0x92: {  	_ =	strace s17  }
0x93: {  	s2 =	sld [smem:$0x3FFC];
	_ =	sdelay $0x3  }
0x94: {  	_ =	strace s2  }
0x95: {  	s2 =	sld [smem:$0x3FFD];
	_ =	sdelay $0x3  }
0x96: {  	_ =	strace s2  }
0x97: {  	_ =	strace $0x8FFFFFFF  }
0x98: {  	s18 =	sld [smem:$0x3FDB];
	_ =	sdelay $0x1  }
0x99: {  	s19 =	simm.s32 $_scs_section_size  }
0x9a: {  	s4 =	simm.s32 $_size__tile_overlayer_lowered;
	s5 =	simm.s32 $_tile_overlayer_lowered  }
0x9b: {  	s22 =	simm.s32 $0x1BFF;
	s21 =	sshll.u32 s5, $0x1;
	s2 =	sadd.s32 s19, s18  }
0x9c: {  	s6 =	simm.s32 $0x0;
	s20 =	sshll.u32 s4, $0x1;
	s4 =	sadd.s32 s21, s2  }
0x9d: {  	[timem:s6], [sflag:s22] =	dma.local [hbm:s4], s20  }
0x9e: {  	_ =	swait.ge [sflag:s22], s20  }
0x9f: {  	s3 =	ssub.s32 $0x0, s20;
	[sflag:s22] =	ssyncset.done $0x0  }
0xa0: {  	[sflag:s22] =	ssyncadd.s32 s3;
	_ =	sdelay $0x1  }
0xa1: {  	s23 =	simm.s32 $0x1B8B  }
0xa2: {  	_ =	swait.ge [sflag:s23], $0x1  }
0xa3: {  	[sflag:s23] =	ssyncset.done $0x0  }
0xa4: {  	s25 =	simm.s32 $0x1B8E;
	s24 =	sld [smem:$0x3FFE];
	[sflag:s23] =	ssyncadd.s32 $0xFFFFFFFF  }
0xa5: {  	s26 =	simm.s32 $execute0_lowered;
	[smem:$0x3FD2] =	sst s25  }
0xa6: {  	s4 =	sshll.u32 s26, $0x1;
	_ =	strace $0x80000046;
	[dreg:$0x1] =	wrdreg $0xFFFFFFFF  }
0xa7: {  	s28 =	simm.s32 $_size_execute0_lowered;
	s2 =	sadd.s32 s2, s4;
	[dreg:$0x0] =	wrdreg $0x0  }
0xa8: {  	s4 =	sshll.u32 s28, $0x1;
	[dreg:$0x2] =	wrdreg s2  }
0xa9: {  	[dreg:$0x3] =	wrdreg s4  }
0xaa: {  	[dreg:$0x4] =	wrdreg $0xC0  }
0xab: {  	_ =	task [dreg:s6], $0x5FFFF  }
0xac: {  	[dreg:$0x1] =	wrdreg $0xFFFFFFFF  }
0xad: {  	[dreg:$0x0] =	wrdreg $0x60  }
0xae: {  	[dreg:$0x2] =	wrdreg s24  }
0xaf: {  	[dreg:$0x3] =	wrdreg $0x42800  }
0xb0: {  	[dreg:$0x4] =	wrdreg $0x9  }
0xb1: {  	_ =	task.clear_ibuf [dreg:s6], $0x5FFFF;
	_ =	strace $0x90000046  }
0xb2: {  	s29 =	simm.s32 $0x9;
	_ =	strace $0x80000048  }
0xb3: {  	_ =	swait.ge [sflag:s29], $0x1  }
0xb4: {  	[sflag:s29] =	ssyncadd.s32 $0xFFFFFFFF  }
0xb5: {  	_ =	strace $0x90000048  }
0xb6: {  	_ =	sfence  }
0xb7: {  	s30 =	sld [smem:$0x0];
	_ =	sdelay $0x2  }
0xb8: {  	s31 =	sshll.u32 s1, $0xD;
	s1 =	sshrl.u32 s1, $0x2  }
0xb9: {  	s3 =	sand.u32 $0x4000, s31;
	s1 =	sadd.s32 s1, s30  }
0xba: {  	s0 =	sor.u32 s3, s0;
	s1 =	sshll.u32 s1, $0x11  }
0xbb: {  	s0 =	sor.u32 s1, s0  }
0xbc: {  	s0 =	sadd.s32 $0x8F2B, s0  }
0xbd: {  	[sflag:s0] =	ssyncadd.remote.s32 $0x1  }
0xbe: {  	_ =	sfence.sel $0xFFFF  }
0xbf: {  	[dreg:$0x0] =	wrdreg $0xFFFFFFFF;
	(pc) =	sbr.abs _section_cstart, $3  }
0xc0: {  	[dreg:$0x1] =	wrdreg $0xFFFFFFFF  }
0xc1: {  	_ =	task.clear_ibuf [dreg:s6], $0x2FFFF;
	_ =	strace $0x9FFFFFFF  }
0xc2: {  	(tm) =	ssettm $0x7FFFFFFF  }
0xc3: {  	_ =	shalt  }
tec
execute0_lowered:
.L_overlay_start_1:
0x0: {  	(tag) =	ssettag $0x1  }
0x1: {  	s3 =	rddreg [dreg:$0x0]  }
0x2: {  	s1 =	rddreg [dreg:$0x1]  }
0x3: {  	s0 =	rddreg [dreg:$0x2]  }
0x4: {  	s2 =	simm.s32 $0x0;
	s4 =	srdreg.scid;
	s11 =	stileid.u32  }
0x5: {  	s10 =	simm.s32 $0x50;
	s13 =	simm.s32 $0x0;
	[smem:$0x7FF] =	sst s2  }
0x6: {  	s4 =	sand.u32 $0x1, s4;
	s7 =	smul.u32 $0x9C0, s11;
	s8 =	sshll.u32 s11, $0xC  }
0x7: {  	p1 =	sne.s32 s11, $0xF;
	p0 =	sne.s32 s11, $0x0;
	s11 =	simm.s32 $0x1  }
0x8: {  	_ =	strace $0x80000047;
	s5 =	sshll.u32 s4, $0xB;
	s6 =	sshll.u32 s4, $0x4  }
0x9: {  	s31 =	ssub.s32 $0x2, s4;
	s12 =	sshrl.u32 @!p0 s1, $0x3;
	s5 =	sadd.s32 s5, s3  }
0xa: {  	s6 =	sadd.s32 s6, s3;
	s4 =	sshrl.u32 s31, $0x1;
	s7 =	sshrl.u32 s7, $0x2  }
0xb: {  	s9 =	ssub.s32 s31, s4;
	s3 =	sadd.s32 s7, s1;
	s5 =	sadd.s32 s8, s5  }
0xc: {  	s4 =	sadd.s32 $0x2700, s1;
	s6 =	sadd.s32 $0x12400, s6;
	s8 =	simm.s32 $0x4000  }
0xd: {  	v0 =	vimm.f32 $0.0e+00;
	v1 =	vimm.f32 $1.000000000e+00;
	s5 =	sadd.s32 $0x2400, s5;
	s7 =	smax.u32 s9, $0x1;
	s9 =	simm.s32 $0x2  }
.LBB2_1:
0xe: {  	[tilespmem:$0x4000] =	vst v0  }
0xf: {  	[tilespmem:$0x4010] =	vst v0  }
0x10: {  	[tilespmem:$0x4020] =	vst v0  }
0x11: {  	[tilespmem:$0x4030] =	vst v0  }
0x12: {  	[tilespmem:$0x4040] =	vst v0  }
0x13: {  	[tilespmem:$0x4050] =	vst v0  }
0x14: {  	[tilespmem:$0x4060] =	vst v0  }
0x15: {  	[tilespmem:$0x4070] =	vst v0  }
0x16: {  	[tilespmem:$0x4080] =	vst v0  }
0x17: {  	[tilespmem:$0x4090] =	vst v0  }
0x18: {  	[tilespmem:$0x40A0] =	vst v0  }
0x19: {  	[tilespmem:$0x40B0] =	vst v0  }
0x1a: {  	[tilespmem:$0x40C0] =	vst v0  }
0x1b: {  	[tilespmem:$0x40D0] =	vst v0  }
0x1c: {  	[tilespmem:$0x40E0] =	vst v0  }
0x1d: {  	[tilespmem:$0x40F0] =	vst v0  }
0x1e: {  	[tilespmem:$0x4100] =	vst v0  }
0x1f: {  	[tilespmem:$0x4110] =	vst v0  }
0x20: {  	[tilespmem:$0x4120] =	vst v0  }
0x21: {  	[tilespmem:$0x4130] =	vst v0  }
0x22: {  	[tilespmem:$0x4140] =	vst v0  }
0x23: {  	[tilespmem:$0x4150] =	vst v0  }
0x24: {  	[tilespmem:$0x4160] =	vst v0  }
0x25: {  	[tilespmem:$0x4170] =	vst v0  }
0x26: {  	[tilespmem:$0x4180] =	vst v0  }
0x27: {  	[tilespmem:$0x4190] =	vst v0  }
0x28: {  	[tilespmem:$0x41A0] =	vst v0  }
0x29: {  	[tilespmem:$0x41B0] =	vst v0  }
0x2a: {  	[tilespmem:$0x41C0] =	vst v0  }
0x2b: {  	[tilespmem:$0x41D0] =	vst v0  }
0x2c: {  	[tilespmem:$0x41E0] =	vst v0  }
0x2d: {  	[tilespmem:$0x41F0] =	vst v0  }
0x2e: {  	[tilespmem:$0x4200] =	vst v0  }
0x2f: {  	[tilespmem:$0x4210] =	vst v0  }
0x30: {  	[tilespmem:$0x4220] =	vst v0  }
0x31: {  	[tilespmem:$0x4230] =	vst v0  }
0x32: {  	[tilespmem:$0x4240] =	vst v0  }
0x33: {  	[tilespmem:$0x4250] =	vst v0  }
0x34: {  	[tilespmem:$0x4260] =	vst v0  }
0x35: {  	[spmem:s3] =	stream.linear.scatter [tilespmem:s8], [sflag:$0x2], $0x270, $0x38;
	[tilespmem:$0x44F8] =	vst v63  }
0x36: {  	_ =	swait.ge [sflag:s9], $0x270  }
0x37: {  	[sflag:s9] =	ssyncset.done $0x0  }
0x38: {  	s14 =	simm.s32 @!p1 $0x4000;
	[sflag:s9] =	ssyncadd.s32 $0xFFFFFD90  }
0x39: {  	[spmem:s4] =	stream.linear.scatter @!p1 [tilespmem:s14], [sflag:$0x2], $0x10, $0x38;
	[tilespmem:$0x44F8] =	vst v63  }
0x3a: {  	s14 =	simm.s32 @!p1 $0x2  }
0x3b: {  	_ =	swait.ge @!p1 [sflag:s14], $0x10  }
0x3c: {  	[sflag:s14] =	ssyncset.done @!p1 $0x0  }
0x3d: {  	[sflag:s14] =	ssyncadd.s32 @!p1 $0xFFFFFFF0  }
0x3e: {  	[tilespmem:$0x4000] =	vst v1  }
0x3f: {  	[tilespmem:$0x4010] =	vst v1  }
0x40: {  	[tilespmem:$0x4020] =	vst v1  }
0x41: {  	[tilespmem:$0x4030] =	vst v1  }
0x42: {  	[tilespmem:$0x4040] =	vst v1  }
0x43: {  	[tilespmem:s2], [sflag:$0x2] =	stream.linear.gather [hbm4b:s5+s2], $0x3E80, $0x38;
	[tilespmem:$0x44F8] =	vst v63  }
0x44: {  	_ =	swait.ge [sflag:s9], $0x3E80  }
0x45: {  	[sflag:s9] =	ssyncset.done $0x0  }
0x46: {  	[sflag:s9] =	ssyncadd.s32 $0xFFFFC180  }
0x47: {  	[bflag:$0x0] =	sbarrier.arrive $0xFFFF  }
0x48: {  	[spmem:s1] =	stream.indirect.scatter.add.f32 [tilespmem:s8], [sflag:$0x1], $0x1, s2, s10, $0xb8;
	[tilespmem:$0x44F8] =	vst v63  }
0x49: {  	s30 =	simm.s32 $0x80  }
0x4a: {  	[spmem:s1] =	stream.indirect.scatter.add.f32 [tilespmem:s8], [sflag:$0x1], $0x1, s30, s10, $0xb8;
	[tilespmem:$0x44F8] =	vst v63  }
0x4b: {  	_ =	swait.ge [sflag:s11], $0x50  }
0x4c: {  	[sflag:s11] =	ssyncset.done $0x0  }
0x4d: {  	s31 =	simm.s32 $0x100;
	[sflag:s11] =	ssyncadd.s32 $0xFFFFFFB0  }
0x4e: {  	[spmem:s1] =	stream.indirect.scatter.add.f32 [tilespmem:s8], [sflag:$0x1], $0x1, s31, s10, $0xb8;
	[tilespmem:$0x44F8] =	vst v63  }
0x4f: {  	_ =	swait.ge [sflag:s11], $0x50  }
0x50: {  	s15 =	simm.s32 $0xFFFF1000;
	s14 =	simm.s32 $0xFFFFC300;
	[sflag:s11] =	ssyncset.done $0x0  }
.LBB2_2:
0x51: {  	s16 =	sadd.s32 $0x3E80, s14  }
0x52: {  	[sflag:s11] =	ssyncadd.s32 $0xFFFFFFB0;
	s17 =	smov.u32 s15;
	s18 =	sadd.s32 $0x400, s15  }
0x53: {  	[spmem:s1] =	stream.indirect.scatter.add.f32 [tilespmem:s8], [sflag:$0x1], $0x1, s16, s10, $0xb8;
	[tilespmem:$0x44F8] =	vst v63  }
0x54: {  	p2 =	sne.s32 s15, $0xFFFFFC00;
	_ =	swait.ge [sflag:s11], $0x50  }
.Ltmp0:
0x55: {  	[sflag:s11] =	ssyncset.done $0x0;
	(pc) =	sbr.rel @p2 .LBB2_2-.Ltmp0, $4  }
0x56: {  	s14 =	sadd.s32 $0x3F00, s14;
	[sflag:s11] =	ssyncadd.s32 $0xFFFFFFB0  }
0x57: {  	[spmem:s1] =	stream.indirect.scatter.add.f32 [tilespmem:s8], [sflag:$0x1], $0x1, s14, s10, $0xb8;
	[tilespmem:$0x44F8] =	vst v63  }
0x58: {  	_ =	swait.ge [sflag:s11], $0x50  }
0x59: {  	s15 =	smov.u32 s18;
	s14 =	sshra.s32 s17, $0x2;
	[sflag:s11] =	ssyncset.done $0x0  }
0x5a: {  	s15 =	sadd.s32 $0x3E80, s14;
	[sflag:s11] =	ssyncadd.s32 $0xFFFFFFB0  }
0x5b: {  	[spmem:s1] =	stream.indirect.scatter.add.f32 [tilespmem:s8], [sflag:$0x1], $0x1, s15, s10, $0xb8;
	[tilespmem:$0x44F8] =	vst v63  }
0x5c: {  	_ =	swait.ge [sflag:s11], $0x50  }
0x5d: {  	[sflag:s11] =	ssyncset.done $0x0  }
0x5e: {  	s31 =	sadd.s32 $0x3F00, s14;
	[sflag:s11] =	ssyncadd.s32 $0xFFFFFFB0  }
0x5f: {  	[spmem:s1] =	stream.indirect.scatter.add.f32 [tilespmem:s8], [sflag:$0x1], $0x1, s31, s10, $0xb8;
	[tilespmem:$0x44F8] =	vst v63  }
0x60: {  	_ =	swait.ge [sflag:s11], $0x50  }
0x61: {  	[sflag:s11] =	ssyncset.done $0x0  }
0x62: {  	[sflag:s11] =	ssyncadd.s32 $0xFFFFFFB0  }
0x63: {  	_ =	swait.ge [sflag:s11], $0x50  }
0x64: {  	s14 =	simm.s32 @!p0 $0x1;
	s16 =	simm.s32 @!p0 $0x10;
	[sflag:s11] =	ssyncset.done $0x0  }
0x65: {  	s17 =	simm.s32 @!p0 $0x1C02;
	s13 =	sadd.s32 $0x1, s13;
	[sflag:s11] =	ssyncadd.s32 $0xFFFFFFB0  }
0x66: {  	s15 =	simm.s32 @!p0 $0x20;
	p2 =	sne.s32 s13, s7;
	[bflag:$0x0] =	sbarrier.arrive $0xFFFF  }
0x67: {  	[hbm:s6@s15], [sflag:s17] =	dma.strided @!p0 [spmem:s12@s16], $0x4F0, s14, $0x10   }
.Ltmp1:
0x68: {  	_ = 	snop;
	(pc) =	sbr.rel @p2 .LBB2_1-.Ltmp1, $4  }
0x69: {  	s14 =	simm.s32 @!p0 $0x2  }
0x6a: {  	_ =	swait.ge @!p0 [sflag:s14], $0x4F0  }
0x6b: {  	[sflag:s14] =	ssyncset.done @!p0 $0x0  }
0x6c: {  	[sflag:s14] =	ssyncadd.s32 @!p0 $0xFFFFFB10  }
0x6d: {  	_ =	sfence.sel $0x180000  }
0x6e: {  	[bflag:$0x0] =	sbarrier.arrive $0xFFFF  }
0x6f: {  	_ =	strace $0x90000047  }
0x70: {  	s0 =	sadd.s32 @!p0 $0x100000, s0;
	[bflag:$0x2] =	sbarrier.arrive $0xFFFF  }
0x71: {  	[sflag:s0] =	ssyncadd.tile.s32 @!p0 $0x1;
	_ =	shalt  }
.Lfunc_end2:
_tile_overlayer_lowered:
.L_overlay_start_2:
0x72: {  	(tag) =	ssettag $0x2  }
0x73: {  	s0 =	rddreg [dreg:$0x0];
	s2 =	stileid.u32  }
0x74: {  	s1 =	rddreg [dreg:$0x1];
	p0 =	sne.s32 s2, $0x0  }
0x75: {  	s3 =	rddreg [dreg:$0x2];
	[bflag:$0x3] =	sbarrier.arrive $0xFFFF;
	s2 =	simm.s32 @!p0 $0x1C02  }
0x76: {  	[timem:s3], [sflag:s2] =	dma.local @!p0 [hbm:s0], s1  }
0x77: {  	s0 =	simm.s32 @!p0 $0x2  }
0x78: {  	_ =	swait.ge @!p0 [sflag:s0], s1  }
0x79: {  	s1 =	ssub.s32 @!p0 $0x0, s1;
	[sflag:s0] =	ssyncset.done @!p0 $0x0  }
0x7a: {  	[sflag:s0] =	ssyncadd.s32 @!p0 s1  }
0x7b: {  	[bflag:$0x3] =	sbarrier.arrive $0xFFFF  }
0x7c: {  	_ =	shalt  }

</sc_bundles>
